<compile_context>
chip_gen: v7x
topology: tpu7x:2x2x1
jax: 0.10.2.dev20260603
libtpu: 0.0.44.dev20260713+nightly
codegen_flags: <defaults>
</compile_context>

<pallas_src>
import functools

import jax
import jax.numpy as jnp
from jax import lax
from jax.experimental import pallas as pl
from jax.experimental.pallas import tpu as pltpu
from jax.experimental.pallas import tpu_sc as plsc

B, D, H, W, M = 4, 8, 512, 512, 500
HW = H * W
NI = B * M
PER_TILE = 128
NT = 16


def _body(out_hbm, ind_hbm, mask_hbm, tgt_hbm, part_hbm, res_hbm,
          ind_v, mask_v, maskf_v, base_v, tgt_v, idx2, pred2,
          accb, part_v, all_v, sem):
    w = lax.axis_index("s")
    start = pl.multiple_of(jnp.minimum(w * PER_TILE, NI - PER_TILE), 8)
    thresh = w * PER_TILE - start

    c1 = pltpu.async_copy(ind_hbm.at[pl.ds(start, PER_TILE)], ind_v, sem)
    c2 = pltpu.async_copy(mask_hbm.at[pl.ds(start, PER_TILE)], mask_v, sem)
    c3 = pltpu.async_copy(tgt_hbm.at[pl.ds(start * D, PER_TILE * D)], tgt_v,
                          sem)
    c1.wait()
    c2.wait()
    c3.wait()

    iota = lax.iota(jnp.int32, 16)
    half = iota // 8
    doff = (iota % 8) * HW
    start_v = jnp.full((16,), start, jnp.int32)
    thresh_v = jnp.full((16,), thresh, jnp.int32)

    for g in range(8):
        item = start_v + (g * 16 + iota)
        b = ((item >= M).astype(jnp.int32) + (item >= 2 * M).astype(jnp.int32)
             + (item >= 3 * M).astype(jnp.int32))
        base_v[pl.ds(g * 16, 16)] = b * (D * HW) + ind_v[pl.ds(g * 16, 16)]
        valid = (g * 16 + iota) >= thresh_v
        maskf_v[pl.ds(g * 16, 16)] = (
            mask_v[pl.ds(g * 16, 16)].astype(jnp.float32)
            * valid.astype(jnp.float32))

    for v in range(64):
        bse = plsc.load_gather(base_v, [v * 2 + half])
        idx2[v // 8, pl.ds((v % 8) * 16, 16)] = bse + doff

    gathers = [
        pltpu.async_copy(out_hbm.at[idx2.at[k]], pred2.at[k], sem)
        for k in range(8)
    ]
    for g in gathers:
        g.wait()

    numacc = jnp.zeros((16,), jnp.float32)
    for g in range(8):
        numacc = numacc + maskf_v[pl.ds(g * 16, 16)]

    acc = jnp.zeros((16,), jnp.float32)
    for v in range(64):
        p = pred2[v // 8, pl.ds((v % 8) * 16, 16)]
        t = tgt_v[pl.ds(v * 16, 16)]
        mf = plsc.load_gather(maskf_v, [v * 2 + half])
        acc = acc + mf * jnp.abs(p - t)

    accb[...] = acc
    lossv = acc + plsc.load_gather(accb, [(iota + 8) & 15])
    num_v = jnp.full((16,), jnp.sum(numacc), jnp.float32)
    zero_v = jnp.zeros((16,), jnp.float32)
    part_v[...] = jnp.where(iota < 8, lossv,
                            jnp.where(iota == 8, num_v, zero_v))
    pltpu.sync_copy(part_v, part_hbm.at[w])
    plsc.subcore_barrier()
    plsc.subcore_barrier()

    @pl.when(w == 0)
    def _():
        pltpu.async_copy(part_hbm, all_v, sem).wait()
        tot = jnp.zeros((16,), jnp.float32)
        for si in range(NT):
            tot = tot + all_v[si, pl.ds(0, 16)]
        accb[...] = tot
        numv = plsc.load_gather(accb, [jnp.full((16,), 8, jnp.int32)])
        part_v[...] = tot / jnp.maximum(numv,
                                        jnp.full((16,), 1.0, jnp.float32))
        pltpu.sync_copy(part_v.at[pl.ds(0, 8)], res_hbm)


@jax.jit
def _run(outflat, indflat, maskflat, tgtflat):
    mesh = plsc.VectorSubcoreMesh(
        core_axis_name="c", subcore_axis_name="s", num_cores=1)
    _, res = pl.kernel(
        _body,
        out_type=(jax.ShapeDtypeStruct((NT, 16), jnp.float32),
                  jax.ShapeDtypeStruct((D,), jnp.float32)),
        mesh=mesh,
        compiler_params=pltpu.CompilerParams(needs_layout_passes=False),
        scratch_types=[
            pltpu.VMEM((PER_TILE,), jnp.int32),
            pltpu.VMEM((PER_TILE,), jnp.int32),
            pltpu.VMEM((PER_TILE,), jnp.float32),
            pltpu.VMEM((PER_TILE,), jnp.int32),
            pltpu.VMEM((PER_TILE * D,), jnp.float32),
            pltpu.VMEM((8, PER_TILE), jnp.int32),
            pltpu.VMEM((8, PER_TILE), jnp.float32),
            pltpu.VMEM((16,), jnp.float32),
            pltpu.VMEM((16,), jnp.float32),
            pltpu.VMEM((NT, 16), jnp.float32),
            pltpu.SemaphoreType.DMA,
        ],
    )(outflat, indflat, maskflat, tgtflat)
    return res


def kernel(output, mask, ind, target):
    return _run(output.reshape(-1), ind.reshape(-1), mask.reshape(-1),
                target.reshape(-1))

# --- scband reference (transcript-rebuilt; emitter-appended) ---
"""Pipeline reference for scband-reg-loss-center-net-63067299775093 (READ-ONLY COPY).

The authoritative reference and input builder live on the scoring server;
editing this copy changes nothing except your own understanding.
"""

import jax, jax.numpy as jnp
import numpy as np

B, D, H, W, M = 4, 8, 512, 512, 500


def setup_inputs(seed: int = 0) -> dict:
    key = jax.random.key(seed)
    k1, k2, k3, k4 = jax.random.split(key, 4)
    output = jax.random.normal(k1, (B, D, H, W), dtype=jnp.float32)
    mask = jax.random.randint(k2, (B, M), 0, 2, dtype=jnp.int32)
    ind = jax.random.randint(k3, (B, M), 0, H * W, dtype=jnp.int32)
    target = jax.random.normal(k4, (B, M, D), dtype=jnp.float32)
    return {"output": output, "mask": mask, "ind": ind, "target": target}


def reference(output, mask, ind, target):
    # _transpose_and_gather_feat: (B, D, H, W) -> (B, H*W, D) -> gather along dim 1
    feat = jnp.transpose(output, (0, 2, 3, 1)).reshape(B, H * W, D)
    idx = jnp.broadcast_to(ind[:, :, None], (B, M, D))
    pred = jnp.take_along_axis(feat, idx, axis=1)  # (B, M, D)
    # _reg_loss
    num = jnp.sum(mask.astype(jnp.float32))
    m = mask[:, :, None].astype(jnp.float32) * (~jnp.isnan(target)).astype(jnp.float32)
    regr = pred * m
    gt = target * m
    loss = jnp.abs(regr - gt)
    # transpose(2,0) then sum over dims 2 and 1 == sum over batch and objects -> (D,)
    loss = jnp.sum(loss, axis=(0, 1))
    return loss / jnp.maximum(num, 1.0)

if __name__ == "__main__":
    import jax
    _d = setup_inputs()
    print(jax.jit(kernel)(*tuple(_d.values())))

</pallas_src>

<mosaic_0001>
#map = affine_map<(d0, d1) -> (0)>
#map1 = affine_map<(d0, d1) -> (0, 0)>
module attributes {stable_mosaic.version = 14 : i64} {
  func.func @_body(%arg0: i32, %arg1: i32, %arg2: memref<8388608xf32, #tpu.memory_space<hbm>>, %arg3: memref<2000xi32, #tpu.memory_space<hbm>>, %arg4: memref<2000xi32, #tpu.memory_space<hbm>>, %arg5: memref<16000xf32, #tpu.memory_space<hbm>>, %arg6: memref<16x16xf32, #tpu.memory_space<hbm>>, %arg7: memref<8xf32, #tpu.memory_space<hbm>>, %arg8: memref<128xi32, #tpu.memory_space<vmem>>, %arg9: memref<128xi32, #tpu.memory_space<vmem>>, %arg10: memref<128xf32, #tpu.memory_space<vmem>>, %arg11: memref<128xi32, #tpu.memory_space<vmem>>, %arg12: memref<1024xf32, #tpu.memory_space<vmem>>, %arg13: memref<8x128xi32, #tpu.memory_space<vmem>>, %arg14: memref<8x128xf32, #tpu.memory_space<vmem>>, %arg15: memref<16xf32, #tpu.memory_space<vmem>>, %arg16: memref<16xf32, #tpu.memory_space<vmem>>, %arg17: memref<16x16xf32, #tpu.memory_space<vmem>>, %arg18: memref<!tpu.dma_semaphore, #tpu.memory_space<semaphore_mem>>) attributes {dimension_semantics = [#tpu.dimension_semantics<core_parallel>, #tpu.dimension_semantics<subcore_parallel>], iteration_bounds = array<i64: 1, 16>, scalar_prefetch = 0 : i64, scratch_operands = 11 : i64, tpu.core_type = #tpu.core_type<sc_vector_subcore>, window_params = [{transform_indices = #map}, {transform_indices = #map}, {transform_indices = #map}, {transform_indices = #map}, {transform_indices = #map1}, {transform_indices = #map}]} {
    %mul3A = arith.constant 128 : i32
    %mul3A_0 = arith.muli %arg1, %mul3A : i32
    %min3A = arith.constant 1872 : i32
    %min3A_1 = arith.minsi %mul3A_0, %min3A : i32
    %multiple_of3A = tpu.assume_multiple %min3A_1, 8 : i32
    %mul3A_2 = arith.constant 128 : i32
    %mul3A_3 = arith.muli %arg1, %mul3A_2 : i32
    %sub3A = arith.subi %mul3A_3, %multiple_of3A : i32
    %dma_start3A = tpu.memref_slice %arg3[%multiple_of3A] : memref<2000xi32, #tpu.memory_space<hbm>> -> memref<128xi32, #tpu.memory_space<hbm>>
    %dma_start3A_4 = tpu.memref_slice %arg3[%multiple_of3A] : memref<2000xi32, #tpu.memory_space<hbm>> -> memref<128xi32, #tpu.memory_space<hbm>>
    tpu.enqueue_dma source(%dma_start3A_4 : memref<128xi32, #tpu.memory_space<hbm>>) target(%arg8 : memref<128xi32, #tpu.memory_space<vmem>>) target_semaphore(%arg18 : memref<!tpu.dma_semaphore, #tpu.memory_space<semaphore_mem>>)
    %dma_start3A_5 = tpu.memref_slice %arg4[%multiple_of3A] : memref<2000xi32, #tpu.memory_space<hbm>> -> memref<128xi32, #tpu.memory_space<hbm>>
    %dma_start3A_6 = tpu.memref_slice %arg4[%multiple_of3A] : memref<2000xi32, #tpu.memory_space<hbm>> -> memref<128xi32, #tpu.memory_space<hbm>>
    tpu.enqueue_dma source(%dma_start3A_6 : memref<128xi32, #tpu.memory_space<hbm>>) target(%arg9 : memref<128xi32, #tpu.memory_space<vmem>>) target_semaphore(%arg18 : memref<!tpu.dma_semaphore, #tpu.memory_space<semaphore_mem>>)
    %mul3A_7 = arith.constant 8 : i32
    %mul3A_8 = arith.muli %multiple_of3A, %mul3A_7 : i32
    %dma_start3A_9 = tpu.memref_slice %arg5[%mul3A_8] : memref<16000xf32, #tpu.memory_space<hbm>> -> memref<1024xf32, #tpu.memory_space<hbm>>
    %dma_start3A_10 = tpu.memref_slice %arg5[%mul3A_8] : memref<16000xf32, #tpu.memory_space<hbm>> -> memref<1024xf32, #tpu.memory_space<hbm>>
    tpu.enqueue_dma source(%dma_start3A_10 : memref<1024xf32, #tpu.memory_space<hbm>>) target(%arg12 : memref<1024xf32, #tpu.memory_space<vmem>>) target_semaphore(%arg18 : memref<!tpu.dma_semaphore, #tpu.memory_space<semaphore_mem>>)
    %dma_wait3A = tpu.memref_slice %arg3[%multiple_of3A] : memref<2000xi32, #tpu.memory_space<hbm>> -> memref<128xi32, #tpu.memory_space<hbm>>
    %dma_wait3A_11 = tpu.memref_slice %arg3[%multiple_of3A] : memref<2000xi32, #tpu.memory_space<hbm>> -> memref<128xi32, #tpu.memory_space<hbm>>
    tpu.wait_dma2 semaphore(%arg18 : memref<!tpu.dma_semaphore, #tpu.memory_space<semaphore_mem>>) src(%dma_wait3A_11 : memref<128xi32, #tpu.memory_space<hbm>>) dst(%arg8 : memref<128xi32, #tpu.memory_space<vmem>>)
    %dma_wait3A_12 = tpu.memref_slice %arg4[%multiple_of3A] : memref<2000xi32, #tpu.memory_space<hbm>> -> memref<128xi32, #tpu.memory_space<hbm>>
    %dma_wait3A_13 = tpu.memref_slice %arg4[%multiple_of3A] : memref<2000xi32, #tpu.memory_space<hbm>> -> memref<128xi32, #tpu.memory_space<hbm>>
    tpu.wait_dma2 semaphore(%arg18 : memref<!tpu.dma_semaphore, #tpu.memory_space<semaphore_mem>>) src(%dma_wait3A_13 : memref<128xi32, #tpu.memory_space<hbm>>) dst(%arg9 : memref<128xi32, #tpu.memory_space<vmem>>)
    %dma_wait3A_14 = tpu.memref_slice %arg5[%mul3A_8] : memref<16000xf32, #tpu.memory_space<hbm>> -> memref<1024xf32, #tpu.memory_space<hbm>>
    %dma_wait3A_15 = tpu.memref_slice %arg5[%mul3A_8] : memref<16000xf32, #tpu.memory_space<hbm>> -> memref<1024xf32, #tpu.memory_space<hbm>>
    tpu.wait_dma2 semaphore(%arg18 : memref<!tpu.dma_semaphore, #tpu.memory_space<semaphore_mem>>) src(%dma_wait3A_15 : memref<1024xf32, #tpu.memory_space<hbm>>) dst(%arg12 : memref<1024xf32, #tpu.memory_space<vmem>>)
    %iota3A = tpu.iota {dimensions = array<i32: 0>} : vector<16xi32>
    %jit3A = arith.constant 8 : i32
    %div3A = vector.broadcast %jit3A : i32 to vector<16xi32>
    %div3A_16 = arith.divsi %iota3A, %div3A : vector<16xi32>
    %sign3A = arith.constant 0 : i32
    %sign3A_17 = vector.broadcast %sign3A : i32 to vector<16xi32>
    %sign3A_18 = arith.cmpi sgt, %iota3A, %sign3A_17 : vector<16xi32>
    %sign3A_19 = arith.extui %sign3A_18 : vector<16xi1> to vector<16xi32>
    %sign3A_20 = arith.constant 0 : i32
    %sign3A_21 = vector.broadcast %sign3A_20 : i32 to vector<16xi32>
    %sign3A_22 = arith.cmpi slt, %iota3A, %sign3A_21 : vector<16xi32>
    %sign3A_23 = arith.extui %sign3A_22 : vector<16xi1> to vector<16xi32>
    %sign3A_24 = arith.subi %sign3A_19, %sign3A_23 : vector<16xi32>
    %sign3A_25 = arith.constant 0 : i32
    %sign3A_26 = arith.cmpi sgt, %jit3A, %sign3A_25 : i32
    %sign3A_27 = arith.extui %sign3A_26 : i1 to i32
    %sign3A_28 = arith.constant 0 : i32
    %sign3A_29 = arith.cmpi slt, %jit3A, %sign3A_28 : i32
    %sign3A_30 = arith.extui %sign3A_29 : i1 to i32
    %sign3A_31 = arith.subi %sign3A_27, %sign3A_30 : i32
    %ne3A = vector.broadcast %sign3A_31 : i32 to vector<16xi32>
    %ne3A_32 = arith.cmpi ne, %sign3A_24, %ne3A : vector<16xi32>
    %rem3A = vector.broadcast %jit3A : i32 to vector<16xi32>
    %rem3A_33 = arith.remsi %iota3A, %rem3A : vector<16xi32>
    %ne3A_34 = arith.constant 0 : i32
    %ne3A_35 = vector.broadcast %ne3A_34 : i32 to vector<16xi32>
    %ne3A_36 = arith.cmpi ne, %rem3A_33, %ne3A_35 : vector<16xi32>
    %and3A = arith.andi %ne3A_32, %ne3A_36 : vector<16xi1>
    %sub3A_37 = arith.constant 1 : i32
    %sub3A_38 = vector.broadcast %sub3A_37 : i32 to vector<16xi32>
    %sub3A_39 = arith.subi %div3A_16, %sub3A_38 : vector<16xi32>
    %select_n3A = arith.select %and3A, %sub3A_39, %div3A_16 : vector<16xi1>, vector<16xi32>
    %jit3A_40 = arith.constant 8 : i32
    %eq3A = arith.constant 0 : i32
    %eq3A_41 = arith.cmpi eq, %jit3A_40, %eq3A : i32
    %jit3A_42 = arith.constant 1 : i32
    %select_n3A_43 = arith.select %eq3A_41, %jit3A_42, %jit3A_40 : i32
    %rem3A_44 = vector.broadcast %select_n3A_43 : i32 to vector<16xi32>
    %rem3A_45 = arith.remsi %iota3A, %rem3A_44 : vector<16xi32>
    %ne3A_46 = arith.constant 0 : i32
    %ne3A_47 = vector.broadcast %ne3A_46 : i32 to vector<16xi32>
    %ne3A_48 = arith.cmpi ne, %rem3A_45, %ne3A_47 : vector<16xi32>
    %lt3A = arith.constant 0 : i32
    %lt3A_49 = vector.broadcast %lt3A : i32 to vector<16xi32>
    %lt3A_50 = arith.cmpi slt, %rem3A_45, %lt3A_49 : vector<16xi32>
    %lt3A_51 = arith.constant 0 : i32
    %lt3A_52 = arith.cmpi slt, %select_n3A_43, %lt3A_51 : i32
    %ne3A_53 = vector.broadcast %lt3A_52 : i1 to vector<16xi1>
    %ne3A_54 = vector.broadcast %ne3A_53 : vector<16xi1> to vector<16xi1>
    %ne3A_55 = arith.xori %lt3A_50, %ne3A_54 : vector<16xi1>
    %and3A_56 = arith.andi %ne3A_55, %ne3A_48 : vector<16xi1>
    %add3A = vector.broadcast %select_n3A_43 : i32 to vector<16xi32>
    %add3A_57 = arith.addi %rem3A_45, %add3A : vector<16xi32>
    %select_n3A_58 = arith.select %and3A_56, %add3A_57, %rem3A_45 : vector<16xi1>, vector<16xi32>
    %mul3A_59 = arith.constant 262144 : i32
    %mul3A_60 = vector.broadcast %mul3A_59 : i32 to vector<16xi32>
    %mul3A_61 = arith.muli %select_n3A_58, %mul3A_60 : vector<16xi32>
    %broadcast_in_dim3A = vector.broadcast %multiple_of3A : i32 to vector<16xi32>
    %broadcast_in_dim3A_62 = vector.broadcast %sub3A : i32 to vector<16xi32>
    %add3A_63 = arith.constant 0 : i32
    %add3A_64 = vector.broadcast %add3A_63 : i32 to vector<16xi32>
    %add3A_65 = arith.addi %add3A_64, %iota3A : vector<16xi32>
    %add3A_66 = arith.addi %broadcast_in_dim3A, %add3A_65 : vector<16xi32>
    %ge3A = arith.constant 500 : i32
    %ge3A_67 = vector.broadcast %ge3A : i32 to vector<16xi32>
    %ge3A_68 = arith.cmpi sge, %add3A_66, %ge3A_67 : vector<16xi32>
    %convert_element_type3A = arith.extui %ge3A_68 : vector<16xi1> to vector<16xi32>
    %ge3A_69 = arith.constant 1000 : i32
    %ge3A_70 = vector.broadcast %ge3A_69 : i32 to vector<16xi32>
    %ge3A_71 = arith.cmpi sge, %add3A_66, %ge3A_70 : vector<16xi32>
    %convert_element_type3A_72 = arith.extui %ge3A_71 : vector<16xi1> to vector<16xi32>
    %add3A_73 = arith.addi %convert_element_type3A, %convert_element_type3A_72 : vector<16xi32>
    %ge3A_74 = arith.constant 1500 : i32
    %ge3A_75 = vector.broadcast %ge3A_74 : i32 to vector<16xi32>
    %ge3A_76 = arith.cmpi sge, %add3A_66, %ge3A_75 : vector<16xi32>
    %convert_element_type3A_77 = arith.extui %ge3A_76 : vector<16xi1> to vector<16xi32>
    %add3A_78 = arith.addi %add3A_73, %convert_element_type3A_77 : vector<16xi32>
    %mul3A_79 = arith.constant 2097152 : i32
    %mul3A_80 = vector.broadcast %mul3A_79 : i32 to vector<16xi32>
    %mul3A_81 = arith.muli %add3A_78, %mul3A_80 : vector<16xi32>
    %get3A = arith.constant 0 : index
    %get3A_82 = tpu.vector_load %arg8[%get3A] {strides = array<i32>} : memref<128xi32, #tpu.memory_space<vmem>>, vector<16xi32>,
    %add3A_83 = arith.addi %mul3A_81, %get3A_82 : vector<16xi32>
    %swap3A = arith.constant 0 : index
    %swap3A_84 = tpu.vector_load %arg11[%swap3A] {strides = array<i32>} : memref<128xi32, #tpu.memory_space<vmem>>, vector<16xi32>,
    tpu.vector_store %arg11[%swap3A], %add3A_83 {strides = array<i32>} : memref<128xi32, #tpu.memory_space<vmem>>, vector<16xi32>,
    %add3A_85 = arith.constant 0 : i32
    %add3A_86 = vector.broadcast %add3A_85 : i32 to vector<16xi32>
    %add3A_87 = arith.addi %add3A_86, %iota3A : vector<16xi32>
    %ge3A_88 = arith.cmpi sge, %add3A_87, %broadcast_in_dim3A_62 : vector<16xi32>
    %get3A_89 = arith.constant 0 : index
    %get3A_90 = tpu.vector_load %arg9[%get3A_89] {strides = array<i32>} : memref<128xi32, #tpu.memory_space<vmem>>, vector<16xi32>,
    %convert_element_type3A_91 = arith.sitofp %get3A_90 : vector<16xi32> to vector<16xf32>
    %convert_element_type3A_92 = arith.extui %ge3A_88 : vector<16xi1> to vector<16xi32>
    %convert_element_type3A_93 = arith.sitofp %convert_element_type3A_92 : vector<16xi32> to vector<16xf32>
    %mul3A_94 = arith.mulf %convert_element_type3A_91, %convert_element_type3A_93 : vector<16xf32>
    %swap3A_95 = arith.constant 0 : index
    %swap3A_96 = tpu.vector_load %arg10[%swap3A_95] {strides = array<i32>} : memref<128xf32, #tpu.memory_space<vmem>>, vector<16xf32>,
    tpu.vector_store %arg10[%swap3A_95], %mul3A_94 {strides = array<i32>} : memref<128xf32, #tpu.memory_space<vmem>>, vector<16xf32>,
    %add3A_97 = arith.constant 16 : i32
    %add3A_98 = vector.broadcast %add3A_97 : i32 to vector<16xi32>
    %add3A_99 = arith.addi %add3A_98, %iota3A : vector<16xi32>
    %add3A_100 = arith.addi %broadcast_in_dim3A, %add3A_99 : vector<16xi32>
    %ge3A_101 = arith.constant 500 : i32
    %ge3A_102 = vector.broadcast %ge3A_101 : i32 to vector<16xi32>
    %ge3A_103 = arith.cmpi sge, %add3A_100, %ge3A_102 : vector<16xi32>
    %convert_element_type3A_104 = arith.extui %ge3A_103 : vector<16xi1> to vector<16xi32>
    %ge3A_105 = arith.constant 1000 : i32
    %ge3A_106 = vector.broadcast %ge3A_105 : i32 to vector<16xi32>
    %ge3A_107 = arith.cmpi sge, %add3A_100, %ge3A_106 : vector<16xi32>
    %convert_element_type3A_108 = arith.extui %ge3A_107 : vector<16xi1> to vector<16xi32>
    %add3A_109 = arith.addi %convert_element_type3A_104, %convert_element_type3A_108 : vector<16xi32>
    %ge3A_110 = arith.constant 1500 : i32
    %ge3A_111 = vector.broadcast %ge3A_110 : i32 to vector<16xi32>
    %ge3A_112 = arith.cmpi sge, %add3A_100, %ge3A_111 : vector<16xi32>
    %convert_element_type3A_113 = arith.extui %ge3A_112 : vector<16xi1> to vector<16xi32>
    %add3A_114 = arith.addi %add3A_109, %convert_element_type3A_113 : vector<16xi32>
    %mul3A_115 = arith.constant 2097152 : i32
    %mul3A_116 = vector.broadcast %mul3A_115 : i32 to vector<16xi32>
    %mul3A_117 = arith.muli %add3A_114, %mul3A_116 : vector<16xi32>
    %get3A_118 = arith.constant 16 : index
    %get3A_119 = tpu.vector_load %arg8[%get3A_118] {strides = array<i32>} : memref<128xi32, #tpu.memory_space<vmem>>, vector<16xi32>,
    %add3A_120 = arith.addi %mul3A_117, %get3A_119 : vector<16xi32>
    %swap3A_121 = arith.constant 16 : index
    %swap3A_122 = tpu.vector_load %arg11[%swap3A_121] {strides = array<i32>} : memref<128xi32, #tpu.memory_space<vmem>>, vector<16xi32>,
    tpu.vector_store %arg11[%swap3A_121], %add3A_120 {strides = array<i32>} : memref<128xi32, #tpu.memory_space<vmem>>, vector<16xi32>,
    %add3A_123 = arith.constant 16 : i32
    %add3A_124 = vector.broadcast %add3A_123 : i32 to vector<16xi32>
    %add3A_125 = arith.addi %add3A_124, %iota3A : vector<16xi32>
    %ge3A_126 = arith.cmpi sge, %add3A_125, %broadcast_in_dim3A_62 : vector<16xi32>
    %get3A_127 = arith.constant 16 : index
    %get3A_128 = tpu.vector_load %arg9[%get3A_127] {strides = array<i32>} : memref<128xi32, #tpu.memory_space<vmem>>, vector<16xi32>,
    %convert_element_type3A_129 = arith.sitofp %get3A_128 : vector<16xi32> to vector<16xf32>
    %convert_element_type3A_130 = arith.extui %ge3A_126 : vector<16xi1> to vector<16xi32>
    %convert_element_type3A_131 = arith.sitofp %convert_element_type3A_130 : vector<16xi32> to vector<16xf32>
    %mul3A_132 = arith.mulf %convert_element_type3A_129, %convert_element_type3A_131 : vector<16xf32>
    %swap3A_133 = arith.constant 16 : index
    %swap3A_134 = tpu.vector_load %arg10[%swap3A_133] {strides = array<i32>} : memref<128xf32, #tpu.memory_space<vmem>>, vector<16xf32>,
    tpu.vector_store %arg10[%swap3A_133], %mul3A_132 {strides = array<i32>} : memref<128xf32, #tpu.memory_space<vmem>>, vector<16xf32>,
    %add3A_135 = arith.constant 32 : i32
    %add3A_136 = vector.broadcast %add3A_135 : i32 to vector<16xi32>
    %add3A_137 = arith.addi %add3A_136, %iota3A : vector<16xi32>
    %add3A_138 = arith.addi %broadcast_in_dim3A, %add3A_137 : vector<16xi32>
    %ge3A_139 = arith.constant 500 : i32
    %ge3A_140 = vector.broadcast %ge3A_139 : i32 to vector<16xi32>
    %ge3A_141 = arith.cmpi sge, %add3A_138, %ge3A_140 : vector<16xi32>
    %convert_element_type3A_142 = arith.extui %ge3A_141 : vector<16xi1> to vector<16xi32>
    %ge3A_143 = arith.constant 1000 : i32
    %ge3A_144 = vector.broadcast %ge3A_143 : i32 to vector<16xi32>
    %ge3A_145 = arith.cmpi sge, %add3A_138, %ge3A_144 : vector<16xi32>
    %convert_element_type3A_146 = arith.extui %ge3A_145 : vector<16xi1> to vector<16xi32>
    %add3A_147 = arith.addi %convert_element_type3A_142, %convert_element_type3A_146 : vector<16xi32>
    %ge3A_148 = arith.constant 1500 : i32
    %ge3A_149 = vector.broadcast %ge3A_148 : i32 to vector<16xi32>
    %ge3A_150 = arith.cmpi sge, %add3A_138, %ge3A_149 : vector<16xi32>
    %convert_element_type3A_151 = arith.extui %ge3A_150 : vector<16xi1> to vector<16xi32>
    %add3A_152 = arith.addi %add3A_147, %convert_element_type3A_151 : vector<16xi32>
    %mul3A_153 = arith.constant 2097152 : i32
    %mul3A_154 = vector.broadcast %mul3A_153 : i32 to vector<16xi32>
    %mul3A_155 = arith.muli %add3A_152, %mul3A_154 : vector<16xi32>
    %get3A_156 = arith.constant 32 : index
    %get3A_157 = tpu.vector_load %arg8[%get3A_156] {strides = array<i32>} : memref<128xi32, #tpu.memory_space<vmem>>, vector<16xi32>,
    %add3A_158 = arith.addi %mul3A_155, %get3A_157 : vector<16xi32>
    %swap3A_159 = arith.constant 32 : index
    %swap3A_160 = tpu.vector_load %arg11[%swap3A_159] {strides = array<i32>} : memref<128xi32, #tpu.memory_space<vmem>>, vector<16xi32>,
    tpu.vector_store %arg11[%swap3A_159], %add3A_158 {strides = array<i32>} : memref<128xi32, #tpu.memory_space<vmem>>, vector<16xi32>,
    %add3A_161 = arith.constant 32 : i32
    %add3A_162 = vector.broadcast %add3A_161 : i32 to vector<16xi32>
    %add3A_163 = arith.addi %add3A_162, %iota3A : vector<16xi32>
    %ge3A_164 = arith.cmpi sge, %add3A_163, %broadcast_in_dim3A_62 : vector<16xi32>
    %get3A_165 = arith.constant 32 : index
    %get3A_166 = tpu.vector_load %arg9[%get3A_165] {strides = array<i32>} : memref<128xi32, #tpu.memory_space<vmem>>, vector<16xi32>,
    %convert_element_type3A_167 = arith.sitofp %get3A_166 : vector<16xi32> to vector<16xf32>
    %convert_element_type3A_168 = arith.extui %ge3A_164 : vector<16xi1> to vector<16xi32>
    %convert_element_type3A_169 = arith.sitofp %convert_element_type3A_168 : vector<16xi32> to vector<16xf32>
    %mul3A_170 = arith.mulf %convert_element_type3A_167, %convert_element_type3A_169 : vector<16xf32>
    %swap3A_171 = arith.constant 32 : index
    %swap3A_172 = tpu.vector_load %arg10[%swap3A_171] {strides = array<i32>} : memref<128xf32, #tpu.memory_space<vmem>>, vector<16xf32>,
    tpu.vector_store %arg10[%swap3A_171], %mul3A_170 {strides = array<i32>} : memref<128xf32, #tpu.memory_space<vmem>>, vector<16xf32>,
    %add3A_173 = arith.constant 48 : i32
    %add3A_174 = vector.broadcast %add3A_173 : i32 to vector<16xi32>
    %add3A_175 = arith.addi %add3A_174, %iota3A : vector<16xi32>
    %add3A_176 = arith.addi %broadcast_in_dim3A, %add3A_175 : vector<16xi32>
    %ge3A_177 = arith.constant 500 : i32
    %ge3A_178 = vector.broadcast %ge3A_177 : i32 to vector<16xi32>
    %ge3A_179 = arith.cmpi sge, %add3A_176, %ge3A_178 : vector<16xi32>
    %convert_element_type3A_180 = arith.extui %ge3A_179 : vector<16xi1> to vector<16xi32>
    %ge3A_181 = arith.constant 1000 : i32
    %ge3A_182 = vector.broadcast %ge3A_181 : i32 to vector<16xi32>
    %ge3A_183 = arith.cmpi sge, %add3A_176, %ge3A_182 : vector<16xi32>
    %convert_element_type3A_184 = arith.extui %ge3A_183 : vector<16xi1> to vector<16xi32>
    %add3A_185 = arith.addi %convert_element_type3A_180, %convert_element_type3A_184 : vector<16xi32>
    %ge3A_186 = arith.constant 1500 : i32
    %ge3A_187 = vector.broadcast %ge3A_186 : i32 to vector<16xi32>
    %ge3A_188 = arith.cmpi sge, %add3A_176, %ge3A_187 : vector<16xi32>
    %convert_element_type3A_189 = arith.extui %ge3A_188 : vector<16xi1> to vector<16xi32>
    %add3A_190 = arith.addi %add3A_185, %convert_element_type3A_189 : vector<16xi32>
    %mul3A_191 = arith.constant 2097152 : i32
    %mul3A_192 = vector.broadcast %mul3A_191 : i32 to vector<16xi32>
    %mul3A_193 = arith.muli %add3A_190, %mul3A_192 : vector<16xi32>
    %get3A_194 = arith.constant 48 : index
    %get3A_195 = tpu.vector_load %arg8[%get3A_194] {strides = array<i32>} : memref<128xi32, #tpu.memory_space<vmem>>, vector<16xi32>,
    %add3A_196 = arith.addi %mul3A_193, %get3A_195 : vector<16xi32>
    %swap3A_197 = arith.constant 48 : index
    %swap3A_198 = tpu.vector_load %arg11[%swap3A_197] {strides = array<i32>} : memref<128xi32, #tpu.memory_space<vmem>>, vector<16xi32>,
    tpu.vector_store %arg11[%swap3A_197], %add3A_196 {strides = array<i32>} : memref<128xi32, #tpu.memory_space<vmem>>, vector<16xi32>,
    %add3A_199 = arith.constant 48 : i32
    %add3A_200 = vector.broadcast %add3A_199 : i32 to vector<16xi32>
    %add3A_201 = arith.addi %add3A_200, %iota3A : vector<16xi32>
    %ge3A_202 = arith.cmpi sge, %add3A_201, %broadcast_in_dim3A_62 : vector<16xi32>
    %get3A_203 = arith.constant 48 : index
    %get3A_204 = tpu.vector_load %arg9[%get3A_203] {strides = array<i32>} : memref<128xi32, #tpu.memory_space<vmem>>, vector<16xi32>,
    %convert_element_type3A_205 = arith.sitofp %get3A_204 : vector<16xi32> to vector<16xf32>
    %convert_element_type3A_206 = arith.extui %ge3A_202 : vector<16xi1> to vector<16xi32>
    %convert_element_type3A_207 = arith.sitofp %convert_element_type3A_206 : vector<16xi32> to vector<16xf32>
    %mul3A_208 = arith.mulf %convert_element_type3A_205, %convert_element_type3A_207 : vector<16xf32>
    %swap3A_209 = arith.constant 48 : index
    %swap3A_210 = tpu.vector_load %arg10[%swap3A_209] {strides = array<i32>} : memref<128xf32, #tpu.memory_space<vmem>>, vector<16xf32>,
    tpu.vector_store %arg10[%swap3A_209], %mul3A_208 {strides = array<i32>} : memref<128xf32, #tpu.memory_space<vmem>>, vector<16xf32>,
    %add3A_211 = arith.constant 64 : i32
    %add3A_212 = vector.broadcast %add3A_211 : i32 to vector<16xi32>
    %add3A_213 = arith.addi %add3A_212, %iota3A : vector<16xi32>
    %add3A_214 = arith.addi %broadcast_in_dim3A, %add3A_213 : vector<16xi32>
    %ge3A_215 = arith.constant 500 : i32
    %ge3A_216 = vector.broadcast %ge3A_215 : i32 to vector<16xi32>
    %ge3A_217 = arith.cmpi sge, %add3A_214, %ge3A_216 : vector<16xi32>
    %convert_element_type3A_218 = arith.extui %ge3A_217 : vector<16xi1> to vector<16xi32>
    %ge3A_219 = arith.constant 1000 : i32
    %ge3A_220 = vector.broadcast %ge3A_219 : i32 to vector<16xi32>
    %ge3A_221 = arith.cmpi sge, %add3A_214, %ge3A_220 : vector<16xi32>
    %convert_element_type3A_222 = arith.extui %ge3A_221 : vector<16xi1> to vector<16xi32>
    %add3A_223 = arith.addi %convert_element_type3A_218, %convert_element_type3A_222 : vector<16xi32>
    %ge3A_224 = arith.constant 1500 : i32
    %ge3A_225 = vector.broadcast %ge3A_224 : i32 to vector<16xi32>
    %ge3A_226 = arith.cmpi sge, %add3A_214, %ge3A_225 : vector<16xi32>
    %convert_element_type3A_227 = arith.extui %ge3A_226 : vector<16xi1> to vector<16xi32>
    %add3A_228 = arith.addi %add3A_223, %convert_element_type3A_227 : vector<16xi32>
    %mul3A_229 = arith.constant 2097152 : i32
    %mul3A_230 = vector.broadcast %mul3A_229 : i32 to vector<16xi32>
    %mul3A_231 = arith.muli %add3A_228, %mul3A_230 : vector<16xi32>
    %get3A_232 = arith.constant 64 : index
    %get3A_233 = tpu.vector_load %arg8[%get3A_232] {strides = array<i32>} : memref<128xi32, #tpu.memory_space<vmem>>, vector<16xi32>,
    %add3A_234 = arith.addi %mul3A_231, %get3A_233 : vector<16xi32>
    %swap3A_235 = arith.constant 64 : index
    %swap3A_236 = tpu.vector_load %arg11[%swap3A_235] {strides = array<i32>} : memref<128xi32, #tpu.memory_space<vmem>>, vector<16xi32>,
    tpu.vector_store %arg11[%swap3A_235], %add3A_234 {strides = array<i32>} : memref<128xi32, #tpu.memory_space<vmem>>, vector<16xi32>,
    %add3A_237 = arith.constant 64 : i32
    %add3A_238 = vector.broadcast %add3A_237 : i32 to vector<16xi32>
    %add3A_239 = arith.addi %add3A_238, %iota3A : vector<16xi32>
    %ge3A_240 = arith.cmpi sge, %add3A_239, %broadcast_in_dim3A_62 : vector<16xi32>
    %get3A_241 = arith.constant 64 : index
    %get3A_242 = tpu.vector_load %arg9[%get3A_241] {strides = array<i32>} : memref<128xi32, #tpu.memory_space<vmem>>, vector<16xi32>,
    %convert_element_type3A_243 = arith.sitofp %get3A_242 : vector<16xi32> to vector<16xf32>
    %convert_element_type3A_244 = arith.extui %ge3A_240 : vector<16xi1> to vector<16xi32>
    %convert_element_type3A_245 = arith.sitofp %convert_element_type3A_244 : vector<16xi32> to vector<16xf32>
    %mul3A_246 = arith.mulf %convert_element_type3A_243, %convert_element_type3A_245 : vector<16xf32>
    %swap3A_247 = arith.constant 64 : index
    %swap3A_248 = tpu.vector_load %arg10[%swap3A_247] {strides = array<i32>} : memref<128xf32, #tpu.memory_space<vmem>>, vector<16xf32>,
    tpu.vector_store %arg10[%swap3A_247], %mul3A_246 {strides = array<i32>} : memref<128xf32, #tpu.memory_space<vmem>>, vector<16xf32>,
    %add3A_249 = arith.constant 80 : i32
    %add3A_250 = vector.broadcast %add3A_249 : i32 to vector<16xi32>
    %add3A_251 = arith.addi %add3A_250, %iota3A : vector<16xi32>
    %add3A_252 = arith.addi %broadcast_in_dim3A, %add3A_251 : vector<16xi32>
    %ge3A_253 = arith.constant 500 : i32
    %ge3A_254 = vector.broadcast %ge3A_253 : i32 to vector<16xi32>
    %ge3A_255 = arith.cmpi sge, %add3A_252, %ge3A_254 : vector<16xi32>
    %convert_element_type3A_256 = arith.extui %ge3A_255 : vector<16xi1> to vector<16xi32>
    %ge3A_257 = arith.constant 1000 : i32
    %ge3A_258 = vector.broadcast %ge3A_257 : i32 to vector<16xi32>
    %ge3A_259 = arith.cmpi sge, %add3A_252, %ge3A_258 : vector<16xi32>
    %convert_element_type3A_260 = arith.extui %ge3A_259 : vector<16xi1> to vector<16xi32>
    %add3A_261 = arith.addi %convert_element_type3A_256, %convert_element_type3A_260 : vector<16xi32>
    %ge3A_262 = arith.constant 1500 : i32
    %ge3A_263 = vector.broadcast %ge3A_262 : i32 to vector<16xi32>
    %ge3A_264 = arith.cmpi sge, %add3A_252, %ge3A_263 : vector<16xi32>
    %convert_element_type3A_265 = arith.extui %ge3A_264 : vector<16xi1> to vector<16xi32>
    %add3A_266 = arith.addi %add3A_261, %convert_element_type3A_265 : vector<16xi32>
    %mul3A_267 = arith.constant 2097152 : i32
    %mul3A_268 = vector.broadcast %mul3A_267 : i32 to vector<16xi32>
    %mul3A_269 = arith.muli %add3A_266, %mul3A_268 : vector<16xi32>
    %get3A_270 = arith.constant 80 : index
    %get3A_271 = tpu.vector_load %arg8[%get3A_270] {strides = array<i32>} : memref<128xi32, #tpu.memory_space<vmem>>, vector<16xi32>,
    %add3A_272 = arith.addi %mul3A_269, %get3A_271 : vector<16xi32>
    %swap3A_273 = arith.constant 80 : index
    %swap3A_274 = tpu.vector_load %arg11[%swap3A_273] {strides = array<i32>} : memref<128xi32, #tpu.memory_space<vmem>>, vector<16xi32>,
    tpu.vector_store %arg11[%swap3A_273], %add3A_272 {strides = array<i32>} : memref<128xi32, #tpu.memory_space<vmem>>, vector<16xi32>,
    %add3A_275 = arith.constant 80 : i32
    %add3A_276 = vector.broadcast %add3A_275 : i32 to vector<16xi32>
    %add3A_277 = arith.addi %add3A_276, %iota3A : vector<16xi32>
    %ge3A_278 = arith.cmpi sge, %add3A_277, %broadcast_in_dim3A_62 : vector<16xi32>
    %get3A_279 = arith.constant 80 : index
    %get3A_280 = tpu.vector_load %arg9[%get3A_279] {strides = array<i32>} : memref<128xi32, #tpu.memory_space<vmem>>, vector<16xi32>,
    %convert_element_type3A_281 = arith.sitofp %get3A_280 : vector<16xi32> to vector<16xf32>
    %convert_element_type3A_282 = arith.extui %ge3A_278 : vector<16xi1> to vector<16xi32>
    %convert_element_type3A_283 = arith.sitofp %convert_element_type3A_282 : vector<16xi32> to vector<16xf32>
    %mul3A_284 = arith.mulf %convert_element_type3A_281, %convert_element_type3A_283 : vector<16xf32>
    %swap3A_285 = arith.constant 80 : index
    %swap3A_286 = tpu.vector_load %arg10[%swap3A_285] {strides = array<i32>} : memref<128xf32, #tpu.memory_space<vmem>>, vector<16xf32>,
    tpu.vector_store %arg10[%swap3A_285], %mul3A_284 {strides = array<i32>} : memref<128xf32, #tpu.memory_space<vmem>>, vector<16xf32>,
    %add3A_287 = arith.constant 96 : i32
    %add3A_288 = vector.broadcast %add3A_287 : i32 to vector<16xi32>
    %add3A_289 = arith.addi %add3A_288, %iota3A : vector<16xi32>
    %add3A_290 = arith.addi %broadcast_in_dim3A, %add3A_289 : vector<16xi32>
    %ge3A_291 = arith.constant 500 : i32
    %ge3A_292 = vector.broadcast %ge3A_291 : i32 to vector<16xi32>
    %ge3A_293 = arith.cmpi sge, %add3A_290, %ge3A_292 : vector<16xi32>
    %convert_element_type3A_294 = arith.extui %ge3A_293 : vector<16xi1> to vector<16xi32>
    %ge3A_295 = arith.constant 1000 : i32
    %ge3A_296 = vector.broadcast %ge3A_295 : i32 to vector<16xi32>
    %ge3A_297 = arith.cmpi sge, %add3A_290, %ge3A_296 : vector<16xi32>
    %convert_element_type3A_298 = arith.extui %ge3A_297 : vector<16xi1> to vector<16xi32>
    %add3A_299 = arith.addi %convert_element_type3A_294, %convert_element_type3A_298 : vector<16xi32>
    %ge3A_300 = arith.constant 1500 : i32
    %ge3A_301 = vector.broadcast %ge3A_300 : i32 to vector<16xi32>
    %ge3A_302 = arith.cmpi sge, %add3A_290, %ge3A_301 : vector<16xi32>
    %convert_element_type3A_303 = arith.extui %ge3A_302 : vector<16xi1> to vector<16xi32>
    %add3A_304 = arith.addi %add3A_299, %convert_element_type3A_303 : vector<16xi32>
    %mul3A_305 = arith.constant 2097152 : i32
    %mul3A_306 = vector.broadcast %mul3A_305 : i32 to vector<16xi32>
    %mul3A_307 = arith.muli %add3A_304, %mul3A_306 : vector<16xi32>
    %get3A_308 = arith.constant 96 : index
    %get3A_309 = tpu.vector_load %arg8[%get3A_308] {strides = array<i32>} : memref<128xi32, #tpu.memory_space<vmem>>, vector<16xi32>,
    %add3A_310 = arith.addi %mul3A_307, %get3A_309 : vector<16xi32>
    %swap3A_311 = arith.constant 96 : index
    %swap3A_312 = tpu.vector_load %arg11[%swap3A_311] {strides = array<i32>} : memref<128xi32, #tpu.memory_space<vmem>>, vector<16xi32>,
    tpu.vector_store %arg11[%swap3A_311], %add3A_310 {strides = array<i32>} : memref<128xi32, #tpu.memory_space<vmem>>, vector<16xi32>,
    %add3A_313 = arith.constant 96 : i32
    %add3A_314 = vector.broadcast %add3A_313 : i32 to vector<16xi32>
    %add3A_315 = arith.addi %add3A_314, %iota3A : vector<16xi32>
    %ge3A_316 = arith.cmpi sge, %add3A_315, %broadcast_in_dim3A_62 : vector<16xi32>
    %get3A_317 = arith.constant 96 : index
    %get3A_318 = tpu.vector_load %arg9[%get3A_317] {strides = array<i32>} : memref<128xi32, #tpu.memory_space<vmem>>, vector<16xi32>,
    %convert_element_type3A_319 = arith.sitofp %get3A_318 : vector<16xi32> to vector<16xf32>
    %convert_element_type3A_320 = arith.extui %ge3A_316 : vector<16xi1> to vector<16xi32>
    %convert_element_type3A_321 = arith.sitofp %convert_element_type3A_320 : vector<16xi32> to vector<16xf32>
    %mul3A_322 = arith.mulf %convert_element_type3A_319, %convert_element_type3A_321 : vector<16xf32>
    %swap3A_323 = arith.constant 96 : index
    %swap3A_324 = tpu.vector_load %arg10[%swap3A_323] {strides = array<i32>} : memref<128xf32, #tpu.memory_space<vmem>>, vector<16xf32>,
    tpu.vector_store %arg10[%swap3A_323], %mul3A_322 {strides = array<i32>} : memref<128xf32, #tpu.memory_space<vmem>>, vector<16xf32>,
    %add3A_325 = arith.constant 112 : i32
    %add3A_326 = vector.broadcast %add3A_325 : i32 to vector<16xi32>
    %add3A_327 = arith.addi %add3A_326, %iota3A : vector<16xi32>
    %add3A_328 = arith.addi %broadcast_in_dim3A, %add3A_327 : vector<16xi32>
    %ge3A_329 = arith.constant 500 : i32
    %ge3A_330 = vector.broadcast %ge3A_329 : i32 to vector<16xi32>
    %ge3A_331 = arith.cmpi sge, %add3A_328, %ge3A_330 : vector<16xi32>
    %convert_element_type3A_332 = arith.extui %ge3A_331 : vector<16xi1> to vector<16xi32>
    %ge3A_333 = arith.constant 1000 : i32
    %ge3A_334 = vector.broadcast %ge3A_333 : i32 to vector<16xi32>
    %ge3A_335 = arith.cmpi sge, %add3A_328, %ge3A_334 : vector<16xi32>
    %convert_element_type3A_336 = arith.extui %ge3A_335 : vector<16xi1> to vector<16xi32>
    %add3A_337 = arith.addi %convert_element_type3A_332, %convert_element_type3A_336 : vector<16xi32>
    %ge3A_338 = arith.constant 1500 : i32
    %ge3A_339 = vector.broadcast %ge3A_338 : i32 to vector<16xi32>
    %ge3A_340 = arith.cmpi sge, %add3A_328, %ge3A_339 : vector<16xi32>
    %convert_element_type3A_341 = arith.extui %ge3A_340 : vector<16xi1> to vector<16xi32>
    %add3A_342 = arith.addi %add3A_337, %convert_element_type3A_341 : vector<16xi32>
    %mul3A_343 = arith.constant 2097152 : i32
    %mul3A_344 = vector.broadcast %mul3A_343 : i32 to vector<16xi32>
    %mul3A_345 = arith.muli %add3A_342, %mul3A_344 : vector<16xi32>
    %get3A_346 = arith.constant 112 : index
    %get3A_347 = tpu.vector_load %arg8[%get3A_346] {strides = array<i32>} : memref<128xi32, #tpu.memory_space<vmem>>, vector<16xi32>,
    %add3A_348 = arith.addi %mul3A_345, %get3A_347 : vector<16xi32>
    %swap3A_349 = arith.constant 112 : index
    %swap3A_350 = tpu.vector_load %arg11[%swap3A_349] {strides = array<i32>} : memref<128xi32, #tpu.memory_space<vmem>>, vector<16xi32>,
    tpu.vector_store %arg11[%swap3A_349], %add3A_348 {strides = array<i32>} : memref<128xi32, #tpu.memory_space<vmem>>, vector<16xi32>,
    %add3A_351 = arith.constant 112 : i32
    %add3A_352 = vector.broadcast %add3A_351 : i32 to vector<16xi32>
    %add3A_353 = arith.addi %add3A_352, %iota3A : vector<16xi32>
    %ge3A_354 = arith.cmpi sge, %add3A_353, %broadcast_in_dim3A_62 : vector<16xi32>
    %get3A_355 = arith.constant 112 : index
    %get3A_356 = tpu.vector_load %arg9[%get3A_355] {strides = array<i32>} : memref<128xi32, #tpu.memory_space<vmem>>, vector<16xi32>,
    %convert_element_type3A_357 = arith.sitofp %get3A_356 : vector<16xi32> to vector<16xf32>
    %convert_element_type3A_358 = arith.extui %ge3A_354 : vector<16xi1> to vector<16xi32>
    %convert_element_type3A_359 = arith.sitofp %convert_element_type3A_358 : vector<16xi32> to vector<16xf32>
    %mul3A_360 = arith.mulf %convert_element_type3A_357, %convert_element_type3A_359 : vector<16xf32>
    %swap3A_361 = arith.constant 112 : index
    %swap3A_362 = tpu.vector_load %arg10[%swap3A_361] {strides = array<i32>} : memref<128xf32, #tpu.memory_space<vmem>>, vector<16xf32>,
    tpu.vector_store %arg10[%swap3A_361], %mul3A_360 {strides = array<i32>} : memref<128xf32, #tpu.memory_space<vmem>>, vector<16xf32>,
    %add3A_363 = arith.constant 0 : i32
    %add3A_364 = vector.broadcast %add3A_363 : i32 to vector<16xi32>
    %add3A_365 = arith.addi %add3A_364, %select_n3A : vector<16xi32>
    %gather3A = tpu.vector_load_idx %arg11[%add3A_365] : memref<128xi32, #tpu.memory_space<vmem>>[vector<16xi32>], vector<16xi32>,
    %add3A_366 = arith.addi %gather3A, %mul3A_61 : vector<16xi32>
    %swap3A_367 = arith.constant 0 : i32
    %swap3A_368 = arith.index_cast %swap3A_367 : i32 to index
    %swap3A_369 = arith.constant 0 : index
    %swap3A_370 = tpu.vector_load %arg13[%swap3A_368, %swap3A_369] {strides = array<i32>} : memref<8x128xi32, #tpu.memory_space<vmem>>, vector<16xi32>,
    tpu.vector_store %arg13[%swap3A_368, %swap3A_369], %add3A_366 {strides = array<i32>} : memref<8x128xi32, #tpu.memory_space<vmem>>, vector<16xi32>,
    %add3A_371 = arith.constant 2 : i32
    %add3A_372 = vector.broadcast %add3A_371 : i32 to vector<16xi32>
    %add3A_373 = arith.addi %add3A_372, %select_n3A : vector<16xi32>
    %gather3A_374 = tpu.vector_load_idx %arg11[%add3A_373] : memref<128xi32, #tpu.memory_space<vmem>>[vector<16xi32>], vector<16xi32>,
    %add3A_375 = arith.addi %gather3A_374, %mul3A_61 : vector<16xi32>
    %swap3A_376 = arith.constant 0 : i32
    %swap3A_377 = arith.index_cast %swap3A_376 : i32 to index
    %swap3A_378 = arith.constant 16 : index
    %swap3A_379 = tpu.vector_load %arg13[%swap3A_377, %swap3A_378] {strides = array<i32>} : memref<8x128xi32, #tpu.memory_space<vmem>>, vector<16xi32>,
    tpu.vector_store %arg13[%swap3A_377, %swap3A_378], %add3A_375 {strides = array<i32>} : memref<8x128xi32, #tpu.memory_space<vmem>>, vector<16xi32>,
    %add3A_380 = arith.constant 4 : i32
    %add3A_381 = vector.broadcast %add3A_380 : i32 to vector<16xi32>
    %add3A_382 = arith.addi %add3A_381, %select_n3A : vector<16xi32>
    %gather3A_383 = tpu.vector_load_idx %arg11[%add3A_382] : memref<128xi32, #tpu.memory_space<vmem>>[vector<16xi32>], vector<16xi32>,
    %add3A_384 = arith.addi %gather3A_383, %mul3A_61 : vector<16xi32>
    %swap3A_385 = arith.constant 0 : i32
    %swap3A_386 = arith.index_cast %swap3A_385 : i32 to index
    %swap3A_387 = arith.constant 32 : index
    %swap3A_388 = tpu.vector_load %arg13[%swap3A_386, %swap3A_387] {strides = array<i32>} : memref<8x128xi32, #tpu.memory_space<vmem>>, vector<16xi32>,
    tpu.vector_store %arg13[%swap3A_386, %swap3A_387], %add3A_384 {strides = array<i32>} : memref<8x128xi32, #tpu.memory_space<vmem>>, vector<16xi32>,
    %add3A_389 = arith.constant 6 : i32
    %add3A_390 = vector.broadcast %add3A_389 : i32 to vector<16xi32>
    %add3A_391 = arith.addi %add3A_390, %select_n3A : vector<16xi32>
    %gather3A_392 = tpu.vector_load_idx %arg11[%add3A_391] : memref<128xi32, #tpu.memory_space<vmem>>[vector<16xi32>], vector<16xi32>,
    %add3A_393 = arith.addi %gather3A_392, %mul3A_61 : vector<16xi32>
    %swap3A_394 = arith.constant 0 : i32
    %swap3A_395 = arith.index_cast %swap3A_394 : i32 to index
    %swap3A_396 = arith.constant 48 : index
    %swap3A_397 = tpu.vector_load %arg13[%swap3A_395, %swap3A_396] {strides = array<i32>} : memref<8x128xi32, #tpu.memory_space<vmem>>, vector<16xi32>,
    tpu.vector_store %arg13[%swap3A_395, %swap3A_396], %add3A_393 {strides = array<i32>} : memref<8x128xi32, #tpu.memory_space<vmem>>, vector<16xi32>,
    %add3A_398 = arith.constant 8 : i32
    %add3A_399 = vector.broadcast %add3A_398 : i32 to vector<16xi32>
    %add3A_400 = arith.addi %add3A_399, %select_n3A : vector<16xi32>
    %gather3A_401 = tpu.vector_load_idx %arg11[%add3A_400] : memref<128xi32, #tpu.memory_space<vmem>>[vector<16xi32>], vector<16xi32>,
    %add3A_402 = arith.addi %gather3A_401, %mul3A_61 : vector<16xi32>
    %swap3A_403 = arith.constant 0 : i32
    %swap3A_404 = arith.index_cast %swap3A_403 : i32 to index
    %swap3A_405 = arith.constant 64 : index
    %swap3A_406 = tpu.vector_load %arg13[%swap3A_404, %swap3A_405] {strides = array<i32>} : memref<8x128xi32, #tpu.memory_space<vmem>>, vector<16xi32>,
    tpu.vector_store %arg13[%swap3A_404, %swap3A_405], %add3A_402 {strides = array<i32>} : memref<8x128xi32, #tpu.memory_space<vmem>>, vector<16xi32>,
    %add3A_407 = arith.constant 10 : i32
    %add3A_408 = vector.broadcast %add3A_407 : i32 to vector<16xi32>
    %add3A_409 = arith.addi %add3A_408, %select_n3A : vector<16xi32>
    %gather3A_410 = tpu.vector_load_idx %arg11[%add3A_409] : memref<128xi32, #tpu.memory_space<vmem>>[vector<16xi32>], vector<16xi32>,
    %add3A_411 = arith.addi %gather3A_410, %mul3A_61 : vector<16xi32>
    %swap3A_412 = arith.constant 0 : i32
    %swap3A_413 = arith.index_cast %swap3A_412 : i32 to index
    %swap3A_414 = arith.constant 80 : index
    %swap3A_415 = tpu.vector_load %arg13[%swap3A_413, %swap3A_414] {strides = array<i32>} : memref<8x128xi32, #tpu.memory_space<vmem>>, vector<16xi32>,
    tpu.vector_store %arg13[%swap3A_413, %swap3A_414], %add3A_411 {strides = array<i32>} : memref<8x128xi32, #tpu.memory_space<vmem>>, vector<16xi32>,
    %add3A_416 = arith.constant 12 : i32
    %add3A_417 = vector.broadcast %add3A_416 : i32 to vector<16xi32>
    %add3A_418 = arith.addi %add3A_417, %select_n3A : vector<16xi32>
    %gather3A_419 = tpu.vector_load_idx %arg11[%add3A_418] : memref<128xi32, #tpu.memory_space<vmem>>[vector<16xi32>], vector<16xi32>,
    %add3A_420 = arith.addi %gather3A_419, %mul3A_61 : vector<16xi32>
    %swap3A_421 = arith.constant 0 : i32
    %swap3A_422 = arith.index_cast %swap3A_421 : i32 to index
    %swap3A_423 = arith.constant 96 : index
    %swap3A_424 = tpu.vector_load %arg13[%swap3A_422, %swap3A_423] {strides = array<i32>} : memref<8x128xi32, #tpu.memory_space<vmem>>, vector<16xi32>,
    tpu.vector_store %arg13[%swap3A_422, %swap3A_423], %add3A_420 {strides = array<i32>} : memref<8x128xi32, #tpu.memory_space<vmem>>, vector<16xi32>,
    %add3A_425 = arith.constant 14 : i32
    %add3A_426 = vector.broadcast %add3A_425 : i32 to vector<16xi32>
    %add3A_427 = arith.addi %add3A_426, %select_n3A : vector<16xi32>
    %gather3A_428 = tpu.vector_load_idx %arg11[%add3A_427] : memref<128xi32, #tpu.memory_space<vmem>>[vector<16xi32>], vector<16xi32>,
    %add3A_429 = arith.addi %gather3A_428, %mul3A_61 : vector<16xi32>
    %swap3A_430 = arith.constant 0 : i32
    %swap3A_431 = arith.index_cast %swap3A_430 : i32 to index
    %swap3A_432 = arith.constant 112 : index
    %swap3A_433 = tpu.vector_load %arg13[%swap3A_431, %swap3A_432] {strides = array<i32>} : memref<8x128xi32, #tpu.memory_space<vmem>>, vector<16xi32>,
    tpu.vector_store %arg13[%swap3A_431, %swap3A_432], %add3A_429 {strides = array<i32>} : memref<8x128xi32, #tpu.memory_space<vmem>>, vector<16xi32>,
    %add3A_434 = arith.constant 16 : i32
    %add3A_435 = vector.broadcast %add3A_434 : i32 to vector<16xi32>
    %add3A_436 = arith.addi %add3A_435, %select_n3A : vector<16xi32>
    %gather3A_437 = tpu.vector_load_idx %arg11[%add3A_436] : memref<128xi32, #tpu.memory_space<vmem>>[vector<16xi32>], vector<16xi32>,
    %add3A_438 = arith.addi %gather3A_437, %mul3A_61 : vector<16xi32>
    %swap3A_439 = arith.constant 1 : i32
    %swap3A_440 = arith.index_cast %swap3A_439 : i32 to index
    %swap3A_441 = arith.constant 0 : index
    %swap3A_442 = tpu.vector_load %arg13[%swap3A_440, %swap3A_441] {strides = array<i32>} : memref<8x128xi32, #tpu.memory_space<vmem>>, vector<16xi32>,
    tpu.vector_store %arg13[%swap3A_440, %swap3A_441], %add3A_438 {strides = array<i32>} : memref<8x128xi32, #tpu.memory_space<vmem>>, vector<16xi32>,
    %add3A_443 = arith.constant 18 : i32
    %add3A_444 = vector.broadcast %add3A_443 : i32 to vector<16xi32>
    %add3A_445 = arith.addi %add3A_444, %select_n3A : vector<16xi32>
    %gather3A_446 = tpu.vector_load_idx %arg11[%add3A_445] : memref<128xi32, #tpu.memory_space<vmem>>[vector<16xi32>], vector<16xi32>,
    %add3A_447 = arith.addi %gather3A_446, %mul3A_61 : vector<16xi32>
    %swap3A_448 = arith.constant 1 : i32
    %swap3A_449 = arith.index_cast %swap3A_448 : i32 to index
    %swap3A_450 = arith.constant 16 : index
    %swap3A_451 = tpu.vector_load %arg13[%swap3A_449, %swap3A_450] {strides = array<i32>} : memref<8x128xi32, #tpu.memory_space<vmem>>, vector<16xi32>,
    tpu.vector_store %arg13[%swap3A_449, %swap3A_450], %add3A_447 {strides = array<i32>} : memref<8x128xi32, #tpu.memory_space<vmem>>, vector<16xi32>,
    %add3A_452 = arith.constant 20 : i32
    %add3A_453 = vector.broadcast %add3A_452 : i32 to vector<16xi32>
    %add3A_454 = arith.addi %add3A_453, %select_n3A : vector<16xi32>
    %gather3A_455 = tpu.vector_load_idx %arg11[%add3A_454] : memref<128xi32, #tpu.memory_space<vmem>>[vector<16xi32>], vector<16xi32>,
    %add3A_456 = arith.addi %gather3A_455, %mul3A_61 : vector<16xi32>
    %swap3A_457 = arith.constant 1 : i32
    %swap3A_458 = arith.index_cast %swap3A_457 : i32 to index
    %swap3A_459 = arith.constant 32 : index
    %swap3A_460 = tpu.vector_load %arg13[%swap3A_458, %swap3A_459] {strides = array<i32>} : memref<8x128xi32, #tpu.memory_space<vmem>>, vector<16xi32>,
    tpu.vector_store %arg13[%swap3A_458, %swap3A_459], %add3A_456 {strides = array<i32>} : memref<8x128xi32, #tpu.memory_space<vmem>>, vector<16xi32>,
    %add3A_461 = arith.constant 22 : i32
    %add3A_462 = vector.broadcast %add3A_461 : i32 to vector<16xi32>
    %add3A_463 = arith.addi %add3A_462, %select_n3A : vector<16xi32>
    %gather3A_464 = tpu.vector_load_idx %arg11[%add3A_463] : memref<128xi32, #tpu.memory_space<vmem>>[vector<16xi32>], vector<16xi32>,
    %add3A_465 = arith.addi %gather3A_464, %mul3A_61 : vector<16xi32>
    %swap3A_466 = arith.constant 1 : i32
    %swap3A_467 = arith.index_cast %swap3A_466 : i32 to index
    %swap3A_468 = arith.constant 48 : index
    %swap3A_469 = tpu.vector_load %arg13[%swap3A_467, %swap3A_468] {strides = array<i32>} : memref<8x128xi32, #tpu.memory_space<vmem>>, vector<16xi32>,
    tpu.vector_store %arg13[%swap3A_467, %swap3A_468], %add3A_465 {strides = array<i32>} : memref<8x128xi32, #tpu.memory_space<vmem>>, vector<16xi32>,
    %add3A_470 = arith.constant 24 : i32
    %add3A_471 = vector.broadcast %add3A_470 : i32 to vector<16xi32>
    %add3A_472 = arith.addi %add3A_471, %select_n3A : vector<16xi32>
    %gather3A_473 = tpu.vector_load_idx %arg11[%add3A_472] : memref<128xi32, #tpu.memory_space<vmem>>[vector<16xi32>], vector<16xi32>,
    %add3A_474 = arith.addi %gather3A_473, %mul3A_61 : vector<16xi32>
    %swap3A_475 = arith.constant 1 : i32
    %swap3A_476 = arith.index_cast %swap3A_475 : i32 to index
    %swap3A_477 = arith.constant 64 : index
    %swap3A_478 = tpu.vector_load %arg13[%swap3A_476, %swap3A_477] {strides = array<i32>} : memref<8x128xi32, #tpu.memory_space<vmem>>, vector<16xi32>,
    tpu.vector_store %arg13[%swap3A_476, %swap3A_477], %add3A_474 {strides = array<i32>} : memref<8x128xi32, #tpu.memory_space<vmem>>, vector<16xi32>,
    %add3A_479 = arith.constant 26 : i32
    %add3A_480 = vector.broadcast %add3A_479 : i32 to vector<16xi32>
    %add3A_481 = arith.addi %add3A_480, %select_n3A : vector<16xi32>
    %gather3A_482 = tpu.vector_load_idx %arg11[%add3A_481] : memref<128xi32, #tpu.memory_space<vmem>>[vector<16xi32>], vector<16xi32>,
    %add3A_483 = arith.addi %gather3A_482, %mul3A_61 : vector<16xi32>
    %swap3A_484 = arith.constant 1 : i32
    %swap3A_485 = arith.index_cast %swap3A_484 : i32 to index
    %swap3A_486 = arith.constant 80 : index
    %swap3A_487 = tpu.vector_load %arg13[%swap3A_485, %swap3A_486] {strides = array<i32>} : memref<8x128xi32, #tpu.memory_space<vmem>>, vector<16xi32>,
    tpu.vector_store %arg13[%swap3A_485, %swap3A_486], %add3A_483 {strides = array<i32>} : memref<8x128xi32, #tpu.memory_space<vmem>>, vector<16xi32>,
    %add3A_488 = arith.constant 28 : i32
    %add3A_489 = vector.broadcast %add3A_488 : i32 to vector<16xi32>
    %add3A_490 = arith.addi %add3A_489, %select_n3A : vector<16xi32>
    %gather3A_491 = tpu.vector_load_idx %arg11[%add3A_490] : memref<128xi32, #tpu.memory_space<vmem>>[vector<16xi32>], vector<16xi32>,
    %add3A_492 = arith.addi %gather3A_491, %mul3A_61 : vector<16xi32>
    %swap3A_493 = arith.constant 1 : i32
    %swap3A_494 = arith.index_cast %swap3A_493 : i32 to index
    %swap3A_495 = arith.constant 96 : index
    %swap3A_496 = tpu.vector_load %arg13[%swap3A_494, %swap3A_495] {strides = array<i32>} : memref<8x128xi32, #tpu.memory_space<vmem>>, vector<16xi32>,
    tpu.vector_store %arg13[%swap3A_494, %swap3A_495], %add3A_492 {strides = array<i32>} : memref<8x128xi32, #tpu.memory_space<vmem>>, vector<16xi32>,
    %add3A_497 = arith.constant 30 : i32
    %add3A_498 = vector.broadcast %add3A_497 : i32 to vector<16xi32>
    %add3A_499 = arith.addi %add3A_498, %select_n3A : vector<16xi32>
    %gather3A_500 = tpu.vector_load_idx %arg11[%add3A_499] : memref<128xi32, #tpu.memory_space<vmem>>[vector<16xi32>], vector<16xi32>,
    %add3A_501 = arith.addi %gather3A_500, %mul3A_61 : vector<16xi32>
    %swap3A_502 = arith.constant 1 : i32
    %swap3A_503 = arith.index_cast %swap3A_502 : i32 to index
    %swap3A_504 = arith.constant 112 : index
    %swap3A_505 = tpu.vector_load %arg13[%swap3A_503, %swap3A_504] {strides = array<i32>} : memref<8x128xi32, #tpu.memory_space<vmem>>, vector<16xi32>,
    tpu.vector_store %arg13[%swap3A_503, %swap3A_504], %add3A_501 {strides = array<i32>} : memref<8x128xi32, #tpu.memory_space<vmem>>, vector<16xi32>,
    %add3A_506 = arith.constant 32 : i32
    %add3A_507 = vector.broadcast %add3A_506 : i32 to vector<16xi32>
    %add3A_508 = arith.addi %add3A_507, %select_n3A : vector<16xi32>
    %gather3A_509 = tpu.vector_load_idx %arg11[%add3A_508] : memref<128xi32, #tpu.memory_space<vmem>>[vector<16xi32>], vector<16xi32>,
    %add3A_510 = arith.addi %gather3A_509, %mul3A_61 : vector<16xi32>
    %swap3A_511 = arith.constant 2 : i32
    %swap3A_512 = arith.index_cast %swap3A_511 : i32 to index
    %swap3A_513 = arith.constant 0 : index
    %swap3A_514 = tpu.vector_load %arg13[%swap3A_512, %swap3A_513] {strides = array<i32>} : memref<8x128xi32, #tpu.memory_space<vmem>>, vector<16xi32>,
    tpu.vector_store %arg13[%swap3A_512, %swap3A_513], %add3A_510 {strides = array<i32>} : memref<8x128xi32, #tpu.memory_space<vmem>>, vector<16xi32>,
    %add3A_515 = arith.constant 34 : i32
    %add3A_516 = vector.broadcast %add3A_515 : i32 to vector<16xi32>
    %add3A_517 = arith.addi %add3A_516, %select_n3A : vector<16xi32>
    %gather3A_518 = tpu.vector_load_idx %arg11[%add3A_517] : memref<128xi32, #tpu.memory_space<vmem>>[vector<16xi32>], vector<16xi32>,
    %add3A_519 = arith.addi %gather3A_518, %mul3A_61 : vector<16xi32>
    %swap3A_520 = arith.constant 2 : i32
    %swap3A_521 = arith.index_cast %swap3A_520 : i32 to index
    %swap3A_522 = arith.constant 16 : index
    %swap3A_523 = tpu.vector_load %arg13[%swap3A_521, %swap3A_522] {strides = array<i32>} : memref<8x128xi32, #tpu.memory_space<vmem>>, vector<16xi32>,
    tpu.vector_store %arg13[%swap3A_521, %swap3A_522], %add3A_519 {strides = array<i32>} : memref<8x128xi32, #tpu.memory_space<vmem>>, vector<16xi32>,
    %add3A_524 = arith.constant 36 : i32
    %add3A_525 = vector.broadcast %add3A_524 : i32 to vector<16xi32>
    %add3A_526 = arith.addi %add3A_525, %select_n3A : vector<16xi32>
    %gather3A_527 = tpu.vector_load_idx %arg11[%add3A_526] : memref<128xi32, #tpu.memory_space<vmem>>[vector<16xi32>], vector<16xi32>,
    %add3A_528 = arith.addi %gather3A_527, %mul3A_61 : vector<16xi32>
    %swap3A_529 = arith.constant 2 : i32
    %swap3A_530 = arith.index_cast %swap3A_529 : i32 to index
    %swap3A_531 = arith.constant 32 : index
    %swap3A_532 = tpu.vector_load %arg13[%swap3A_530, %swap3A_531] {strides = array<i32>} : memref<8x128xi32, #tpu.memory_space<vmem>>, vector<16xi32>,
    tpu.vector_store %arg13[%swap3A_530, %swap3A_531], %add3A_528 {strides = array<i32>} : memref<8x128xi32, #tpu.memory_space<vmem>>, vector<16xi32>,
    %add3A_533 = arith.constant 38 : i32
    %add3A_534 = vector.broadcast %add3A_533 : i32 to vector<16xi32>
    %add3A_535 = arith.addi %add3A_534, %select_n3A : vector<16xi32>
    %gather3A_536 = tpu.vector_load_idx %arg11[%add3A_535] : memref<128xi32, #tpu.memory_space<vmem>>[vector<16xi32>], vector<16xi32>,
    %add3A_537 = arith.addi %gather3A_536, %mul3A_61 : vector<16xi32>
    %swap3A_538 = arith.constant 2 : i32
    %swap3A_539 = arith.index_cast %swap3A_538 : i32 to index
    %swap3A_540 = arith.constant 48 : index
    %swap3A_541 = tpu.vector_load %arg13[%swap3A_539, %swap3A_540] {strides = array<i32>} : memref<8x128xi32, #tpu.memory_space<vmem>>, vector<16xi32>,
    tpu.vector_store %arg13[%swap3A_539, %swap3A_540], %add3A_537 {strides = array<i32>} : memref<8x128xi32, #tpu.memory_space<vmem>>, vector<16xi32>,
    %add3A_542 = arith.constant 40 : i32
    %add3A_543 = vector.broadcast %add3A_542 : i32 to vector<16xi32>
    %add3A_544 = arith.addi %add3A_543, %select_n3A : vector<16xi32>
    %gather3A_545 = tpu.vector_load_idx %arg11[%add3A_544] : memref<128xi32, #tpu.memory_space<vmem>>[vector<16xi32>], vector<16xi32>,
    %add3A_546 = arith.addi %gather3A_545, %mul3A_61 : vector<16xi32>
    %swap3A_547 = arith.constant 2 : i32
    %swap3A_548 = arith.index_cast %swap3A_547 : i32 to index
    %swap3A_549 = arith.constant 64 : index
    %swap3A_550 = tpu.vector_load %arg13[%swap3A_548, %swap3A_549] {strides = array<i32>} : memref<8x128xi32, #tpu.memory_space<vmem>>, vector<16xi32>,
    tpu.vector_store %arg13[%swap3A_548, %swap3A_549], %add3A_546 {strides = array<i32>} : memref<8x128xi32, #tpu.memory_space<vmem>>, vector<16xi32>,
    %add3A_551 = arith.constant 42 : i32
    %add3A_552 = vector.broadcast %add3A_551 : i32 to vector<16xi32>
    %add3A_553 = arith.addi %add3A_552, %select_n3A : vector<16xi32>
    %gather3A_554 = tpu.vector_load_idx %arg11[%add3A_553] : memref<128xi32, #tpu.memory_space<vmem>>[vector<16xi32>], vector<16xi32>,
    %add3A_555 = arith.addi %gather3A_554, %mul3A_61 : vector<16xi32>
    %swap3A_556 = arith.constant 2 : i32
    %swap3A_557 = arith.index_cast %swap3A_556 : i32 to index
    %swap3A_558 = arith.constant 80 : index
    %swap3A_559 = tpu.vector_load %arg13[%swap3A_557, %swap3A_558] {strides = array<i32>} : memref<8x128xi32, #tpu.memory_space<vmem>>, vector<16xi32>,
    tpu.vector_store %arg13[%swap3A_557, %swap3A_558], %add3A_555 {strides = array<i32>} : memref<8x128xi32, #tpu.memory_space<vmem>>, vector<16xi32>,
    %add3A_560 = arith.constant 44 : i32
    %add3A_561 = vector.broadcast %add3A_560 : i32 to vector<16xi32>
    %add3A_562 = arith.addi %add3A_561, %select_n3A : vector<16xi32>
    %gather3A_563 = tpu.vector_load_idx %arg11[%add3A_562] : memref<128xi32, #tpu.memory_space<vmem>>[vector<16xi32>], vector<16xi32>,
    %add3A_564 = arith.addi %gather3A_563, %mul3A_61 : vector<16xi32>
    %swap3A_565 = arith.constant 2 : i32
    %swap3A_566 = arith.index_cast %swap3A_565 : i32 to index
    %swap3A_567 = arith.constant 96 : index
    %swap3A_568 = tpu.vector_load %arg13[%swap3A_566, %swap3A_567] {strides = array<i32>} : memref<8x128xi32, #tpu.memory_space<vmem>>, vector<16xi32>,
    tpu.vector_store %arg13[%swap3A_566, %swap3A_567], %add3A_564 {strides = array<i32>} : memref<8x128xi32, #tpu.memory_space<vmem>>, vector<16xi32>,
    %add3A_569 = arith.constant 46 : i32
    %add3A_570 = vector.broadcast %add3A_569 : i32 to vector<16xi32>
    %add3A_571 = arith.addi %add3A_570, %select_n3A : vector<16xi32>
    %gather3A_572 = tpu.vector_load_idx %arg11[%add3A_571] : memref<128xi32, #tpu.memory_space<vmem>>[vector<16xi32>], vector<16xi32>,
    %add3A_573 = arith.addi %gather3A_572, %mul3A_61 : vector<16xi32>
    %swap3A_574 = arith.constant 2 : i32
    %swap3A_575 = arith.index_cast %swap3A_574 : i32 to index
    %swap3A_576 = arith.constant 112 : index
    %swap3A_577 = tpu.vector_load %arg13[%swap3A_575, %swap3A_576] {strides = array<i32>} : memref<8x128xi32, #tpu.memory_space<vmem>>, vector<16xi32>,
    tpu.vector_store %arg13[%swap3A_575, %swap3A_576], %add3A_573 {strides = array<i32>} : memref<8x128xi32, #tpu.memory_space<vmem>>, vector<16xi32>,
    %add3A_578 = arith.constant 48 : i32
    %add3A_579 = vector.broadcast %add3A_578 : i32 to vector<16xi32>
    %add3A_580 = arith.addi %add3A_579, %select_n3A : vector<16xi32>
    %gather3A_581 = tpu.vector_load_idx %arg11[%add3A_580] : memref<128xi32, #tpu.memory_space<vmem>>[vector<16xi32>], vector<16xi32>,
    %add3A_582 = arith.addi %gather3A_581, %mul3A_61 : vector<16xi32>
    %swap3A_583 = arith.constant 3 : i32
    %swap3A_584 = arith.index_cast %swap3A_583 : i32 to index
    %swap3A_585 = arith.constant 0 : index
    %swap3A_586 = tpu.vector_load %arg13[%swap3A_584, %swap3A_585] {strides = array<i32>} : memref<8x128xi32, #tpu.memory_space<vmem>>, vector<16xi32>,
    tpu.vector_store %arg13[%swap3A_584, %swap3A_585], %add3A_582 {strides = array<i32>} : memref<8x128xi32, #tpu.memory_space<vmem>>, vector<16xi32>,
    %add3A_587 = arith.constant 50 : i32
    %add3A_588 = vector.broadcast %add3A_587 : i32 to vector<16xi32>
    %add3A_589 = arith.addi %add3A_588, %select_n3A : vector<16xi32>
    %gather3A_590 = tpu.vector_load_idx %arg11[%add3A_589] : memref<128xi32, #tpu.memory_space<vmem>>[vector<16xi32>], vector<16xi32>,
    %add3A_591 = arith.addi %gather3A_590, %mul3A_61 : vector<16xi32>
    %swap3A_592 = arith.constant 3 : i32
    %swap3A_593 = arith.index_cast %swap3A_592 : i32 to index
    %swap3A_594 = arith.constant 16 : index
    %swap3A_595 = tpu.vector_load %arg13[%swap3A_593, %swap3A_594] {strides = array<i32>} : memref<8x128xi32, #tpu.memory_space<vmem>>, vector<16xi32>,
    tpu.vector_store %arg13[%swap3A_593, %swap3A_594], %add3A_591 {strides = array<i32>} : memref<8x128xi32, #tpu.memory_space<vmem>>, vector<16xi32>,
    %add3A_596 = arith.constant 52 : i32
    %add3A_597 = vector.broadcast %add3A_596 : i32 to vector<16xi32>
    %add3A_598 = arith.addi %add3A_597, %select_n3A : vector<16xi32>
    %gather3A_599 = tpu.vector_load_idx %arg11[%add3A_598] : memref<128xi32, #tpu.memory_space<vmem>>[vector<16xi32>], vector<16xi32>,
    %add3A_600 = arith.addi %gather3A_599, %mul3A_61 : vector<16xi32>
    %swap3A_601 = arith.constant 3 : i32
    %swap3A_602 = arith.index_cast %swap3A_601 : i32 to index
    %swap3A_603 = arith.constant 32 : index
    %swap3A_604 = tpu.vector_load %arg13[%swap3A_602, %swap3A_603] {strides = array<i32>} : memref<8x128xi32, #tpu.memory_space<vmem>>, vector<16xi32>,
    tpu.vector_store %arg13[%swap3A_602, %swap3A_603], %add3A_600 {strides = array<i32>} : memref<8x128xi32, #tpu.memory_space<vmem>>, vector<16xi32>,
    %add3A_605 = arith.constant 54 : i32
    %add3A_606 = vector.broadcast %add3A_605 : i32 to vector<16xi32>
    %add3A_607 = arith.addi %add3A_606, %select_n3A : vector<16xi32>
    %gather3A_608 = tpu.vector_load_idx %arg11[%add3A_607] : memref<128xi32, #tpu.memory_space<vmem>>[vector<16xi32>], vector<16xi32>,
    %add3A_609 = arith.addi %gather3A_608, %mul3A_61 : vector<16xi32>
    %swap3A_610 = arith.constant 3 : i32
    %swap3A_611 = arith.index_cast %swap3A_610 : i32 to index
    %swap3A_612 = arith.constant 48 : index
    %swap3A_613 = tpu.vector_load %arg13[%swap3A_611, %swap3A_612] {strides = array<i32>} : memref<8x128xi32, #tpu.memory_space<vmem>>, vector<16xi32>,
    tpu.vector_store %arg13[%swap3A_611, %swap3A_612], %add3A_609 {strides = array<i32>} : memref<8x128xi32, #tpu.memory_space<vmem>>, vector<16xi32>,
    %add3A_614 = arith.constant 56 : i32
    %add3A_615 = vector.broadcast %add3A_614 : i32 to vector<16xi32>
    %add3A_616 = arith.addi %add3A_615, %select_n3A : vector<16xi32>
    %gather3A_617 = tpu.vector_load_idx %arg11[%add3A_616] : memref<128xi32, #tpu.memory_space<vmem>>[vector<16xi32>], vector<16xi32>,
    %add3A_618 = arith.addi %gather3A_617, %mul3A_61 : vector<16xi32>
    %swap3A_619 = arith.constant 3 : i32
    %swap3A_620 = arith.index_cast %swap3A_619 : i32 to index
    %swap3A_621 = arith.constant 64 : index
    %swap3A_622 = tpu.vector_load %arg13[%swap3A_620, %swap3A_621] {strides = array<i32>} : memref<8x128xi32, #tpu.memory_space<vmem>>, vector<16xi32>,
    tpu.vector_store %arg13[%swap3A_620, %swap3A_621], %add3A_618 {strides = array<i32>} : memref<8x128xi32, #tpu.memory_space<vmem>>, vector<16xi32>,
    %add3A_623 = arith.constant 58 : i32
    %add3A_624 = vector.broadcast %add3A_623 : i32 to vector<16xi32>
    %add3A_625 = arith.addi %add3A_624, %select_n3A : vector<16xi32>
    %gather3A_626 = tpu.vector_load_idx %arg11[%add3A_625] : memref<128xi32, #tpu.memory_space<vmem>>[vector<16xi32>], vector<16xi32>,
    %add3A_627 = arith.addi %gather3A_626, %mul3A_61 : vector<16xi32>
    %swap3A_628 = arith.constant 3 : i32
    %swap3A_629 = arith.index_cast %swap3A_628 : i32 to index
    %swap3A_630 = arith.constant 80 : index
    %swap3A_631 = tpu.vector_load %arg13[%swap3A_629, %swap3A_630] {strides = array<i32>} : memref<8x128xi32, #tpu.memory_space<vmem>>, vector<16xi32>,
    tpu.vector_store %arg13[%swap3A_629, %swap3A_630], %add3A_627 {strides = array<i32>} : memref<8x128xi32, #tpu.memory_space<vmem>>, vector<16xi32>,
    %add3A_632 = arith.constant 60 : i32
    %add3A_633 = vector.broadcast %add3A_632 : i32 to vector<16xi32>
    %add3A_634 = arith.addi %add3A_633, %select_n3A : vector<16xi32>
    %gather3A_635 = tpu.vector_load_idx %arg11[%add3A_634] : memref<128xi32, #tpu.memory_space<vmem>>[vector<16xi32>], vector<16xi32>,
    %add3A_636 = arith.addi %gather3A_635, %mul3A_61 : vector<16xi32>
    %swap3A_637 = arith.constant 3 : i32
    %swap3A_638 = arith.index_cast %swap3A_637 : i32 to index
    %swap3A_639 = arith.constant 96 : index
    %swap3A_640 = tpu.vector_load %arg13[%swap3A_638, %swap3A_639] {strides = array<i32>} : memref<8x128xi32, #tpu.memory_space<vmem>>, vector<16xi32>,
    tpu.vector_store %arg13[%swap3A_638, %swap3A_639], %add3A_636 {strides = array<i32>} : memref<8x128xi32, #tpu.memory_space<vmem>>, vector<16xi32>,
    %add3A_641 = arith.constant 62 : i32
    %add3A_642 = vector.broadcast %add3A_641 : i32 to vector<16xi32>
    %add3A_643 = arith.addi %add3A_642, %select_n3A : vector<16xi32>
    %gather3A_644 = tpu.vector_load_idx %arg11[%add3A_643] : memref<128xi32, #tpu.memory_space<vmem>>[vector<16xi32>], vector<16xi32>,
    %add3A_645 = arith.addi %gather3A_644, %mul3A_61 : vector<16xi32>
    %swap3A_646 = arith.constant 3 : i32
    %swap3A_647 = arith.index_cast %swap3A_646 : i32 to index
    %swap3A_648 = arith.constant 112 : index
    %swap3A_649 = tpu.vector_load %arg13[%swap3A_647, %swap3A_648] {strides = array<i32>} : memref<8x128xi32, #tpu.memory_space<vmem>>, vector<16xi32>,
    tpu.vector_store %arg13[%swap3A_647, %swap3A_648], %add3A_645 {strides = array<i32>} : memref<8x128xi32, #tpu.memory_space<vmem>>, vector<16xi32>,
    %add3A_650 = arith.constant 64 : i32
    %add3A_651 = vector.broadcast %add3A_650 : i32 to vector<16xi32>
    %add3A_652 = arith.addi %add3A_651, %select_n3A : vector<16xi32>
    %gather3A_653 = tpu.vector_load_idx %arg11[%add3A_652] : memref<128xi32, #tpu.memory_space<vmem>>[vector<16xi32>], vector<16xi32>,
    %add3A_654 = arith.addi %gather3A_653, %mul3A_61 : vector<16xi32>
    %swap3A_655 = arith.constant 4 : i32
    %swap3A_656 = arith.index_cast %swap3A_655 : i32 to index
    %swap3A_657 = arith.constant 0 : index
    %swap3A_658 = tpu.vector_load %arg13[%swap3A_656, %swap3A_657] {strides = array<i32>} : memref<8x128xi32, #tpu.memory_space<vmem>>, vector<16xi32>,
    tpu.vector_store %arg13[%swap3A_656, %swap3A_657], %add3A_654 {strides = array<i32>} : memref<8x128xi32, #tpu.memory_space<vmem>>, vector<16xi32>,
    %add3A_659 = arith.constant 66 : i32
    %add3A_660 = vector.broadcast %add3A_659 : i32 to vector<16xi32>
    %add3A_661 = arith.addi %add3A_660, %select_n3A : vector<16xi32>
    %gather3A_662 = tpu.vector_load_idx %arg11[%add3A_661] : memref<128xi32, #tpu.memory_space<vmem>>[vector<16xi32>], vector<16xi32>,
    %add3A_663 = arith.addi %gather3A_662, %mul3A_61 : vector<16xi32>
    %swap3A_664 = arith.constant 4 : i32
    %swap3A_665 = arith.index_cast %swap3A_664 : i32 to index
    %swap3A_666 = arith.constant 16 : index
    %swap3A_667 = tpu.vector_load %arg13[%swap3A_665, %swap3A_666] {strides = array<i32>} : memref<8x128xi32, #tpu.memory_space<vmem>>, vector<16xi32>,
    tpu.vector_store %arg13[%swap3A_665, %swap3A_666], %add3A_663 {strides = array<i32>} : memref<8x128xi32, #tpu.memory_space<vmem>>, vector<16xi32>,
    %add3A_668 = arith.constant 68 : i32
    %add3A_669 = vector.broadcast %add3A_668 : i32 to vector<16xi32>
    %add3A_670 = arith.addi %add3A_669, %select_n3A : vector<16xi32>
    %gather3A_671 = tpu.vector_load_idx %arg11[%add3A_670] : memref<128xi32, #tpu.memory_space<vmem>>[vector<16xi32>], vector<16xi32>,
    %add3A_672 = arith.addi %gather3A_671, %mul3A_61 : vector<16xi32>
    %swap3A_673 = arith.constant 4 : i32
    %swap3A_674 = arith.index_cast %swap3A_673 : i32 to index
    %swap3A_675 = arith.constant 32 : index
    %swap3A_676 = tpu.vector_load %arg13[%swap3A_674, %swap3A_675] {strides = array<i32>} : memref<8x128xi32, #tpu.memory_space<vmem>>, vector<16xi32>,
    tpu.vector_store %arg13[%swap3A_674, %swap3A_675], %add3A_672 {strides = array<i32>} : memref<8x128xi32, #tpu.memory_space<vmem>>, vector<16xi32>,
    %add3A_677 = arith.constant 70 : i32
    %add3A_678 = vector.broadcast %add3A_677 : i32 to vector<16xi32>
    %add3A_679 = arith.addi %add3A_678, %select_n3A : vector<16xi32>
    %gather3A_680 = tpu.vector_load_idx %arg11[%add3A_679] : memref<128xi32, #tpu.memory_space<vmem>>[vector<16xi32>], vector<16xi32>,
    %add3A_681 = arith.addi %gather3A_680, %mul3A_61 : vector<16xi32>
    %swap3A_682 = arith.constant 4 : i32
    %swap3A_683 = arith.index_cast %swap3A_682 : i32 to index
    %swap3A_684 = arith.constant 48 : index
    %swap3A_685 = tpu.vector_load %arg13[%swap3A_683, %swap3A_684] {strides = array<i32>} : memref<8x128xi32, #tpu.memory_space<vmem>>, vector<16xi32>,
    tpu.vector_store %arg13[%swap3A_683, %swap3A_684], %add3A_681 {strides = array<i32>} : memref<8x128xi32, #tpu.memory_space<vmem>>, vector<16xi32>,
    %add3A_686 = arith.constant 72 : i32
    %add3A_687 = vector.broadcast %add3A_686 : i32 to vector<16xi32>
    %add3A_688 = arith.addi %add3A_687, %select_n3A : vector<16xi32>
    %gather3A_689 = tpu.vector_load_idx %arg11[%add3A_688] : memref<128xi32, #tpu.memory_space<vmem>>[vector<16xi32>], vector<16xi32>,
    %add3A_690 = arith.addi %gather3A_689, %mul3A_61 : vector<16xi32>
    %swap3A_691 = arith.constant 4 : i32
    %swap3A_692 = arith.index_cast %swap3A_691 : i32 to index
    %swap3A_693 = arith.constant 64 : index
    %swap3A_694 = tpu.vector_load %arg13[%swap3A_692, %swap3A_693] {strides = array<i32>} : memref<8x128xi32, #tpu.memory_space<vmem>>, vector<16xi32>,
    tpu.vector_store %arg13[%swap3A_692, %swap3A_693], %add3A_690 {strides = array<i32>} : memref<8x128xi32, #tpu.memory_space<vmem>>, vector<16xi32>,
    %add3A_695 = arith.constant 74 : i32
    %add3A_696 = vector.broadcast %add3A_695 : i32 to vector<16xi32>
    %add3A_697 = arith.addi %add3A_696, %select_n3A : vector<16xi32>
    %gather3A_698 = tpu.vector_load_idx %arg11[%add3A_697] : memref<128xi32, #tpu.memory_space<vmem>>[vector<16xi32>], vector<16xi32>,
    %add3A_699 = arith.addi %gather3A_698, %mul3A_61 : vector<16xi32>
    %swap3A_700 = arith.constant 4 : i32
    %swap3A_701 = arith.index_cast %swap3A_700 : i32 to index
    %swap3A_702 = arith.constant 80 : index
    %swap3A_703 = tpu.vector_load %arg13[%swap3A_701, %swap3A_702] {strides = array<i32>} : memref<8x128xi32, #tpu.memory_space<vmem>>, vector<16xi32>,
    tpu.vector_store %arg13[%swap3A_701, %swap3A_702], %add3A_699 {strides = array<i32>} : memref<8x128xi32, #tpu.memory_space<vmem>>, vector<16xi32>,
    %add3A_704 = arith.constant 76 : i32
    %add3A_705 = vector.broadcast %add3A_704 : i32 to vector<16xi32>
    %add3A_706 = arith.addi %add3A_705, %select_n3A : vector<16xi32>
    %gather3A_707 = tpu.vector_load_idx %arg11[%add3A_706] : memref<128xi32, #tpu.memory_space<vmem>>[vector<16xi32>], vector<16xi32>,
    %add3A_708 = arith.addi %gather3A_707, %mul3A_61 : vector<16xi32>
    %swap3A_709 = arith.constant 4 : i32
    %swap3A_710 = arith.index_cast %swap3A_709 : i32 to index
    %swap3A_711 = arith.constant 96 : index
    %swap3A_712 = tpu.vector_load %arg13[%swap3A_710, %swap3A_711] {strides = array<i32>} : memref<8x128xi32, #tpu.memory_space<vmem>>, vector<16xi32>,
    tpu.vector_store %arg13[%swap3A_710, %swap3A_711], %add3A_708 {strides = array<i32>} : memref<8x128xi32, #tpu.memory_space<vmem>>, vector<16xi32>,
    %add3A_713 = arith.constant 78 : i32
    %add3A_714 = vector.broadcast %add3A_713 : i32 to vector<16xi32>
    %add3A_715 = arith.addi %add3A_714, %select_n3A : vector<16xi32>
    %gather3A_716 = tpu.vector_load_idx %arg11[%add3A_715] : memref<128xi32, #tpu.memory_space<vmem>>[vector<16xi32>], vector<16xi32>,
    %add3A_717 = arith.addi %gather3A_716, %mul3A_61 : vector<16xi32>
    %swap3A_718 = arith.constant 4 : i32
    %swap3A_719 = arith.index_cast %swap3A_718 : i32 to index
    %swap3A_720 = arith.constant 112 : index
    %swap3A_721 = tpu.vector_load %arg13[%swap3A_719, %swap3A_720] {strides = array<i32>} : memref<8x128xi32, #tpu.memory_space<vmem>>, vector<16xi32>,
    tpu.vector_store %arg13[%swap3A_719, %swap3A_720], %add3A_717 {strides = array<i32>} : memref<8x128xi32, #tpu.memory_space<vmem>>, vector<16xi32>,
    %add3A_722 = arith.constant 80 : i32
    %add3A_723 = vector.broadcast %add3A_722 : i32 to vector<16xi32>
    %add3A_724 = arith.addi %add3A_723, %select_n3A : vector<16xi32>
    %gather3A_725 = tpu.vector_load_idx %arg11[%add3A_724] : memref<128xi32, #tpu.memory_space<vmem>>[vector<16xi32>], vector<16xi32>,
    %add3A_726 = arith.addi %gather3A_725, %mul3A_61 : vector<16xi32>
    %swap3A_727 = arith.constant 5 : i32
    %swap3A_728 = arith.index_cast %swap3A_727 : i32 to index
    %swap3A_729 = arith.constant 0 : index
    %swap3A_730 = tpu.vector_load %arg13[%swap3A_728, %swap3A_729] {strides = array<i32>} : memref<8x128xi32, #tpu.memory_space<vmem>>, vector<16xi32>,
    tpu.vector_store %arg13[%swap3A_728, %swap3A_729], %add3A_726 {strides = array<i32>} : memref<8x128xi32, #tpu.memory_space<vmem>>, vector<16xi32>,
    %add3A_731 = arith.constant 82 : i32
    %add3A_732 = vector.broadcast %add3A_731 : i32 to vector<16xi32>
    %add3A_733 = arith.addi %add3A_732, %select_n3A : vector<16xi32>
    %gather3A_734 = tpu.vector_load_idx %arg11[%add3A_733] : memref<128xi32, #tpu.memory_space<vmem>>[vector<16xi32>], vector<16xi32>,
    %add3A_735 = arith.addi %gather3A_734, %mul3A_61 : vector<16xi32>
    %swap3A_736 = arith.constant 5 : i32
    %swap3A_737 = arith.index_cast %swap3A_736 : i32 to index
    %swap3A_738 = arith.constant 16 : index
    %swap3A_739 = tpu.vector_load %arg13[%swap3A_737, %swap3A_738] {strides = array<i32>} : memref<8x128xi32, #tpu.memory_space<vmem>>, vector<16xi32>,
    tpu.vector_store %arg13[%swap3A_737, %swap3A_738], %add3A_735 {strides = array<i32>} : memref<8x128xi32, #tpu.memory_space<vmem>>, vector<16xi32>,
    %add3A_740 = arith.constant 84 : i32
    %add3A_741 = vector.broadcast %add3A_740 : i32 to vector<16xi32>
    %add3A_742 = arith.addi %add3A_741, %select_n3A : vector<16xi32>
    %gather3A_743 = tpu.vector_load_idx %arg11[%add3A_742] : memref<128xi32, #tpu.memory_space<vmem>>[vector<16xi32>], vector<16xi32>,
    %add3A_744 = arith.addi %gather3A_743, %mul3A_61 : vector<16xi32>
    %swap3A_745 = arith.constant 5 : i32
    %swap3A_746 = arith.index_cast %swap3A_745 : i32 to index
    %swap3A_747 = arith.constant 32 : index
    %swap3A_748 = tpu.vector_load %arg13[%swap3A_746, %swap3A_747] {strides = array<i32>} : memref<8x128xi32, #tpu.memory_space<vmem>>, vector<16xi32>,
    tpu.vector_store %arg13[%swap3A_746, %swap3A_747], %add3A_744 {strides = array<i32>} : memref<8x128xi32, #tpu.memory_space<vmem>>, vector<16xi32>,
    %add3A_749 = arith.constant 86 : i32
    %add3A_750 = vector.broadcast %add3A_749 : i32 to vector<16xi32>
    %add3A_751 = arith.addi %add3A_750, %select_n3A : vector<16xi32>
    %gather3A_752 = tpu.vector_load_idx %arg11[%add3A_751] : memref<128xi32, #tpu.memory_space<vmem>>[vector<16xi32>], vector<16xi32>,
    %add3A_753 = arith.addi %gather3A_752, %mul3A_61 : vector<16xi32>
    %swap3A_754 = arith.constant 5 : i32
    %swap3A_755 = arith.index_cast %swap3A_754 : i32 to index
    %swap3A_756 = arith.constant 48 : index
    %swap3A_757 = tpu.vector_load %arg13[%swap3A_755, %swap3A_756] {strides = array<i32>} : memref<8x128xi32, #tpu.memory_space<vmem>>, vector<16xi32>,
    tpu.vector_store %arg13[%swap3A_755, %swap3A_756], %add3A_753 {strides = array<i32>} : memref<8x128xi32, #tpu.memory_space<vmem>>, vector<16xi32>,
    %add3A_758 = arith.constant 88 : i32
    %add3A_759 = vector.broadcast %add3A_758 : i32 to vector<16xi32>
    %add3A_760 = arith.addi %add3A_759, %select_n3A : vector<16xi32>
    %gather3A_761 = tpu.vector_load_idx %arg11[%add3A_760] : memref<128xi32, #tpu.memory_space<vmem>>[vector<16xi32>], vector<16xi32>,
    %add3A_762 = arith.addi %gather3A_761, %mul3A_61 : vector<16xi32>
    %swap3A_763 = arith.constant 5 : i32
    %swap3A_764 = arith.index_cast %swap3A_763 : i32 to index
    %swap3A_765 = arith.constant 64 : index
    %swap3A_766 = tpu.vector_load %arg13[%swap3A_764, %swap3A_765] {strides = array<i32>} : memref<8x128xi32, #tpu.memory_space<vmem>>, vector<16xi32>,
    tpu.vector_store %arg13[%swap3A_764, %swap3A_765], %add3A_762 {strides = array<i32>} : memref<8x128xi32, #tpu.memory_space<vmem>>, vector<16xi32>,
    %add3A_767 = arith.constant 90 : i32
    %add3A_768 = vector.broadcast %add3A_767 : i32 to vector<16xi32>
    %add3A_769 = arith.addi %add3A_768, %select_n3A : vector<16xi32>
    %gather3A_770 = tpu.vector_load_idx %arg11[%add3A_769] : memref<128xi32, #tpu.memory_space<vmem>>[vector<16xi32>], vector<16xi32>,
    %add3A_771 = arith.addi %gather3A_770, %mul3A_61 : vector<16xi32>
    %swap3A_772 = arith.constant 5 : i32
    %swap3A_773 = arith.index_cast %swap3A_772 : i32 to index
    %swap3A_774 = arith.constant 80 : index
    %swap3A_775 = tpu.vector_load %arg13[%swap3A_773, %swap3A_774] {strides = array<i32>} : memref<8x128xi32, #tpu.memory_space<vmem>>, vector<16xi32>,
    tpu.vector_store %arg13[%swap3A_773, %swap3A_774], %add3A_771 {strides = array<i32>} : memref<8x128xi32, #tpu.memory_space<vmem>>, vector<16xi32>,
    %add3A_776 = arith.constant 92 : i32
    %add3A_777 = vector.broadcast %add3A_776 : i32 to vector<16xi32>
    %add3A_778 = arith.addi %add3A_777, %select_n3A : vector<16xi32>
    %gather3A_779 = tpu.vector_load_idx %arg11[%add3A_778] : memref<128xi32, #tpu.memory_space<vmem>>[vector<16xi32>], vector<16xi32>,
    %add3A_780 = arith.addi %gather3A_779, %mul3A_61 : vector<16xi32>
    %swap3A_781 = arith.constant 5 : i32
    %swap3A_782 = arith.index_cast %swap3A_781 : i32 to index
    %swap3A_783 = arith.constant 96 : index
    %swap3A_784 = tpu.vector_load %arg13[%swap3A_782, %swap3A_783] {strides = array<i32>} : memref<8x128xi32, #tpu.memory_space<vmem>>, vector<16xi32>,
    tpu.vector_store %arg13[%swap3A_782, %swap3A_783], %add3A_780 {strides = array<i32>} : memref<8x128xi32, #tpu.memory_space<vmem>>, vector<16xi32>,
    %add3A_785 = arith.constant 94 : i32
    %add3A_786 = vector.broadcast %add3A_785 : i32 to vector<16xi32>
    %add3A_787 = arith.addi %add3A_786, %select_n3A : vector<16xi32>
    %gather3A_788 = tpu.vector_load_idx %arg11[%add3A_787] : memref<128xi32, #tpu.memory_space<vmem>>[vector<16xi32>], vector<16xi32>,
    %add3A_789 = arith.addi %gather3A_788, %mul3A_61 : vector<16xi32>
    %swap3A_790 = arith.constant 5 : i32
    %swap3A_791 = arith.index_cast %swap3A_790 : i32 to index
    %swap3A_792 = arith.constant 112 : index
    %swap3A_793 = tpu.vector_load %arg13[%swap3A_791, %swap3A_792] {strides = array<i32>} : memref<8x128xi32, #tpu.memory_space<vmem>>, vector<16xi32>,
    tpu.vector_store %arg13[%swap3A_791, %swap3A_792], %add3A_789 {strides = array<i32>} : memref<8x128xi32, #tpu.memory_space<vmem>>, vector<16xi32>,
    %add3A_794 = arith.constant 96 : i32
    %add3A_795 = vector.broadcast %add3A_794 : i32 to vector<16xi32>
    %add3A_796 = arith.addi %add3A_795, %select_n3A : vector<16xi32>
    %gather3A_797 = tpu.vector_load_idx %arg11[%add3A_796] : memref<128xi32, #tpu.memory_space<vmem>>[vector<16xi32>], vector<16xi32>,
    %add3A_798 = arith.addi %gather3A_797, %mul3A_61 : vector<16xi32>
    %swap3A_799 = arith.constant 6 : i32
    %swap3A_800 = arith.index_cast %swap3A_799 : i32 to index
    %swap3A_801 = arith.constant 0 : index
    %swap3A_802 = tpu.vector_load %arg13[%swap3A_800, %swap3A_801] {strides = array<i32>} : memref<8x128xi32, #tpu.memory_space<vmem>>, vector<16xi32>,
    tpu.vector_store %arg13[%swap3A_800, %swap3A_801], %add3A_798 {strides = array<i32>} : memref<8x128xi32, #tpu.memory_space<vmem>>, vector<16xi32>,
    %add3A_803 = arith.constant 98 : i32
    %add3A_804 = vector.broadcast %add3A_803 : i32 to vector<16xi32>
    %add3A_805 = arith.addi %add3A_804, %select_n3A : vector<16xi32>
    %gather3A_806 = tpu.vector_load_idx %arg11[%add3A_805] : memref<128xi32, #tpu.memory_space<vmem>>[vector<16xi32>], vector<16xi32>,
    %add3A_807 = arith.addi %gather3A_806, %mul3A_61 : vector<16xi32>
    %swap3A_808 = arith.constant 6 : i32
    %swap3A_809 = arith.index_cast %swap3A_808 : i32 to index
    %swap3A_810 = arith.constant 16 : index
    %swap3A_811 = tpu.vector_load %arg13[%swap3A_809, %swap3A_810] {strides = array<i32>} : memref<8x128xi32, #tpu.memory_space<vmem>>, vector<16xi32>,
    tpu.vector_store %arg13[%swap3A_809, %swap3A_810], %add3A_807 {strides = array<i32>} : memref<8x128xi32, #tpu.memory_space<vmem>>, vector<16xi32>,
    %add3A_812 = arith.constant 100 : i32
    %add3A_813 = vector.broadcast %add3A_812 : i32 to vector<16xi32>
    %add3A_814 = arith.addi %add3A_813, %select_n3A : vector<16xi32>
    %gather3A_815 = tpu.vector_load_idx %arg11[%add3A_814] : memref<128xi32, #tpu.memory_space<vmem>>[vector<16xi32>], vector<16xi32>,
    %add3A_816 = arith.addi %gather3A_815, %mul3A_61 : vector<16xi32>
    %swap3A_817 = arith.constant 6 : i32
    %swap3A_818 = arith.index_cast %swap3A_817 : i32 to index
    %swap3A_819 = arith.constant 32 : index
    %swap3A_820 = tpu.vector_load %arg13[%swap3A_818, %swap3A_819] {strides = array<i32>} : memref<8x128xi32, #tpu.memory_space<vmem>>, vector<16xi32>,
    tpu.vector_store %arg13[%swap3A_818, %swap3A_819], %add3A_816 {strides = array<i32>} : memref<8x128xi32, #tpu.memory_space<vmem>>, vector<16xi32>,
    %add3A_821 = arith.constant 102 : i32
    %add3A_822 = vector.broadcast %add3A_821 : i32 to vector<16xi32>
    %add3A_823 = arith.addi %add3A_822, %select_n3A : vector<16xi32>
    %gather3A_824 = tpu.vector_load_idx %arg11[%add3A_823] : memref<128xi32, #tpu.memory_space<vmem>>[vector<16xi32>], vector<16xi32>,
    %add3A_825 = arith.addi %gather3A_824, %mul3A_61 : vector<16xi32>
    %swap3A_826 = arith.constant 6 : i32
    %swap3A_827 = arith.index_cast %swap3A_826 : i32 to index
    %swap3A_828 = arith.constant 48 : index
    %swap3A_829 = tpu.vector_load %arg13[%swap3A_827, %swap3A_828] {strides = array<i32>} : memref<8x128xi32, #tpu.memory_space<vmem>>, vector<16xi32>,
    tpu.vector_store %arg13[%swap3A_827, %swap3A_828], %add3A_825 {strides = array<i32>} : memref<8x128xi32, #tpu.memory_space<vmem>>, vector<16xi32>,
    %add3A_830 = arith.constant 104 : i32
    %add3A_831 = vector.broadcast %add3A_830 : i32 to vector<16xi32>
    %add3A_832 = arith.addi %add3A_831, %select_n3A : vector<16xi32>
    %gather3A_833 = tpu.vector_load_idx %arg11[%add3A_832] : memref<128xi32, #tpu.memory_space<vmem>>[vector<16xi32>], vector<16xi32>,
    %add3A_834 = arith.addi %gather3A_833, %mul3A_61 : vector<16xi32>
    %swap3A_835 = arith.constant 6 : i32
    %swap3A_836 = arith.index_cast %swap3A_835 : i32 to index
    %swap3A_837 = arith.constant 64 : index
    %swap3A_838 = tpu.vector_load %arg13[%swap3A_836, %swap3A_837] {strides = array<i32>} : memref<8x128xi32, #tpu.memory_space<vmem>>, vector<16xi32>,
    tpu.vector_store %arg13[%swap3A_836, %swap3A_837], %add3A_834 {strides = array<i32>} : memref<8x128xi32, #tpu.memory_space<vmem>>, vector<16xi32>,
    %add3A_839 = arith.constant 106 : i32
    %add3A_840 = vector.broadcast %add3A_839 : i32 to vector<16xi32>
    %add3A_841 = arith.addi %add3A_840, %select_n3A : vector<16xi32>
    %gather3A_842 = tpu.vector_load_idx %arg11[%add3A_841] : memref<128xi32, #tpu.memory_space<vmem>>[vector<16xi32>], vector<16xi32>,
    %add3A_843 = arith.addi %gather3A_842, %mul3A_61 : vector<16xi32>
    %swap3A_844 = arith.constant 6 : i32
    %swap3A_845 = arith.index_cast %swap3A_844 : i32 to index
    %swap3A_846 = arith.constant 80 : index
    %swap3A_847 = tpu.vector_load %arg13[%swap3A_845, %swap3A_846] {strides = array<i32>} : memref<8x128xi32, #tpu.memory_space<vmem>>, vector<16xi32>,
    tpu.vector_store %arg13[%swap3A_845, %swap3A_846], %add3A_843 {strides = array<i32>} : memref<8x128xi32, #tpu.memory_space<vmem>>, vector<16xi32>,
    %add3A_848 = arith.constant 108 : i32
    %add3A_849 = vector.broadcast %add3A_848 : i32 to vector<16xi32>
    %add3A_850 = arith.addi %add3A_849, %select_n3A : vector<16xi32>
    %gather3A_851 = tpu.vector_load_idx %arg11[%add3A_850] : memref<128xi32, #tpu.memory_space<vmem>>[vector<16xi32>], vector<16xi32>,
    %add3A_852 = arith.addi %gather3A_851, %mul3A_61 : vector<16xi32>
    %swap3A_853 = arith.constant 6 : i32
    %swap3A_854 = arith.index_cast %swap3A_853 : i32 to index
    %swap3A_855 = arith.constant 96 : index
    %swap3A_856 = tpu.vector_load %arg13[%swap3A_854, %swap3A_855] {strides = array<i32>} : memref<8x128xi32, #tpu.memory_space<vmem>>, vector<16xi32>,
    tpu.vector_store %arg13[%swap3A_854, %swap3A_855], %add3A_852 {strides = array<i32>} : memref<8x128xi32, #tpu.memory_space<vmem>>, vector<16xi32>,
    %add3A_857 = arith.constant 110 : i32
    %add3A_858 = vector.broadcast %add3A_857 : i32 to vector<16xi32>
    %add3A_859 = arith.addi %add3A_858, %select_n3A : vector<16xi32>
    %gather3A_860 = tpu.vector_load_idx %arg11[%add3A_859] : memref<128xi32, #tpu.memory_space<vmem>>[vector<16xi32>], vector<16xi32>,
    %add3A_861 = arith.addi %gather3A_860, %mul3A_61 : vector<16xi32>
    %swap3A_862 = arith.constant 6 : i32
    %swap3A_863 = arith.index_cast %swap3A_862 : i32 to index
    %swap3A_864 = arith.constant 112 : index
    %swap3A_865 = tpu.vector_load %arg13[%swap3A_863, %swap3A_864] {strides = array<i32>} : memref<8x128xi32, #tpu.memory_space<vmem>>, vector<16xi32>,
    tpu.vector_store %arg13[%swap3A_863, %swap3A_864], %add3A_861 {strides = array<i32>} : memref<8x128xi32, #tpu.memory_space<vmem>>, vector<16xi32>,
    %add3A_866 = arith.constant 112 : i32
    %add3A_867 = vector.broadcast %add3A_866 : i32 to vector<16xi32>
    %add3A_868 = arith.addi %add3A_867, %select_n3A : vector<16xi32>
    %gather3A_869 = tpu.vector_load_idx %arg11[%add3A_868] : memref<128xi32, #tpu.memory_space<vmem>>[vector<16xi32>], vector<16xi32>,
    %add3A_870 = arith.addi %gather3A_869, %mul3A_61 : vector<16xi32>
    %swap3A_871 = arith.constant 7 : i32
    %swap3A_872 = arith.index_cast %swap3A_871 : i32 to index
    %swap3A_873 = arith.constant 0 : index
    %swap3A_874 = tpu.vector_load %arg13[%swap3A_872, %swap3A_873] {strides = array<i32>} : memref<8x128xi32, #tpu.memory_space<vmem>>, vector<16xi32>,
    tpu.vector_store %arg13[%swap3A_872, %swap3A_873], %add3A_870 {strides = array<i32>} : memref<8x128xi32, #tpu.memory_space<vmem>>, vector<16xi32>,
    %add3A_875 = arith.constant 114 : i32
    %add3A_876 = vector.broadcast %add3A_875 : i32 to vector<16xi32>
    %add3A_877 = arith.addi %add3A_876, %select_n3A : vector<16xi32>
    %gather3A_878 = tpu.vector_load_idx %arg11[%add3A_877] : memref<128xi32, #tpu.memory_space<vmem>>[vector<16xi32>], vector<16xi32>,
    %add3A_879 = arith.addi %gather3A_878, %mul3A_61 : vector<16xi32>
    %swap3A_880 = arith.constant 7 : i32
    %swap3A_881 = arith.index_cast %swap3A_880 : i32 to index
    %swap3A_882 = arith.constant 16 : index
    %swap3A_883 = tpu.vector_load %arg13[%swap3A_881, %swap3A_882] {strides = array<i32>} : memref<8x128xi32, #tpu.memory_space<vmem>>, vector<16xi32>,
    tpu.vector_store %arg13[%swap3A_881, %swap3A_882], %add3A_879 {strides = array<i32>} : memref<8x128xi32, #tpu.memory_space<vmem>>, vector<16xi32>,
    %add3A_884 = arith.constant 116 : i32
    %add3A_885 = vector.broadcast %add3A_884 : i32 to vector<16xi32>
    %add3A_886 = arith.addi %add3A_885, %select_n3A : vector<16xi32>
    %gather3A_887 = tpu.vector_load_idx %arg11[%add3A_886] : memref<128xi32, #tpu.memory_space<vmem>>[vector<16xi32>], vector<16xi32>,
    %add3A_888 = arith.addi %gather3A_887, %mul3A_61 : vector<16xi32>
    %swap3A_889 = arith.constant 7 : i32
    %swap3A_890 = arith.index_cast %swap3A_889 : i32 to index
    %swap3A_891 = arith.constant 32 : index
    %swap3A_892 = tpu.vector_load %arg13[%swap3A_890, %swap3A_891] {strides = array<i32>} : memref<8x128xi32, #tpu.memory_space<vmem>>, vector<16xi32>,
    tpu.vector_store %arg13[%swap3A_890, %swap3A_891], %add3A_888 {strides = array<i32>} : memref<8x128xi32, #tpu.memory_space<vmem>>, vector<16xi32>,
    %add3A_893 = arith.constant 118 : i32
    %add3A_894 = vector.broadcast %add3A_893 : i32 to vector<16xi32>
    %add3A_895 = arith.addi %add3A_894, %select_n3A : vector<16xi32>
    %gather3A_896 = tpu.vector_load_idx %arg11[%add3A_895] : memref<128xi32, #tpu.memory_space<vmem>>[vector<16xi32>], vector<16xi32>,
    %add3A_897 = arith.addi %gather3A_896, %mul3A_61 : vector<16xi32>
    %swap3A_898 = arith.constant 7 : i32
    %swap3A_899 = arith.index_cast %swap3A_898 : i32 to index
    %swap3A_900 = arith.constant 48 : index
    %swap3A_901 = tpu.vector_load %arg13[%swap3A_899, %swap3A_900] {strides = array<i32>} : memref<8x128xi32, #tpu.memory_space<vmem>>, vector<16xi32>,
    tpu.vector_store %arg13[%swap3A_899, %swap3A_900], %add3A_897 {strides = array<i32>} : memref<8x128xi32, #tpu.memory_space<vmem>>, vector<16xi32>,
    %add3A_902 = arith.constant 120 : i32
    %add3A_903 = vector.broadcast %add3A_902 : i32 to vector<16xi32>
    %add3A_904 = arith.addi %add3A_903, %select_n3A : vector<16xi32>
    %gather3A_905 = tpu.vector_load_idx %arg11[%add3A_904] : memref<128xi32, #tpu.memory_space<vmem>>[vector<16xi32>], vector<16xi32>,
    %add3A_906 = arith.addi %gather3A_905, %mul3A_61 : vector<16xi32>
    %swap3A_907 = arith.constant 7 : i32
    %swap3A_908 = arith.index_cast %swap3A_907 : i32 to index
    %swap3A_909 = arith.constant 64 : index
    %swap3A_910 = tpu.vector_load %arg13[%swap3A_908, %swap3A_909] {strides = array<i32>} : memref<8x128xi32, #tpu.memory_space<vmem>>, vector<16xi32>,
    tpu.vector_store %arg13[%swap3A_908, %swap3A_909], %add3A_906 {strides = array<i32>} : memref<8x128xi32, #tpu.memory_space<vmem>>, vector<16xi32>,
    %add3A_911 = arith.constant 122 : i32
    %add3A_912 = vector.broadcast %add3A_911 : i32 to vector<16xi32>
    %add3A_913 = arith.addi %add3A_912, %select_n3A : vector<16xi32>
    %gather3A_914 = tpu.vector_load_idx %arg11[%add3A_913] : memref<128xi32, #tpu.memory_space<vmem>>[vector<16xi32>], vector<16xi32>,
    %add3A_915 = arith.addi %gather3A_914, %mul3A_61 : vector<16xi32>
    %swap3A_916 = arith.constant 7 : i32
    %swap3A_917 = arith.index_cast %swap3A_916 : i32 to index
    %swap3A_918 = arith.constant 80 : index
    %swap3A_919 = tpu.vector_load %arg13[%swap3A_917, %swap3A_918] {strides = array<i32>} : memref<8x128xi32, #tpu.memory_space<vmem>>, vector<16xi32>,
    tpu.vector_store %arg13[%swap3A_917, %swap3A_918], %add3A_915 {strides = array<i32>} : memref<8x128xi32, #tpu.memory_space<vmem>>, vector<16xi32>,
    %add3A_920 = arith.constant 124 : i32
    %add3A_921 = vector.broadcast %add3A_920 : i32 to vector<16xi32>
    %add3A_922 = arith.addi %add3A_921, %select_n3A : vector<16xi32>
    %gather3A_923 = tpu.vector_load_idx %arg11[%add3A_922] : memref<128xi32, #tpu.memory_space<vmem>>[vector<16xi32>], vector<16xi32>,
    %add3A_924 = arith.addi %gather3A_923, %mul3A_61 : vector<16xi32>
    %swap3A_925 = arith.constant 7 : i32
    %swap3A_926 = arith.index_cast %swap3A_925 : i32 to index
    %swap3A_927 = arith.constant 96 : index
    %swap3A_928 = tpu.vector_load %arg13[%swap3A_926, %swap3A_927] {strides = array<i32>} : memref<8x128xi32, #tpu.memory_space<vmem>>, vector<16xi32>,
    tpu.vector_store %arg13[%swap3A_926, %swap3A_927], %add3A_924 {strides = array<i32>} : memref<8x128xi32, #tpu.memory_space<vmem>>, vector<16xi32>,
    %add3A_929 = arith.constant 126 : i32
    %add3A_930 = vector.broadcast %add3A_929 : i32 to vector<16xi32>
    %add3A_931 = arith.addi %add3A_930, %select_n3A : vector<16xi32>
    %gather3A_932 = tpu.vector_load_idx %arg11[%add3A_931] : memref<128xi32, #tpu.memory_space<vmem>>[vector<16xi32>], vector<16xi32>,
    %add3A_933 = arith.addi %gather3A_932, %mul3A_61 : vector<16xi32>
    %swap3A_934 = arith.constant 7 : i32
    %swap3A_935 = arith.index_cast %swap3A_934 : i32 to index
    %swap3A_936 = arith.constant 112 : index
    %swap3A_937 = tpu.vector_load %arg13[%swap3A_935, %swap3A_936] {strides = array<i32>} : memref<8x128xi32, #tpu.memory_space<vmem>>, vector<16xi32>,
    tpu.vector_store %arg13[%swap3A_935, %swap3A_936], %add3A_933 {strides = array<i32>} : memref<8x128xi32, #tpu.memory_space<vmem>>, vector<16xi32>,
    %dma_start3A_938 = arith.constant 0 : i32
    %dma_start3A_939 = arith.constant 0 : i32
    %dma_start3A_940 = arith.constant 0 : i32
    %dma_start3A_941 = tpu.memref_slice %arg14[%dma_start3A_939, %dma_start3A_940] : memref<8x128xf32, #tpu.memory_space<vmem>> -> memref<1x128xf32, #tpu.memory_space<vmem>>
    %dma_start3A_942 = tpu.memref_squeeze %dma_start3A_941 : memref<1x128xf32, #tpu.memory_space<vmem>> -> memref<128xf32, #tpu.memory_space<vmem>>
    %dma_start3A_943 = arith.constant 0 : i32
    %dma_start3A_944 = tpu.memref_slice %arg13[%dma_start3A_938, %dma_start3A_943] : memref<8x128xi32, #tpu.memory_space<vmem>> -> memref<1x128xi32, #tpu.memory_space<vmem>>
    %dma_start3A_945 = tpu.memref_squeeze %dma_start3A_944 : memref<1x128xi32, #tpu.memory_space<vmem>> -> memref<128xi32, #tpu.memory_space<vmem>>
    %dma_start3A_946 = arith.constant 0 : i32
    %dma_start3A_947 = tpu.memref_slice %arg2[%dma_start3A_946] : memref<8388608xf32, #tpu.memory_space<hbm>> -> memref<8388608xf32, #tpu.memory_space<hbm>>
    tpu.enqueue_indirect_dma source(%dma_start3A_947 : memref<8388608xf32, #tpu.memory_space<hbm>>) target(%dma_start3A_942 : memref<128xf32, #tpu.memory_space<vmem>>) offsets(%dma_start3A_945 : memref<128xi32, #tpu.memory_space<vmem>>) semaphore(%arg18 : memref<!tpu.dma_semaphore, #tpu.memory_space<semaphore_mem>>)
    %dma_start3A_948 = arith.constant 1 : i32
    %dma_start3A_949 = arith.constant 1 : i32
    %dma_start3A_950 = arith.constant 0 : i32
    %dma_start3A_951 = tpu.memref_slice %arg14[%dma_start3A_949, %dma_start3A_950] : memref<8x128xf32, #tpu.memory_space<vmem>> -> memref<1x128xf32, #tpu.memory_space<vmem>>
    %dma_start3A_952 = tpu.memref_squeeze %dma_start3A_951 : memref<1x128xf32, #tpu.memory_space<vmem>> -> memref<128xf32, #tpu.memory_space<vmem>>
    %dma_start3A_953 = arith.constant 0 : i32
    %dma_start3A_954 = tpu.memref_slice %arg13[%dma_start3A_948, %dma_start3A_953] : memref<8x128xi32, #tpu.memory_space<vmem>> -> memref<1x128xi32, #tpu.memory_space<vmem>>
    %dma_start3A_955 = tpu.memref_squeeze %dma_start3A_954 : memref<1x128xi32, #tpu.memory_space<vmem>> -> memref<128xi32, #tpu.memory_space<vmem>>
    %dma_start3A_956 = arith.constant 0 : i32
    %dma_start3A_957 = tpu.memref_slice %arg2[%dma_start3A_956] : memref<8388608xf32, #tpu.memory_space<hbm>> -> memref<8388608xf32, #tpu.memory_space<hbm>>
    tpu.enqueue_indirect_dma source(%dma_start3A_957 : memref<8388608xf32, #tpu.memory_space<hbm>>) target(%dma_start3A_952 : memref<128xf32, #tpu.memory_space<vmem>>) offsets(%dma_start3A_955 : memref<128xi32, #tpu.memory_space<vmem>>) semaphore(%arg18 : memref<!tpu.dma_semaphore, #tpu.memory_space<semaphore_mem>>)
    %dma_start3A_958 = arith.constant 2 : i32
    %dma_start3A_959 = arith.constant 2 : i32
    %dma_start3A_960 = arith.constant 0 : i32
    %dma_start3A_961 = tpu.memref_slice %arg14[%dma_start3A_959, %dma_start3A_960] : memref<8x128xf32, #tpu.memory_space<vmem>> -> memref<1x128xf32, #tpu.memory_space<vmem>>
    %dma_start3A_962 = tpu.memref_squeeze %dma_start3A_961 : memref<1x128xf32, #tpu.memory_space<vmem>> -> memref<128xf32, #tpu.memory_space<vmem>>
    %dma_start3A_963 = arith.constant 0 : i32
    %dma_start3A_964 = tpu.memref_slice %arg13[%dma_start3A_958, %dma_start3A_963] : memref<8x128xi32, #tpu.memory_space<vmem>> -> memref<1x128xi32, #tpu.memory_space<vmem>>
    %dma_start3A_965 = tpu.memref_squeeze %dma_start3A_964 : memref<1x128xi32, #tpu.memory_space<vmem>> -> memref<128xi32, #tpu.memory_space<vmem>>
    %dma_start3A_966 = arith.constant 0 : i32
    %dma_start3A_967 = tpu.memref_slice %arg2[%dma_start3A_966] : memref<8388608xf32, #tpu.memory_space<hbm>> -> memref<8388608xf32, #tpu.memory_space<hbm>>
    tpu.enqueue_indirect_dma source(%dma_start3A_967 : memref<8388608xf32, #tpu.memory_space<hbm>>) target(%dma_start3A_962 : memref<128xf32, #tpu.memory_space<vmem>>) offsets(%dma_start3A_965 : memref<128xi32, #tpu.memory_space<vmem>>) semaphore(%arg18 : memref<!tpu.dma_semaphore, #tpu.memory_space<semaphore_mem>>)
    %dma_start3A_968 = arith.constant 3 : i32
    %dma_start3A_969 = arith.constant 3 : i32
    %dma_start3A_970 = arith.constant 0 : i32
    %dma_start3A_971 = tpu.memref_slice %arg14[%dma_start3A_969, %dma_start3A_970] : memref<8x128xf32, #tpu.memory_space<vmem>> -> memref<1x128xf32, #tpu.memory_space<vmem>>
    %dma_start3A_972 = tpu.memref_squeeze %dma_start3A_971 : memref<1x128xf32, #tpu.memory_space<vmem>> -> memref<128xf32, #tpu.memory_space<vmem>>
    %dma_start3A_973 = arith.constant 0 : i32
    %dma_start3A_974 = tpu.memref_slice %arg13[%dma_start3A_968, %dma_start3A_973] : memref<8x128xi32, #tpu.memory_space<vmem>> -> memref<1x128xi32, #tpu.memory_space<vmem>>
    %dma_start3A_975 = tpu.memref_squeeze %dma_start3A_974 : memref<1x128xi32, #tpu.memory_space<vmem>> -> memref<128xi32, #tpu.memory_space<vmem>>
    %dma_start3A_976 = arith.constant 0 : i32
    %dma_start3A_977 = tpu.memref_slice %arg2[%dma_start3A_976] : memref<8388608xf32, #tpu.memory_space<hbm>> -> memref<8388608xf32, #tpu.memory_space<hbm>>
    tpu.enqueue_indirect_dma source(%dma_start3A_977 : memref<8388608xf32, #tpu.memory_space<hbm>>) target(%dma_start3A_972 : memref<128xf32, #tpu.memory_space<vmem>>) offsets(%dma_start3A_975 : memref<128xi32, #tpu.memory_space<vmem>>) semaphore(%arg18 : memref<!tpu.dma_semaphore, #tpu.memory_space<semaphore_mem>>)
    %dma_start3A_978 = arith.constant 4 : i32
    %dma_start3A_979 = arith.constant 4 : i32
    %dma_start3A_980 = arith.constant 0 : i32
    %dma_start3A_981 = tpu.memref_slice %arg14[%dma_start3A_979, %dma_start3A_980] : memref<8x128xf32, #tpu.memory_space<vmem>> -> memref<1x128xf32, #tpu.memory_space<vmem>>
    %dma_start3A_982 = tpu.memref_squeeze %dma_start3A_981 : memref<1x128xf32, #tpu.memory_space<vmem>> -> memref<128xf32, #tpu.memory_space<vmem>>
    %dma_start3A_983 = arith.constant 0 : i32
    %dma_start3A_984 = tpu.memref_slice %arg13[%dma_start3A_978, %dma_start3A_983] : memref<8x128xi32, #tpu.memory_space<vmem>> -> memref<1x128xi32, #tpu.memory_space<vmem>>
    %dma_start3A_985 = tpu.memref_squeeze %dma_start3A_984 : memref<1x128xi32, #tpu.memory_space<vmem>> -> memref<128xi32, #tpu.memory_space<vmem>>
    %dma_start3A_986 = arith.constant 0 : i32
    %dma_start3A_987 = tpu.memref_slice %arg2[%dma_start3A_986] : memref<8388608xf32, #tpu.memory_space<hbm>> -> memref<8388608xf32, #tpu.memory_space<hbm>>
    tpu.enqueue_indirect_dma source(%dma_start3A_987 : memref<8388608xf32, #tpu.memory_space<hbm>>) target(%dma_start3A_982 : memref<128xf32, #tpu.memory_space<vmem>>) offsets(%dma_start3A_985 : memref<128xi32, #tpu.memory_space<vmem>>) semaphore(%arg18 : memref<!tpu.dma_semaphore, #tpu.memory_space<semaphore_mem>>)
    %dma_start3A_988 = arith.constant 5 : i32
    %dma_start3A_989 = arith.constant 5 : i32
    %dma_start3A_990 = arith.constant 0 : i32
    %dma_start3A_991 = tpu.memref_slice %arg14[%dma_start3A_989, %dma_start3A_990] : memref<8x128xf32, #tpu.memory_space<vmem>> -> memref<1x128xf32, #tpu.memory_space<vmem>>
    %dma_start3A_992 = tpu.memref_squeeze %dma_start3A_991 : memref<1x128xf32, #tpu.memory_space<vmem>> -> memref<128xf32, #tpu.memory_space<vmem>>
    %dma_start3A_993 = arith.constant 0 : i32
    %dma_start3A_994 = tpu.memref_slice %arg13[%dma_start3A_988, %dma_start3A_993] : memref<8x128xi32, #tpu.memory_space<vmem>> -> memref<1x128xi32, #tpu.memory_space<vmem>>
    %dma_start3A_995 = tpu.memref_squeeze %dma_start3A_994 : memref<1x128xi32, #tpu.memory_space<vmem>> -> memref<128xi32, #tpu.memory_space<vmem>>
    %dma_start3A_996 = arith.constant 0 : i32
    %dma_start3A_997 = tpu.memref_slice %arg2[%dma_start3A_996] : memref<8388608xf32, #tpu.memory_space<hbm>> -> memref<8388608xf32, #tpu.memory_space<hbm>>
    tpu.enqueue_indirect_dma source(%dma_start3A_997 : memref<8388608xf32, #tpu.memory_space<hbm>>) target(%dma_start3A_992 : memref<128xf32, #tpu.memory_space<vmem>>) offsets(%dma_start3A_995 : memref<128xi32, #tpu.memory_space<vmem>>) semaphore(%arg18 : memref<!tpu.dma_semaphore, #tpu.memory_space<semaphore_mem>>)
    %dma_start3A_998 = arith.constant 6 : i32
    %dma_start3A_999 = arith.constant 6 : i32
    %dma_start3A_1000 = arith.constant 0 : i32
    %dma_start3A_1001 = tpu.memref_slice %arg14[%dma_start3A_999, %dma_start3A_1000] : memref<8x128xf32, #tpu.memory_space<vmem>> -> memref<1x128xf32, #tpu.memory_space<vmem>>
    %dma_start3A_1002 = tpu.memref_squeeze %dma_start3A_1001 : memref<1x128xf32, #tpu.memory_space<vmem>> -> memref<128xf32, #tpu.memory_space<vmem>>
    %dma_start3A_1003 = arith.constant 0 : i32
    %dma_start3A_1004 = tpu.memref_slice %arg13[%dma_start3A_998, %dma_start3A_1003] : memref<8x128xi32, #tpu.memory_space<vmem>> -> memref<1x128xi32, #tpu.memory_space<vmem>>
    %dma_start3A_1005 = tpu.memref_squeeze %dma_start3A_1004 : memref<1x128xi32, #tpu.memory_space<vmem>> -> memref<128xi32, #tpu.memory_space<vmem>>
    %dma_start3A_1006 = arith.constant 0 : i32
    %dma_start3A_1007 = tpu.memref_slice %arg2[%dma_start3A_1006] : memref<8388608xf32, #tpu.memory_space<hbm>> -> memref<8388608xf32, #tpu.memory_space<hbm>>
    tpu.enqueue_indirect_dma source(%dma_start3A_1007 : memref<8388608xf32, #tpu.memory_space<hbm>>) target(%dma_start3A_1002 : memref<128xf32, #tpu.memory_space<vmem>>) offsets(%dma_start3A_1005 : memref<128xi32, #tpu.memory_space<vmem>>) semaphore(%arg18 : memref<!tpu.dma_semaphore, #tpu.memory_space<semaphore_mem>>)
    %dma_start3A_1008 = arith.constant 7 : i32
    %dma_start3A_1009 = arith.constant 7 : i32
    %dma_start3A_1010 = arith.constant 0 : i32
    %dma_start3A_1011 = tpu.memref_slice %arg14[%dma_start3A_1009, %dma_start3A_1010] : memref<8x128xf32, #tpu.memory_space<vmem>> -> memref<1x128xf32, #tpu.memory_space<vmem>>
    %dma_start3A_1012 = tpu.memref_squeeze %dma_start3A_1011 : memref<1x128xf32, #tpu.memory_space<vmem>> -> memref<128xf32, #tpu.memory_space<vmem>>
    %dma_start3A_1013 = arith.constant 0 : i32
    %dma_start3A_1014 = tpu.memref_slice %arg13[%dma_start3A_1008, %dma_start3A_1013] : memref<8x128xi32, #tpu.memory_space<vmem>> -> memref<1x128xi32, #tpu.memory_space<vmem>>
    %dma_start3A_1015 = tpu.memref_squeeze %dma_start3A_1014 : memref<1x128xi32, #tpu.memory_space<vmem>> -> memref<128xi32, #tpu.memory_space<vmem>>
    %dma_start3A_1016 = arith.constant 0 : i32
    %dma_start3A_1017 = tpu.memref_slice %arg2[%dma_start3A_1016] : memref<8388608xf32, #tpu.memory_space<hbm>> -> memref<8388608xf32, #tpu.memory_space<hbm>>
    tpu.enqueue_indirect_dma source(%dma_start3A_1017 : memref<8388608xf32, #tpu.memory_space<hbm>>) target(%dma_start3A_1012 : memref<128xf32, #tpu.memory_space<vmem>>) offsets(%dma_start3A_1015 : memref<128xi32, #tpu.memory_space<vmem>>) semaphore(%arg18 : memref<!tpu.dma_semaphore, #tpu.memory_space<semaphore_mem>>)
    %dma_wait3A_1018 = arith.constant 0 : i32
    %dma_wait3A_1019 = arith.constant 0 : i32
    %dma_wait3A_1020 = arith.constant 0 : i32
    %dma_wait3A_1021 = tpu.memref_slice %arg14[%dma_wait3A_1019, %dma_wait3A_1020] : memref<8x128xf32, #tpu.memory_space<vmem>> -> memref<1x128xf32, #tpu.memory_space<vmem>>
    %dma_wait3A_1022 = tpu.memref_squeeze %dma_wait3A_1021 : memref<1x128xf32, #tpu.memory_space<vmem>> -> memref<128xf32, #tpu.memory_space<vmem>>
    %dma_wait3A_1023 = arith.constant 0 : i32
    %dma_wait3A_1024 = tpu.memref_slice %arg13[%dma_wait3A_1018, %dma_wait3A_1023] : memref<8x128xi32, #tpu.memory_space<vmem>> -> memref<1x128xi32, #tpu.memory_space<vmem>>
    %dma_wait3A_1025 = tpu.memref_squeeze %dma_wait3A_1024 : memref<1x128xi32, #tpu.memory_space<vmem>> -> memref<128xi32, #tpu.memory_space<vmem>>
    %dma_wait3A_1026 = arith.constant 0 : i32
    %dma_wait3A_1027 = tpu.memref_slice %arg2[%dma_wait3A_1026] : memref<8388608xf32, #tpu.memory_space<hbm>> -> memref<8388608xf32, #tpu.memory_space<hbm>>
    tpu.wait_indirect_dma semaphore(%arg18 : memref<!tpu.dma_semaphore, #tpu.memory_space<semaphore_mem>>) src(%dma_wait3A_1027 : memref<8388608xf32, #tpu.memory_space<hbm>>) dst(%dma_wait3A_1022 : memref<128xf32, #tpu.memory_space<vmem>>)
    %dma_wait3A_1028 = arith.constant 1 : i32
    %dma_wait3A_1029 = arith.constant 1 : i32
    %dma_wait3A_1030 = arith.constant 0 : i32
    %dma_wait3A_1031 = tpu.memref_slice %arg14[%dma_wait3A_1029, %dma_wait3A_1030] : memref<8x128xf32, #tpu.memory_space<vmem>> -> memref<1x128xf32, #tpu.memory_space<vmem>>
    %dma_wait3A_1032 = tpu.memref_squeeze %dma_wait3A_1031 : memref<1x128xf32, #tpu.memory_space<vmem>> -> memref<128xf32, #tpu.memory_space<vmem>>
    %dma_wait3A_1033 = arith.constant 0 : i32
    %dma_wait3A_1034 = tpu.memref_slice %arg13[%dma_wait3A_1028, %dma_wait3A_1033] : memref<8x128xi32, #tpu.memory_space<vmem>> -> memref<1x128xi32, #tpu.memory_space<vmem>>
    %dma_wait3A_1035 = tpu.memref_squeeze %dma_wait3A_1034 : memref<1x128xi32, #tpu.memory_space<vmem>> -> memref<128xi32, #tpu.memory_space<vmem>>
    %dma_wait3A_1036 = arith.constant 0 : i32
    %dma_wait3A_1037 = tpu.memref_slice %arg2[%dma_wait3A_1036] : memref<8388608xf32, #tpu.memory_space<hbm>> -> memref<8388608xf32, #tpu.memory_space<hbm>>
    tpu.wait_indirect_dma semaphore(%arg18 : memref<!tpu.dma_semaphore, #tpu.memory_space<semaphore_mem>>) src(%dma_wait3A_1037 : memref<8388608xf32, #tpu.memory_space<hbm>>) dst(%dma_wait3A_1032 : memref<128xf32, #tpu.memory_space<vmem>>)
    %dma_wait3A_1038 = arith.constant 2 : i32
    %dma_wait3A_1039 = arith.constant 2 : i32
    %dma_wait3A_1040 = arith.constant 0 : i32
    %dma_wait3A_1041 = tpu.memref_slice %arg14[%dma_wait3A_1039, %dma_wait3A_1040] : memref<8x128xf32, #tpu.memory_space<vmem>> -> memref<1x128xf32, #tpu.memory_space<vmem>>
    %dma_wait3A_1042 = tpu.memref_squeeze %dma_wait3A_1041 : memref<1x128xf32, #tpu.memory_space<vmem>> -> memref<128xf32, #tpu.memory_space<vmem>>
    %dma_wait3A_1043 = arith.constant 0 : i32
    %dma_wait3A_1044 = tpu.memref_slice %arg13[%dma_wait3A_1038, %dma_wait3A_1043] : memref<8x128xi32, #tpu.memory_space<vmem>> -> memref<1x128xi32, #tpu.memory_space<vmem>>
    %dma_wait3A_1045 = tpu.memref_squeeze %dma_wait3A_1044 : memref<1x128xi32, #tpu.memory_space<vmem>> -> memref<128xi32, #tpu.memory_space<vmem>>
    %dma_wait3A_1046 = arith.constant 0 : i32
    %dma_wait3A_1047 = tpu.memref_slice %arg2[%dma_wait3A_1046] : memref<8388608xf32, #tpu.memory_space<hbm>> -> memref<8388608xf32, #tpu.memory_space<hbm>>
    tpu.wait_indirect_dma semaphore(%arg18 : memref<!tpu.dma_semaphore, #tpu.memory_space<semaphore_mem>>) src(%dma_wait3A_1047 : memref<8388608xf32, #tpu.memory_space<hbm>>) dst(%dma_wait3A_1042 : memref<128xf32, #tpu.memory_space<vmem>>)
    %dma_wait3A_1048 = arith.constant 3 : i32
    %dma_wait3A_1049 = arith.constant 3 : i32
    %dma_wait3A_1050 = arith.constant 0 : i32
    %dma_wait3A_1051 = tpu.memref_slice %arg14[%dma_wait3A_1049, %dma_wait3A_1050] : memref<8x128xf32, #tpu.memory_space<vmem>> -> memref<1x128xf32, #tpu.memory_space<vmem>>
    %dma_wait3A_1052 = tpu.memref_squeeze %dma_wait3A_1051 : memref<1x128xf32, #tpu.memory_space<vmem>> -> memref<128xf32, #tpu.memory_space<vmem>>
    %dma_wait3A_1053 = arith.constant 0 : i32
    %dma_wait3A_1054 = tpu.memref_slice %arg13[%dma_wait3A_1048, %dma_wait3A_1053] : memref<8x128xi32, #tpu.memory_space<vmem>> -> memref<1x128xi32, #tpu.memory_space<vmem>>
    %dma_wait3A_1055 = tpu.memref_squeeze %dma_wait3A_1054 : memref<1x128xi32, #tpu.memory_space<vmem>> -> memref<128xi32, #tpu.memory_space<vmem>>
    %dma_wait3A_1056 = arith.constant 0 : i32
    %dma_wait3A_1057 = tpu.memref_slice %arg2[%dma_wait3A_1056] : memref<8388608xf32, #tpu.memory_space<hbm>> -> memref<8388608xf32, #tpu.memory_space<hbm>>
    tpu.wait_indirect_dma semaphore(%arg18 : memref<!tpu.dma_semaphore, #tpu.memory_space<semaphore_mem>>) src(%dma_wait3A_1057 : memref<8388608xf32, #tpu.memory_space<hbm>>) dst(%dma_wait3A_1052 : memref<128xf32, #tpu.memory_space<vmem>>)
    %dma_wait3A_1058 = arith.constant 4 : i32
    %dma_wait3A_1059 = arith.constant 4 : i32
    %dma_wait3A_1060 = arith.constant 0 : i32
    %dma_wait3A_1061 = tpu.memref_slice %arg14[%dma_wait3A_1059, %dma_wait3A_1060] : memref<8x128xf32, #tpu.memory_space<vmem>> -> memref<1x128xf32, #tpu.memory_space<vmem>>
    %dma_wait3A_1062 = tpu.memref_squeeze %dma_wait3A_1061 : memref<1x128xf32, #tpu.memory_space<vmem>> -> memref<128xf32, #tpu.memory_space<vmem>>
    %dma_wait3A_1063 = arith.constant 0 : i32
    %dma_wait3A_1064 = tpu.memref_slice %arg13[%dma_wait3A_1058, %dma_wait3A_1063] : memref<8x128xi32, #tpu.memory_space<vmem>> -> memref<1x128xi32, #tpu.memory_space<vmem>>
    %dma_wait3A_1065 = tpu.memref_squeeze %dma_wait3A_1064 : memref<1x128xi32, #tpu.memory_space<vmem>> -> memref<128xi32, #tpu.memory_space<vmem>>
    %dma_wait3A_1066 = arith.constant 0 : i32
    %dma_wait3A_1067 = tpu.memref_slice %arg2[%dma_wait3A_1066] : memref<8388608xf32, #tpu.memory_space<hbm>> -> memref<8388608xf32, #tpu.memory_space<hbm>>
    tpu.wait_indirect_dma semaphore(%arg18 : memref<!tpu.dma_semaphore, #tpu.memory_space<semaphore_mem>>) src(%dma_wait3A_1067 : memref<8388608xf32, #tpu.memory_space<hbm>>) dst(%dma_wait3A_1062 : memref<128xf32, #tpu.memory_space<vmem>>)
    %dma_wait3A_1068 = arith.constant 5 : i32
    %dma_wait3A_1069 = arith.constant 5 : i32
    %dma_wait3A_1070 = arith.constant 0 : i32
    %dma_wait3A_1071 = tpu.memref_slice %arg14[%dma_wait3A_1069, %dma_wait3A_1070] : memref<8x128xf32, #tpu.memory_space<vmem>> -> memref<1x128xf32, #tpu.memory_space<vmem>>
    %dma_wait3A_1072 = tpu.memref_squeeze %dma_wait3A_1071 : memref<1x128xf32, #tpu.memory_space<vmem>> -> memref<128xf32, #tpu.memory_space<vmem>>
    %dma_wait3A_1073 = arith.constant 0 : i32
    %dma_wait3A_1074 = tpu.memref_slice %arg13[%dma_wait3A_1068, %dma_wait3A_1073] : memref<8x128xi32, #tpu.memory_space<vmem>> -> memref<1x128xi32, #tpu.memory_space<vmem>>
    %dma_wait3A_1075 = tpu.memref_squeeze %dma_wait3A_1074 : memref<1x128xi32, #tpu.memory_space<vmem>> -> memref<128xi32, #tpu.memory_space<vmem>>
    %dma_wait3A_1076 = arith.constant 0 : i32
    %dma_wait3A_1077 = tpu.memref_slice %arg2[%dma_wait3A_1076] : memref<8388608xf32, #tpu.memory_space<hbm>> -> memref<8388608xf32, #tpu.memory_space<hbm>>
    tpu.wait_indirect_dma semaphore(%arg18 : memref<!tpu.dma_semaphore, #tpu.memory_space<semaphore_mem>>) src(%dma_wait3A_1077 : memref<8388608xf32, #tpu.memory_space<hbm>>) dst(%dma_wait3A_1072 : memref<128xf32, #tpu.memory_space<vmem>>)
    %dma_wait3A_1078 = arith.constant 6 : i32
    %dma_wait3A_1079 = arith.constant 6 : i32
    %dma_wait3A_1080 = arith.constant 0 : i32
    %dma_wait3A_1081 = tpu.memref_slice %arg14[%dma_wait3A_1079, %dma_wait3A_1080] : memref<8x128xf32, #tpu.memory_space<vmem>> -> memref<1x128xf32, #tpu.memory_space<vmem>>
    %dma_wait3A_1082 = tpu.memref_squeeze %dma_wait3A_1081 : memref<1x128xf32, #tpu.memory_space<vmem>> -> memref<128xf32, #tpu.memory_space<vmem>>
    %dma_wait3A_1083 = arith.constant 0 : i32
    %dma_wait3A_1084 = tpu.memref_slice %arg13[%dma_wait3A_1078, %dma_wait3A_1083] : memref<8x128xi32, #tpu.memory_space<vmem>> -> memref<1x128xi32, #tpu.memory_space<vmem>>
    %dma_wait3A_1085 = tpu.memref_squeeze %dma_wait3A_1084 : memref<1x128xi32, #tpu.memory_space<vmem>> -> memref<128xi32, #tpu.memory_space<vmem>>
    %dma_wait3A_1086 = arith.constant 0 : i32
    %dma_wait3A_1087 = tpu.memref_slice %arg2[%dma_wait3A_1086] : memref<8388608xf32, #tpu.memory_space<hbm>> -> memref<8388608xf32, #tpu.memory_space<hbm>>
    tpu.wait_indirect_dma semaphore(%arg18 : memref<!tpu.dma_semaphore, #tpu.memory_space<semaphore_mem>>) src(%dma_wait3A_1087 : memref<8388608xf32, #tpu.memory_space<hbm>>) dst(%dma_wait3A_1082 : memref<128xf32, #tpu.memory_space<vmem>>)
    %dma_wait3A_1088 = arith.constant 7 : i32
    %dma_wait3A_1089 = arith.constant 7 : i32
    %dma_wait3A_1090 = arith.constant 0 : i32
    %dma_wait3A_1091 = tpu.memref_slice %arg14[%dma_wait3A_1089, %dma_wait3A_1090] : memref<8x128xf32, #tpu.memory_space<vmem>> -> memref<1x128xf32, #tpu.memory_space<vmem>>
    %dma_wait3A_1092 = tpu.memref_squeeze %dma_wait3A_1091 : memref<1x128xf32, #tpu.memory_space<vmem>> -> memref<128xf32, #tpu.memory_space<vmem>>
    %dma_wait3A_1093 = arith.constant 0 : i32
    %dma_wait3A_1094 = tpu.memref_slice %arg13[%dma_wait3A_1088, %dma_wait3A_1093] : memref<8x128xi32, #tpu.memory_space<vmem>> -> memref<1x128xi32, #tpu.memory_space<vmem>>
    %dma_wait3A_1095 = tpu.memref_squeeze %dma_wait3A_1094 : memref<1x128xi32, #tpu.memory_space<vmem>> -> memref<128xi32, #tpu.memory_space<vmem>>
    %dma_wait3A_1096 = arith.constant 0 : i32
    %dma_wait3A_1097 = tpu.memref_slice %arg2[%dma_wait3A_1096] : memref<8388608xf32, #tpu.memory_space<hbm>> -> memref<8388608xf32, #tpu.memory_space<hbm>>
    tpu.wait_indirect_dma semaphore(%arg18 : memref<!tpu.dma_semaphore, #tpu.memory_space<semaphore_mem>>) src(%dma_wait3A_1097 : memref<8388608xf32, #tpu.memory_space<hbm>>) dst(%dma_wait3A_1092 : memref<128xf32, #tpu.memory_space<vmem>>)
    %broadcast_in_dim3A_1098 = arith.constant 0.000000e+00 : f32
    %broadcast_in_dim3A_1099 = vector.broadcast %broadcast_in_dim3A_1098 : f32 to vector<16xf32>
    %get3A_1100 = arith.constant 0 : index
    %get3A_1101 = tpu.vector_load %arg10[%get3A_1100] {strides = array<i32>} : memref<128xf32, #tpu.memory_space<vmem>>, vector<16xf32>,
    %add3A_1102 = arith.addf %broadcast_in_dim3A_1099, %get3A_1101 : vector<16xf32>
    %get3A_1103 = arith.constant 16 : index
    %get3A_1104 = tpu.vector_load %arg10[%get3A_1103] {strides = array<i32>} : memref<128xf32, #tpu.memory_space<vmem>>, vector<16xf32>,
    %add3A_1105 = arith.addf %add3A_1102, %get3A_1104 : vector<16xf32>
    %get3A_1106 = arith.constant 32 : index
    %get3A_1107 = tpu.vector_load %arg10[%get3A_1106] {strides = array<i32>} : memref<128xf32, #tpu.memory_space<vmem>>, vector<16xf32>,
    %add3A_1108 = arith.addf %add3A_1105, %get3A_1107 : vector<16xf32>
    %get3A_1109 = arith.constant 48 : index
    %get3A_1110 = tpu.vector_load %arg10[%get3A_1109] {strides = array<i32>} : memref<128xf32, #tpu.memory_space<vmem>>, vector<16xf32>,
    %add3A_1111 = arith.addf %add3A_1108, %get3A_1110 : vector<16xf32>
    %get3A_1112 = arith.constant 64 : index
    %get3A_1113 = tpu.vector_load %arg10[%get3A_1112] {strides = array<i32>} : memref<128xf32, #tpu.memory_space<vmem>>, vector<16xf32>,
    %add3A_1114 = arith.addf %add3A_1111, %get3A_1113 : vector<16xf32>
    %get3A_1115 = arith.constant 80 : index
    %get3A_1116 = tpu.vector_load %arg10[%get3A_1115] {strides = array<i32>} : memref<128xf32, #tpu.memory_space<vmem>>, vector<16xf32>,
    %add3A_1117 = arith.addf %add3A_1114, %get3A_1116 : vector<16xf32>
    %get3A_1118 = arith.constant 96 : index
    %get3A_1119 = tpu.vector_load %arg10[%get3A_1118] {strides = array<i32>} : memref<128xf32, #tpu.memory_space<vmem>>, vector<16xf32>,
    %add3A_1120 = arith.addf %add3A_1117, %get3A_1119 : vector<16xf32>
    %get3A_1121 = arith.constant 112 : index
    %get3A_1122 = tpu.vector_load %arg10[%get3A_1121] {strides = array<i32>} : memref<128xf32, #tpu.memory_space<vmem>>, vector<16xf32>,
    %add3A_1123 = arith.addf %add3A_1120, %get3A_1122 : vector<16xf32>
    %broadcast_in_dim3A_1124 = arith.constant 0.000000e+00 : f32
    %broadcast_in_dim3A_1125 = vector.broadcast %broadcast_in_dim3A_1124 : f32 to vector<16xf32>
    %get3A_1126 = arith.constant 0 : i32
    %get3A_1127 = arith.index_cast %get3A_1126 : i32 to index
    %get3A_1128 = arith.constant 0 : index
    %get3A_1129 = tpu.vector_load %arg14[%get3A_1127, %get3A_1128] {strides = array<i32>} : memref<8x128xf32, #tpu.memory_space<vmem>>, vector<16xf32>,
    %get3A_1130 = arith.constant 0 : index
    %get3A_1131 = tpu.vector_load %arg12[%get3A_1130] {strides = array<i32>} : memref<1024xf32, #tpu.memory_space<vmem>>, vector<16xf32>,
    %add3A_1132 = arith.constant 0 : i32
    %add3A_1133 = vector.broadcast %add3A_1132 : i32 to vector<16xi32>
    %add3A_1134 = arith.addi %add3A_1133, %select_n3A : vector<16xi32>
    %gather3A_1135 = tpu.vector_load_idx %arg10[%add3A_1134] : memref<128xf32, #tpu.memory_space<vmem>>[vector<16xi32>], vector<16xf32>,
    %sub3A_1136 = arith.subf %get3A_1129, %get3A_1131 : vector<16xf32>
    %abs3A = math.absf %sub3A_1136 : vector<16xf32>
    %mul3A_1137 = arith.mulf %gather3A_1135, %abs3A : vector<16xf32>
    %add3A_1138 = arith.addf %broadcast_in_dim3A_1125, %mul3A_1137 : vector<16xf32>
    %get3A_1139 = arith.constant 0 : i32
    %get3A_1140 = arith.index_cast %get3A_1139 : i32 to index
    %get3A_1141 = arith.constant 16 : index
    %get3A_1142 = tpu.vector_load %arg14[%get3A_1140, %get3A_1141] {strides = array<i32>} : memref<8x128xf32, #tpu.memory_space<vmem>>, vector<16xf32>,
    %get3A_1143 = arith.constant 16 : index
    %get3A_1144 = tpu.vector_load %arg12[%get3A_1143] {strides = array<i32>} : memref<1024xf32, #tpu.memory_space<vmem>>, vector<16xf32>,
    %add3A_1145 = arith.constant 2 : i32
    %add3A_1146 = vector.broadcast %add3A_1145 : i32 to vector<16xi32>
    %add3A_1147 = arith.addi %add3A_1146, %select_n3A : vector<16xi32>
    %gather3A_1148 = tpu.vector_load_idx %arg10[%add3A_1147] : memref<128xf32, #tpu.memory_space<vmem>>[vector<16xi32>], vector<16xf32>,
    %sub3A_1149 = arith.subf %get3A_1142, %get3A_1144 : vector<16xf32>
    %abs3A_1150 = math.absf %sub3A_1149 : vector<16xf32>
    %mul3A_1151 = arith.mulf %gather3A_1148, %abs3A_1150 : vector<16xf32>
    %add3A_1152 = arith.addf %add3A_1138, %mul3A_1151 : vector<16xf32>
    %get3A_1153 = arith.constant 0 : i32
    %get3A_1154 = arith.index_cast %get3A_1153 : i32 to index
    %get3A_1155 = arith.constant 32 : index
    %get3A_1156 = tpu.vector_load %arg14[%get3A_1154, %get3A_1155] {strides = array<i32>} : memref<8x128xf32, #tpu.memory_space<vmem>>, vector<16xf32>,
    %get3A_1157 = arith.constant 32 : index
    %get3A_1158 = tpu.vector_load %arg12[%get3A_1157] {strides = array<i32>} : memref<1024xf32, #tpu.memory_space<vmem>>, vector<16xf32>,
    %add3A_1159 = arith.constant 4 : i32
    %add3A_1160 = vector.broadcast %add3A_1159 : i32 to vector<16xi32>
    %add3A_1161 = arith.addi %add3A_1160, %select_n3A : vector<16xi32>
    %gather3A_1162 = tpu.vector_load_idx %arg10[%add3A_1161] : memref<128xf32, #tpu.memory_space<vmem>>[vector<16xi32>], vector<16xf32>,
    %sub3A_1163 = arith.subf %get3A_1156, %get3A_1158 : vector<16xf32>
    %abs3A_1164 = math.absf %sub3A_1163 : vector<16xf32>
    %mul3A_1165 = arith.mulf %gather3A_1162, %abs3A_1164 : vector<16xf32>
    %add3A_1166 = arith.addf %add3A_1152, %mul3A_1165 : vector<16xf32>
    %get3A_1167 = arith.constant 0 : i32
    %get3A_1168 = arith.index_cast %get3A_1167 : i32 to index
    %get3A_1169 = arith.constant 48 : index
    %get3A_1170 = tpu.vector_load %arg14[%get3A_1168, %get3A_1169] {strides = array<i32>} : memref<8x128xf32, #tpu.memory_space<vmem>>, vector<16xf32>,
    %get3A_1171 = arith.constant 48 : index
    %get3A_1172 = tpu.vector_load %arg12[%get3A_1171] {strides = array<i32>} : memref<1024xf32, #tpu.memory_space<vmem>>, vector<16xf32>,
    %add3A_1173 = arith.constant 6 : i32
    %add3A_1174 = vector.broadcast %add3A_1173 : i32 to vector<16xi32>
    %add3A_1175 = arith.addi %add3A_1174, %select_n3A : vector<16xi32>
    %gather3A_1176 = tpu.vector_load_idx %arg10[%add3A_1175] : memref<128xf32, #tpu.memory_space<vmem>>[vector<16xi32>], vector<16xf32>,
    %sub3A_1177 = arith.subf %get3A_1170, %get3A_1172 : vector<16xf32>
    %abs3A_1178 = math.absf %sub3A_1177 : vector<16xf32>
    %mul3A_1179 = arith.mulf %gather3A_1176, %abs3A_1178 : vector<16xf32>
    %add3A_1180 = arith.addf %add3A_1166, %mul3A_1179 : vector<16xf32>
    %get3A_1181 = arith.constant 0 : i32
    %get3A_1182 = arith.index_cast %get3A_1181 : i32 to index
    %get3A_1183 = arith.constant 64 : index
    %get3A_1184 = tpu.vector_load %arg14[%get3A_1182, %get3A_1183] {strides = array<i32>} : memref<8x128xf32, #tpu.memory_space<vmem>>, vector<16xf32>,
    %get3A_1185 = arith.constant 64 : index
    %get3A_1186 = tpu.vector_load %arg12[%get3A_1185] {strides = array<i32>} : memref<1024xf32, #tpu.memory_space<vmem>>, vector<16xf32>,
    %add3A_1187 = arith.constant 8 : i32
    %add3A_1188 = vector.broadcast %add3A_1187 : i32 to vector<16xi32>
    %add3A_1189 = arith.addi %add3A_1188, %select_n3A : vector<16xi32>
    %gather3A_1190 = tpu.vector_load_idx %arg10[%add3A_1189] : memref<128xf32, #tpu.memory_space<vmem>>[vector<16xi32>], vector<16xf32>,
    %sub3A_1191 = arith.subf %get3A_1184, %get3A_1186 : vector<16xf32>
    %abs3A_1192 = math.absf %sub3A_1191 : vector<16xf32>
    %mul3A_1193 = arith.mulf %gather3A_1190, %abs3A_1192 : vector<16xf32>
    %add3A_1194 = arith.addf %add3A_1180, %mul3A_1193 : vector<16xf32>
    %get3A_1195 = arith.constant 0 : i32
    %get3A_1196 = arith.index_cast %get3A_1195 : i32 to index
    %get3A_1197 = arith.constant 80 : index
    %get3A_1198 = tpu.vector_load %arg14[%get3A_1196, %get3A_1197] {strides = array<i32>} : memref<8x128xf32, #tpu.memory_space<vmem>>, vector<16xf32>,
    %get3A_1199 = arith.constant 80 : index
    %get3A_1200 = tpu.vector_load %arg12[%get3A_1199] {strides = array<i32>} : memref<1024xf32, #tpu.memory_space<vmem>>, vector<16xf32>,
    %add3A_1201 = arith.constant 10 : i32
    %add3A_1202 = vector.broadcast %add3A_1201 : i32 to vector<16xi32>
    %add3A_1203 = arith.addi %add3A_1202, %select_n3A : vector<16xi32>
    %gather3A_1204 = tpu.vector_load_idx %arg10[%add3A_1203] : memref<128xf32, #tpu.memory_space<vmem>>[vector<16xi32>], vector<16xf32>,
    %sub3A_1205 = arith.subf %get3A_1198, %get3A_1200 : vector<16xf32>
    %abs3A_1206 = math.absf %sub3A_1205 : vector<16xf32>
    %mul3A_1207 = arith.mulf %gather3A_1204, %abs3A_1206 : vector<16xf32>
    %add3A_1208 = arith.addf %add3A_1194, %mul3A_1207 : vector<16xf32>
    %get3A_1209 = arith.constant 0 : i32
    %get3A_1210 = arith.index_cast %get3A_1209 : i32 to index
    %get3A_1211 = arith.constant 96 : index
    %get3A_1212 = tpu.vector_load %arg14[%get3A_1210, %get3A_1211] {strides = array<i32>} : memref<8x128xf32, #tpu.memory_space<vmem>>, vector<16xf32>,
    %get3A_1213 = arith.constant 96 : index
    %get3A_1214 = tpu.vector_load %arg12[%get3A_1213] {strides = array<i32>} : memref<1024xf32, #tpu.memory_space<vmem>>, vector<16xf32>,
    %add3A_1215 = arith.constant 12 : i32
    %add3A_1216 = vector.broadcast %add3A_1215 : i32 to vector<16xi32>
    %add3A_1217 = arith.addi %add3A_1216, %select_n3A : vector<16xi32>
    %gather3A_1218 = tpu.vector_load_idx %arg10[%add3A_1217] : memref<128xf32, #tpu.memory_space<vmem>>[vector<16xi32>], vector<16xf32>,
    %sub3A_1219 = arith.subf %get3A_1212, %get3A_1214 : vector<16xf32>
    %abs3A_1220 = math.absf %sub3A_1219 : vector<16xf32>
    %mul3A_1221 = arith.mulf %gather3A_1218, %abs3A_1220 : vector<16xf32>
    %add3A_1222 = arith.addf %add3A_1208, %mul3A_1221 : vector<16xf32>
    %get3A_1223 = arith.constant 0 : i32
    %get3A_1224 = arith.index_cast %get3A_1223 : i32 to index
    %get3A_1225 = arith.constant 112 : index
    %get3A_1226 = tpu.vector_load %arg14[%get3A_1224, %get3A_1225] {strides = array<i32>} : memref<8x128xf32, #tpu.memory_space<vmem>>, vector<16xf32>,
    %get3A_1227 = arith.constant 112 : index
    %get3A_1228 = tpu.vector_load %arg12[%get3A_1227] {strides = array<i32>} : memref<1024xf32, #tpu.memory_space<vmem>>, vector<16xf32>,
    %add3A_1229 = arith.constant 14 : i32
    %add3A_1230 = vector.broadcast %add3A_1229 : i32 to vector<16xi32>
    %add3A_1231 = arith.addi %add3A_1230, %select_n3A : vector<16xi32>
    %gather3A_1232 = tpu.vector_load_idx %arg10[%add3A_1231] : memref<128xf32, #tpu.memory_space<vmem>>[vector<16xi32>], vector<16xf32>,
    %sub3A_1233 = arith.subf %get3A_1226, %get3A_1228 : vector<16xf32>
    %abs3A_1234 = math.absf %sub3A_1233 : vector<16xf32>
    %mul3A_1235 = arith.mulf %gather3A_1232, %abs3A_1234 : vector<16xf32>
    %add3A_1236 = arith.addf %add3A_1222, %mul3A_1235 : vector<16xf32>
    %get3A_1237 = arith.constant 1 : i32
    %get3A_1238 = arith.index_cast %get3A_1237 : i32 to index
    %get3A_1239 = arith.constant 0 : index
    %get3A_1240 = tpu.vector_load %arg14[%get3A_1238, %get3A_1239] {strides = array<i32>} : memref<8x128xf32, #tpu.memory_space<vmem>>, vector<16xf32>,
    %get3A_1241 = arith.constant 128 : index
    %get3A_1242 = tpu.vector_load %arg12[%get3A_1241] {strides = array<i32>} : memref<1024xf32, #tpu.memory_space<vmem>>, vector<16xf32>,
    %add3A_1243 = arith.constant 16 : i32
    %add3A_1244 = vector.broadcast %add3A_1243 : i32 to vector<16xi32>
    %add3A_1245 = arith.addi %add3A_1244, %select_n3A : vector<16xi32>
    %gather3A_1246 = tpu.vector_load_idx %arg10[%add3A_1245] : memref<128xf32, #tpu.memory_space<vmem>>[vector<16xi32>], vector<16xf32>,
    %sub3A_1247 = arith.subf %get3A_1240, %get3A_1242 : vector<16xf32>
    %abs3A_1248 = math.absf %sub3A_1247 : vector<16xf32>
    %mul3A_1249 = arith.mulf %gather3A_1246, %abs3A_1248 : vector<16xf32>
    %add3A_1250 = arith.addf %add3A_1236, %mul3A_1249 : vector<16xf32>
    %get3A_1251 = arith.constant 1 : i32
    %get3A_1252 = arith.index_cast %get3A_1251 : i32 to index
    %get3A_1253 = arith.constant 16 : index
    %get3A_1254 = tpu.vector_load %arg14[%get3A_1252, %get3A_1253] {strides = array<i32>} : memref<8x128xf32, #tpu.memory_space<vmem>>, vector<16xf32>,
    %get3A_1255 = arith.constant 144 : index
    %get3A_1256 = tpu.vector_load %arg12[%get3A_1255] {strides = array<i32>} : memref<1024xf32, #tpu.memory_space<vmem>>, vector<16xf32>,
    %add3A_1257 = arith.constant 18 : i32
    %add3A_1258 = vector.broadcast %add3A_1257 : i32 to vector<16xi32>
    %add3A_1259 = arith.addi %add3A_1258, %select_n3A : vector<16xi32>
    %gather3A_1260 = tpu.vector_load_idx %arg10[%add3A_1259] : memref<128xf32, #tpu.memory_space<vmem>>[vector<16xi32>], vector<16xf32>,
    %sub3A_1261 = arith.subf %get3A_1254, %get3A_1256 : vector<16xf32>
    %abs3A_1262 = math.absf %sub3A_1261 : vector<16xf32>
    %mul3A_1263 = arith.mulf %gather3A_1260, %abs3A_1262 : vector<16xf32>
    %add3A_1264 = arith.addf %add3A_1250, %mul3A_1263 : vector<16xf32>
    %get3A_1265 = arith.constant 1 : i32
    %get3A_1266 = arith.index_cast %get3A_1265 : i32 to index
    %get3A_1267 = arith.constant 32 : index
    %get3A_1268 = tpu.vector_load %arg14[%get3A_1266, %get3A_1267] {strides = array<i32>} : memref<8x128xf32, #tpu.memory_space<vmem>>, vector<16xf32>,
    %get3A_1269 = arith.constant 160 : index
    %get3A_1270 = tpu.vector_load %arg12[%get3A_1269] {strides = array<i32>} : memref<1024xf32, #tpu.memory_space<vmem>>, vector<16xf32>,
    %add3A_1271 = arith.constant 20 : i32
    %add3A_1272 = vector.broadcast %add3A_1271 : i32 to vector<16xi32>
    %add3A_1273 = arith.addi %add3A_1272, %select_n3A : vector<16xi32>
    %gather3A_1274 = tpu.vector_load_idx %arg10[%add3A_1273] : memref<128xf32, #tpu.memory_space<vmem>>[vector<16xi32>], vector<16xf32>,
    %sub3A_1275 = arith.subf %get3A_1268, %get3A_1270 : vector<16xf32>
    %abs3A_1276 = math.absf %sub3A_1275 : vector<16xf32>
    %mul3A_1277 = arith.mulf %gather3A_1274, %abs3A_1276 : vector<16xf32>
    %add3A_1278 = arith.addf %add3A_1264, %mul3A_1277 : vector<16xf32>
    %get3A_1279 = arith.constant 1 : i32
    %get3A_1280 = arith.index_cast %get3A_1279 : i32 to index
    %get3A_1281 = arith.constant 48 : index
    %get3A_1282 = tpu.vector_load %arg14[%get3A_1280, %get3A_1281] {strides = array<i32>} : memref<8x128xf32, #tpu.memory_space<vmem>>, vector<16xf32>,
    %get3A_1283 = arith.constant 176 : index
    %get3A_1284 = tpu.vector_load %arg12[%get3A_1283] {strides = array<i32>} : memref<1024xf32, #tpu.memory_space<vmem>>, vector<16xf32>,
    %add3A_1285 = arith.constant 22 : i32
    %add3A_1286 = vector.broadcast %add3A_1285 : i32 to vector<16xi32>
    %add3A_1287 = arith.addi %add3A_1286, %select_n3A : vector<16xi32>
    %gather3A_1288 = tpu.vector_load_idx %arg10[%add3A_1287] : memref<128xf32, #tpu.memory_space<vmem>>[vector<16xi32>], vector<16xf32>,
    %sub3A_1289 = arith.subf %get3A_1282, %get3A_1284 : vector<16xf32>
    %abs3A_1290 = math.absf %sub3A_1289 : vector<16xf32>
    %mul3A_1291 = arith.mulf %gather3A_1288, %abs3A_1290 : vector<16xf32>
    %add3A_1292 = arith.addf %add3A_1278, %mul3A_1291 : vector<16xf32>
    %get3A_1293 = arith.constant 1 : i32
    %get3A_1294 = arith.index_cast %get3A_1293 : i32 to index
    %get3A_1295 = arith.constant 64 : index
    %get3A_1296 = tpu.vector_load %arg14[%get3A_1294, %get3A_1295] {strides = array<i32>} : memref<8x128xf32, #tpu.memory_space<vmem>>, vector<16xf32>,
    %get3A_1297 = arith.constant 192 : index
    %get3A_1298 = tpu.vector_load %arg12[%get3A_1297] {strides = array<i32>} : memref<1024xf32, #tpu.memory_space<vmem>>, vector<16xf32>,
    %add3A_1299 = arith.constant 24 : i32
    %add3A_1300 = vector.broadcast %add3A_1299 : i32 to vector<16xi32>
    %add3A_1301 = arith.addi %add3A_1300, %select_n3A : vector<16xi32>
    %gather3A_1302 = tpu.vector_load_idx %arg10[%add3A_1301] : memref<128xf32, #tpu.memory_space<vmem>>[vector<16xi32>], vector<16xf32>,
    %sub3A_1303 = arith.subf %get3A_1296, %get3A_1298 : vector<16xf32>
    %abs3A_1304 = math.absf %sub3A_1303 : vector<16xf32>
    %mul3A_1305 = arith.mulf %gather3A_1302, %abs3A_1304 : vector<16xf32>
    %add3A_1306 = arith.addf %add3A_1292, %mul3A_1305 : vector<16xf32>
    %get3A_1307 = arith.constant 1 : i32
    %get3A_1308 = arith.index_cast %get3A_1307 : i32 to index
    %get3A_1309 = arith.constant 80 : index
    %get3A_1310 = tpu.vector_load %arg14[%get3A_1308, %get3A_1309] {strides = array<i32>} : memref<8x128xf32, #tpu.memory_space<vmem>>, vector<16xf32>,
    %get3A_1311 = arith.constant 208 : index
    %get3A_1312 = tpu.vector_load %arg12[%get3A_1311] {strides = array<i32>} : memref<1024xf32, #tpu.memory_space<vmem>>, vector<16xf32>,
    %add3A_1313 = arith.constant 26 : i32
    %add3A_1314 = vector.broadcast %add3A_1313 : i32 to vector<16xi32>
    %add3A_1315 = arith.addi %add3A_1314, %select_n3A : vector<16xi32>
    %gather3A_1316 = tpu.vector_load_idx %arg10[%add3A_1315] : memref<128xf32, #tpu.memory_space<vmem>>[vector<16xi32>], vector<16xf32>,
    %sub3A_1317 = arith.subf %get3A_1310, %get3A_1312 : vector<16xf32>
    %abs3A_1318 = math.absf %sub3A_1317 : vector<16xf32>
    %mul3A_1319 = arith.mulf %gather3A_1316, %abs3A_1318 : vector<16xf32>
    %add3A_1320 = arith.addf %add3A_1306, %mul3A_1319 : vector<16xf32>
    %get3A_1321 = arith.constant 1 : i32
    %get3A_1322 = arith.index_cast %get3A_1321 : i32 to index
    %get3A_1323 = arith.constant 96 : index
    %get3A_1324 = tpu.vector_load %arg14[%get3A_1322, %get3A_1323] {strides = array<i32>} : memref<8x128xf32, #tpu.memory_space<vmem>>, vector<16xf32>,
    %get3A_1325 = arith.constant 224 : index
    %get3A_1326 = tpu.vector_load %arg12[%get3A_1325] {strides = array<i32>} : memref<1024xf32, #tpu.memory_space<vmem>>, vector<16xf32>,
    %add3A_1327 = arith.constant 28 : i32
    %add3A_1328 = vector.broadcast %add3A_1327 : i32 to vector<16xi32>
    %add3A_1329 = arith.addi %add3A_1328, %select_n3A : vector<16xi32>
    %gather3A_1330 = tpu.vector_load_idx %arg10[%add3A_1329] : memref<128xf32, #tpu.memory_space<vmem>>[vector<16xi32>], vector<16xf32>,
    %sub3A_1331 = arith.subf %get3A_1324, %get3A_1326 : vector<16xf32>
    %abs3A_1332 = math.absf %sub3A_1331 : vector<16xf32>
    %mul3A_1333 = arith.mulf %gather3A_1330, %abs3A_1332 : vector<16xf32>
    %add3A_1334 = arith.addf %add3A_1320, %mul3A_1333 : vector<16xf32>
    %get3A_1335 = arith.constant 1 : i32
    %get3A_1336 = arith.index_cast %get3A_1335 : i32 to index
    %get3A_1337 = arith.constant 112 : index
    %get3A_1338 = tpu.vector_load %arg14[%get3A_1336, %get3A_1337] {strides = array<i32>} : memref<8x128xf32, #tpu.memory_space<vmem>>, vector<16xf32>,
    %get3A_1339 = arith.constant 240 : index
    %get3A_1340 = tpu.vector_load %arg12[%get3A_1339] {strides = array<i32>} : memref<1024xf32, #tpu.memory_space<vmem>>, vector<16xf32>,
    %add3A_1341 = arith.constant 30 : i32
    %add3A_1342 = vector.broadcast %add3A_1341 : i32 to vector<16xi32>
    %add3A_1343 = arith.addi %add3A_1342, %select_n3A : vector<16xi32>
    %gather3A_1344 = tpu.vector_load_idx %arg10[%add3A_1343] : memref<128xf32, #tpu.memory_space<vmem>>[vector<16xi32>], vector<16xf32>,
    %sub3A_1345 = arith.subf %get3A_1338, %get3A_1340 : vector<16xf32>
    %abs3A_1346 = math.absf %sub3A_1345 : vector<16xf32>
    %mul3A_1347 = arith.mulf %gather3A_1344, %abs3A_1346 : vector<16xf32>
    %add3A_1348 = arith.addf %add3A_1334, %mul3A_1347 : vector<16xf32>
    %get3A_1349 = arith.constant 2 : i32
    %get3A_1350 = arith.index_cast %get3A_1349 : i32 to index
    %get3A_1351 = arith.constant 0 : index
    %get3A_1352 = tpu.vector_load %arg14[%get3A_1350, %get3A_1351] {strides = array<i32>} : memref<8x128xf32, #tpu.memory_space<vmem>>, vector<16xf32>,
    %get3A_1353 = arith.constant 256 : index
    %get3A_1354 = tpu.vector_load %arg12[%get3A_1353] {strides = array<i32>} : memref<1024xf32, #tpu.memory_space<vmem>>, vector<16xf32>,
    %add3A_1355 = arith.constant 32 : i32
    %add3A_1356 = vector.broadcast %add3A_1355 : i32 to vector<16xi32>
    %add3A_1357 = arith.addi %add3A_1356, %select_n3A : vector<16xi32>
    %gather3A_1358 = tpu.vector_load_idx %arg10[%add3A_1357] : memref<128xf32, #tpu.memory_space<vmem>>[vector<16xi32>], vector<16xf32>,
    %sub3A_1359 = arith.subf %get3A_1352, %get3A_1354 : vector<16xf32>
    %abs3A_1360 = math.absf %sub3A_1359 : vector<16xf32>
    %mul3A_1361 = arith.mulf %gather3A_1358, %abs3A_1360 : vector<16xf32>
    %add3A_1362 = arith.addf %add3A_1348, %mul3A_1361 : vector<16xf32>
    %get3A_1363 = arith.constant 2 : i32
    %get3A_1364 = arith.index_cast %get3A_1363 : i32 to index
    %get3A_1365 = arith.constant 16 : index
    %get3A_1366 = tpu.vector_load %arg14[%get3A_1364, %get3A_1365] {strides = array<i32>} : memref<8x128xf32, #tpu.memory_space<vmem>>, vector<16xf32>,
    %get3A_1367 = arith.constant 272 : index
    %get3A_1368 = tpu.vector_load %arg12[%get3A_1367] {strides = array<i32>} : memref<1024xf32, #tpu.memory_space<vmem>>, vector<16xf32>,
    %add3A_1369 = arith.constant 34 : i32
    %add3A_1370 = vector.broadcast %add3A_1369 : i32 to vector<16xi32>
    %add3A_1371 = arith.addi %add3A_1370, %select_n3A : vector<16xi32>
    %gather3A_1372 = tpu.vector_load_idx %arg10[%add3A_1371] : memref<128xf32, #tpu.memory_space<vmem>>[vector<16xi32>], vector<16xf32>,
    %sub3A_1373 = arith.subf %get3A_1366, %get3A_1368 : vector<16xf32>
    %abs3A_1374 = math.absf %sub3A_1373 : vector<16xf32>
    %mul3A_1375 = arith.mulf %gather3A_1372, %abs3A_1374 : vector<16xf32>
    %add3A_1376 = arith.addf %add3A_1362, %mul3A_1375 : vector<16xf32>
    %get3A_1377 = arith.constant 2 : i32
    %get3A_1378 = arith.index_cast %get3A_1377 : i32 to index
    %get3A_1379 = arith.constant 32 : index
    %get3A_1380 = tpu.vector_load %arg14[%get3A_1378, %get3A_1379] {strides = array<i32>} : memref<8x128xf32, #tpu.memory_space<vmem>>, vector<16xf32>,
    %get3A_1381 = arith.constant 288 : index
    %get3A_1382 = tpu.vector_load %arg12[%get3A_1381] {strides = array<i32>} : memref<1024xf32, #tpu.memory_space<vmem>>, vector<16xf32>,
    %add3A_1383 = arith.constant 36 : i32
    %add3A_1384 = vector.broadcast %add3A_1383 : i32 to vector<16xi32>
    %add3A_1385 = arith.addi %add3A_1384, %select_n3A : vector<16xi32>
    %gather3A_1386 = tpu.vector_load_idx %arg10[%add3A_1385] : memref<128xf32, #tpu.memory_space<vmem>>[vector<16xi32>], vector<16xf32>,
    %sub3A_1387 = arith.subf %get3A_1380, %get3A_1382 : vector<16xf32>
    %abs3A_1388 = math.absf %sub3A_1387 : vector<16xf32>
    %mul3A_1389 = arith.mulf %gather3A_1386, %abs3A_1388 : vector<16xf32>
    %add3A_1390 = arith.addf %add3A_1376, %mul3A_1389 : vector<16xf32>
    %get3A_1391 = arith.constant 2 : i32
    %get3A_1392 = arith.index_cast %get3A_1391 : i32 to index
    %get3A_1393 = arith.constant 48 : index
    %get3A_1394 = tpu.vector_load %arg14[%get3A_1392, %get3A_1393] {strides = array<i32>} : memref<8x128xf32, #tpu.memory_space<vmem>>, vector<16xf32>,
    %get3A_1395 = arith.constant 304 : index
    %get3A_1396 = tpu.vector_load %arg12[%get3A_1395] {strides = array<i32>} : memref<1024xf32, #tpu.memory_space<vmem>>, vector<16xf32>,
    %add3A_1397 = arith.constant 38 : i32
    %add3A_1398 = vector.broadcast %add3A_1397 : i32 to vector<16xi32>
    %add3A_1399 = arith.addi %add3A_1398, %select_n3A : vector<16xi32>
    %gather3A_1400 = tpu.vector_load_idx %arg10[%add3A_1399] : memref<128xf32, #tpu.memory_space<vmem>>[vector<16xi32>], vector<16xf32>,
    %sub3A_1401 = arith.subf %get3A_1394, %get3A_1396 : vector<16xf32>
    %abs3A_1402 = math.absf %sub3A_1401 : vector<16xf32>
    %mul3A_1403 = arith.mulf %gather3A_1400, %abs3A_1402 : vector<16xf32>
    %add3A_1404 = arith.addf %add3A_1390, %mul3A_1403 : vector<16xf32>
    %get3A_1405 = arith.constant 2 : i32
    %get3A_1406 = arith.index_cast %get3A_1405 : i32 to index
    %get3A_1407 = arith.constant 64 : index
    %get3A_1408 = tpu.vector_load %arg14[%get3A_1406, %get3A_1407] {strides = array<i32>} : memref<8x128xf32, #tpu.memory_space<vmem>>, vector<16xf32>,
    %get3A_1409 = arith.constant 320 : index
    %get3A_1410 = tpu.vector_load %arg12[%get3A_1409] {strides = array<i32>} : memref<1024xf32, #tpu.memory_space<vmem>>, vector<16xf32>,
    %add3A_1411 = arith.constant 40 : i32
    %add3A_1412 = vector.broadcast %add3A_1411 : i32 to vector<16xi32>
    %add3A_1413 = arith.addi %add3A_1412, %select_n3A : vector<16xi32>
    %gather3A_1414 = tpu.vector_load_idx %arg10[%add3A_1413] : memref<128xf32, #tpu.memory_space<vmem>>[vector<16xi32>], vector<16xf32>,
    %sub3A_1415 = arith.subf %get3A_1408, %get3A_1410 : vector<16xf32>
    %abs3A_1416 = math.absf %sub3A_1415 : vector<16xf32>
    %mul3A_1417 = arith.mulf %gather3A_1414, %abs3A_1416 : vector<16xf32>
    %add3A_1418 = arith.addf %add3A_1404, %mul3A_1417 : vector<16xf32>
    %get3A_1419 = arith.constant 2 : i32
    %get3A_1420 = arith.index_cast %get3A_1419 : i32 to index
    %get3A_1421 = arith.constant 80 : index
    %get3A_1422 = tpu.vector_load %arg14[%get3A_1420, %get3A_1421] {strides = array<i32>} : memref<8x128xf32, #tpu.memory_space<vmem>>, vector<16xf32>,
    %get3A_1423 = arith.constant 336 : index
    %get3A_1424 = tpu.vector_load %arg12[%get3A_1423] {strides = array<i32>} : memref<1024xf32, #tpu.memory_space<vmem>>, vector<16xf32>,
    %add3A_1425 = arith.constant 42 : i32
    %add3A_1426 = vector.broadcast %add3A_1425 : i32 to vector<16xi32>
    %add3A_1427 = arith.addi %add3A_1426, %select_n3A : vector<16xi32>
    %gather3A_1428 = tpu.vector_load_idx %arg10[%add3A_1427] : memref<128xf32, #tpu.memory_space<vmem>>[vector<16xi32>], vector<16xf32>,
    %sub3A_1429 = arith.subf %get3A_1422, %get3A_1424 : vector<16xf32>
    %abs3A_1430 = math.absf %sub3A_1429 : vector<16xf32>
    %mul3A_1431 = arith.mulf %gather3A_1428, %abs3A_1430 : vector<16xf32>
    %add3A_1432 = arith.addf %add3A_1418, %mul3A_1431 : vector<16xf32>
    %get3A_1433 = arith.constant 2 : i32
    %get3A_1434 = arith.index_cast %get3A_1433 : i32 to index
    %get3A_1435 = arith.constant 96 : index
    %get3A_1436 = tpu.vector_load %arg14[%get3A_1434, %get3A_1435] {strides = array<i32>} : memref<8x128xf32, #tpu.memory_space<vmem>>, vector<16xf32>,
    %get3A_1437 = arith.constant 352 : index
    %get3A_1438 = tpu.vector_load %arg12[%get3A_1437] {strides = array<i32>} : memref<1024xf32, #tpu.memory_space<vmem>>, vector<16xf32>,
    %add3A_1439 = arith.constant 44 : i32
    %add3A_1440 = vector.broadcast %add3A_1439 : i32 to vector<16xi32>
    %add3A_1441 = arith.addi %add3A_1440, %select_n3A : vector<16xi32>
    %gather3A_1442 = tpu.vector_load_idx %arg10[%add3A_1441] : memref<128xf32, #tpu.memory_space<vmem>>[vector<16xi32>], vector<16xf32>,
    %sub3A_1443 = arith.subf %get3A_1436, %get3A_1438 : vector<16xf32>
    %abs3A_1444 = math.absf %sub3A_1443 : vector<16xf32>
    %mul3A_1445 = arith.mulf %gather3A_1442, %abs3A_1444 : vector<16xf32>
    %add3A_1446 = arith.addf %add3A_1432, %mul3A_1445 : vector<16xf32>
    %get3A_1447 = arith.constant 2 : i32
    %get3A_1448 = arith.index_cast %get3A_1447 : i32 to index
    %get3A_1449 = arith.constant 112 : index
    %get3A_1450 = tpu.vector_load %arg14[%get3A_1448, %get3A_1449] {strides = array<i32>} : memref<8x128xf32, #tpu.memory_space<vmem>>, vector<16xf32>,
    %get3A_1451 = arith.constant 368 : index
    %get3A_1452 = tpu.vector_load %arg12[%get3A_1451] {strides = array<i32>} : memref<1024xf32, #tpu.memory_space<vmem>>, vector<16xf32>,
    %add3A_1453 = arith.constant 46 : i32
    %add3A_1454 = vector.broadcast %add3A_1453 : i32 to vector<16xi32>
    %add3A_1455 = arith.addi %add3A_1454, %select_n3A : vector<16xi32>
    %gather3A_1456 = tpu.vector_load_idx %arg10[%add3A_1455] : memref<128xf32, #tpu.memory_space<vmem>>[vector<16xi32>], vector<16xf32>,
    %sub3A_1457 = arith.subf %get3A_1450, %get3A_1452 : vector<16xf32>
    %abs3A_1458 = math.absf %sub3A_1457 : vector<16xf32>
    %mul3A_1459 = arith.mulf %gather3A_1456, %abs3A_1458 : vector<16xf32>
    %add3A_1460 = arith.addf %add3A_1446, %mul3A_1459 : vector<16xf32>
    %get3A_1461 = arith.constant 3 : i32
    %get3A_1462 = arith.index_cast %get3A_1461 : i32 to index
    %get3A_1463 = arith.constant 0 : index
    %get3A_1464 = tpu.vector_load %arg14[%get3A_1462, %get3A_1463] {strides = array<i32>} : memref<8x128xf32, #tpu.memory_space<vmem>>, vector<16xf32>,
    %get3A_1465 = arith.constant 384 : index
    %get3A_1466 = tpu.vector_load %arg12[%get3A_1465] {strides = array<i32>} : memref<1024xf32, #tpu.memory_space<vmem>>, vector<16xf32>,
    %add3A_1467 = arith.constant 48 : i32
    %add3A_1468 = vector.broadcast %add3A_1467 : i32 to vector<16xi32>
    %add3A_1469 = arith.addi %add3A_1468, %select_n3A : vector<16xi32>
    %gather3A_1470 = tpu.vector_load_idx %arg10[%add3A_1469] : memref<128xf32, #tpu.memory_space<vmem>>[vector<16xi32>], vector<16xf32>,
    %sub3A_1471 = arith.subf %get3A_1464, %get3A_1466 : vector<16xf32>
    %abs3A_1472 = math.absf %sub3A_1471 : vector<16xf32>
    %mul3A_1473 = arith.mulf %gather3A_1470, %abs3A_1472 : vector<16xf32>
    %add3A_1474 = arith.addf %add3A_1460, %mul3A_1473 : vector<16xf32>
    %get3A_1475 = arith.constant 3 : i32
    %get3A_1476 = arith.index_cast %get3A_1475 : i32 to index
    %get3A_1477 = arith.constant 16 : index
    %get3A_1478 = tpu.vector_load %arg14[%get3A_1476, %get3A_1477] {strides = array<i32>} : memref<8x128xf32, #tpu.memory_space<vmem>>, vector<16xf32>,
    %get3A_1479 = arith.constant 400 : index
    %get3A_1480 = tpu.vector_load %arg12[%get3A_1479] {strides = array<i32>} : memref<1024xf32, #tpu.memory_space<vmem>>, vector<16xf32>,
    %add3A_1481 = arith.constant 50 : i32
    %add3A_1482 = vector.broadcast %add3A_1481 : i32 to vector<16xi32>
    %add3A_1483 = arith.addi %add3A_1482, %select_n3A : vector<16xi32>
    %gather3A_1484 = tpu.vector_load_idx %arg10[%add3A_1483] : memref<128xf32, #tpu.memory_space<vmem>>[vector<16xi32>], vector<16xf32>,
    %sub3A_1485 = arith.subf %get3A_1478, %get3A_1480 : vector<16xf32>
    %abs3A_1486 = math.absf %sub3A_1485 : vector<16xf32>
    %mul3A_1487 = arith.mulf %gather3A_1484, %abs3A_1486 : vector<16xf32>
    %add3A_1488 = arith.addf %add3A_1474, %mul3A_1487 : vector<16xf32>
    %get3A_1489 = arith.constant 3 : i32
    %get3A_1490 = arith.index_cast %get3A_1489 : i32 to index
    %get3A_1491 = arith.constant 32 : index
    %get3A_1492 = tpu.vector_load %arg14[%get3A_1490, %get3A_1491] {strides = array<i32>} : memref<8x128xf32, #tpu.memory_space<vmem>>, vector<16xf32>,
    %get3A_1493 = arith.constant 416 : index
    %get3A_1494 = tpu.vector_load %arg12[%get3A_1493] {strides = array<i32>} : memref<1024xf32, #tpu.memory_space<vmem>>, vector<16xf32>,
    %add3A_1495 = arith.constant 52 : i32
    %add3A_1496 = vector.broadcast %add3A_1495 : i32 to vector<16xi32>
    %add3A_1497 = arith.addi %add3A_1496, %select_n3A : vector<16xi32>
    %gather3A_1498 = tpu.vector_load_idx %arg10[%add3A_1497] : memref<128xf32, #tpu.memory_space<vmem>>[vector<16xi32>], vector<16xf32>,
    %sub3A_1499 = arith.subf %get3A_1492, %get3A_1494 : vector<16xf32>
    %abs3A_1500 = math.absf %sub3A_1499 : vector<16xf32>
    %mul3A_1501 = arith.mulf %gather3A_1498, %abs3A_1500 : vector<16xf32>
    %add3A_1502 = arith.addf %add3A_1488, %mul3A_1501 : vector<16xf32>
    %get3A_1503 = arith.constant 3 : i32
    %get3A_1504 = arith.index_cast %get3A_1503 : i32 to index
    %get3A_1505 = arith.constant 48 : index
    %get3A_1506 = tpu.vector_load %arg14[%get3A_1504, %get3A_1505] {strides = array<i32>} : memref<8x128xf32, #tpu.memory_space<vmem>>, vector<16xf32>,
    %get3A_1507 = arith.constant 432 : index
    %get3A_1508 = tpu.vector_load %arg12[%get3A_1507] {strides = array<i32>} : memref<1024xf32, #tpu.memory_space<vmem>>, vector<16xf32>,
    %add3A_1509 = arith.constant 54 : i32
    %add3A_1510 = vector.broadcast %add3A_1509 : i32 to vector<16xi32>
    %add3A_1511 = arith.addi %add3A_1510, %select_n3A : vector<16xi32>
    %gather3A_1512 = tpu.vector_load_idx %arg10[%add3A_1511] : memref<128xf32, #tpu.memory_space<vmem>>[vector<16xi32>], vector<16xf32>,
    %sub3A_1513 = arith.subf %get3A_1506, %get3A_1508 : vector<16xf32>
    %abs3A_1514 = math.absf %sub3A_1513 : vector<16xf32>
    %mul3A_1515 = arith.mulf %gather3A_1512, %abs3A_1514 : vector<16xf32>
    %add3A_1516 = arith.addf %add3A_1502, %mul3A_1515 : vector<16xf32>
    %get3A_1517 = arith.constant 3 : i32
    %get3A_1518 = arith.index_cast %get3A_1517 : i32 to index
    %get3A_1519 = arith.constant 64 : index
    %get3A_1520 = tpu.vector_load %arg14[%get3A_1518, %get3A_1519] {strides = array<i32>} : memref<8x128xf32, #tpu.memory_space<vmem>>, vector<16xf32>,
    %get3A_1521 = arith.constant 448 : index
    %get3A_1522 = tpu.vector_load %arg12[%get3A_1521] {strides = array<i32>} : memref<1024xf32, #tpu.memory_space<vmem>>, vector<16xf32>,
    %add3A_1523 = arith.constant 56 : i32
    %add3A_1524 = vector.broadcast %add3A_1523 : i32 to vector<16xi32>
    %add3A_1525 = arith.addi %add3A_1524, %select_n3A : vector<16xi32>
    %gather3A_1526 = tpu.vector_load_idx %arg10[%add3A_1525] : memref<128xf32, #tpu.memory_space<vmem>>[vector<16xi32>], vector<16xf32>,
    %sub3A_1527 = arith.subf %get3A_1520, %get3A_1522 : vector<16xf32>
    %abs3A_1528 = math.absf %sub3A_1527 : vector<16xf32>
    %mul3A_1529 = arith.mulf %gather3A_1526, %abs3A_1528 : vector<16xf32>
    %add3A_1530 = arith.addf %add3A_1516, %mul3A_1529 : vector<16xf32>
    %get3A_1531 = arith.constant 3 : i32
    %get3A_1532 = arith.index_cast %get3A_1531 : i32 to index
    %get3A_1533 = arith.constant 80 : index
    %get3A_1534 = tpu.vector_load %arg14[%get3A_1532, %get3A_1533] {strides = array<i32>} : memref<8x128xf32, #tpu.memory_space<vmem>>, vector<16xf32>,
    %get3A_1535 = arith.constant 464 : index
    %get3A_1536 = tpu.vector_load %arg12[%get3A_1535] {strides = array<i32>} : memref<1024xf32, #tpu.memory_space<vmem>>, vector<16xf32>,
    %add3A_1537 = arith.constant 58 : i32
    %add3A_1538 = vector.broadcast %add3A_1537 : i32 to vector<16xi32>
    %add3A_1539 = arith.addi %add3A_1538, %select_n3A : vector<16xi32>
    %gather3A_1540 = tpu.vector_load_idx %arg10[%add3A_1539] : memref<128xf32, #tpu.memory_space<vmem>>[vector<16xi32>], vector<16xf32>,
    %sub3A_1541 = arith.subf %get3A_1534, %get3A_1536 : vector<16xf32>
    %abs3A_1542 = math.absf %sub3A_1541 : vector<16xf32>
    %mul3A_1543 = arith.mulf %gather3A_1540, %abs3A_1542 : vector<16xf32>
    %add3A_1544 = arith.addf %add3A_1530, %mul3A_1543 : vector<16xf32>
    %get3A_1545 = arith.constant 3 : i32
    %get3A_1546 = arith.index_cast %get3A_1545 : i32 to index
    %get3A_1547 = arith.constant 96 : index
    %get3A_1548 = tpu.vector_load %arg14[%get3A_1546, %get3A_1547] {strides = array<i32>} : memref<8x128xf32, #tpu.memory_space<vmem>>, vector<16xf32>,
    %get3A_1549 = arith.constant 480 : index
    %get3A_1550 = tpu.vector_load %arg12[%get3A_1549] {strides = array<i32>} : memref<1024xf32, #tpu.memory_space<vmem>>, vector<16xf32>,
    %add3A_1551 = arith.constant 60 : i32
    %add3A_1552 = vector.broadcast %add3A_1551 : i32 to vector<16xi32>
    %add3A_1553 = arith.addi %add3A_1552, %select_n3A : vector<16xi32>
    %gather3A_1554 = tpu.vector_load_idx %arg10[%add3A_1553] : memref<128xf32, #tpu.memory_space<vmem>>[vector<16xi32>], vector<16xf32>,
    %sub3A_1555 = arith.subf %get3A_1548, %get3A_1550 : vector<16xf32>
    %abs3A_1556 = math.absf %sub3A_1555 : vector<16xf32>
    %mul3A_1557 = arith.mulf %gather3A_1554, %abs3A_1556 : vector<16xf32>
    %add3A_1558 = arith.addf %add3A_1544, %mul3A_1557 : vector<16xf32>
    %get3A_1559 = arith.constant 3 : i32
    %get3A_1560 = arith.index_cast %get3A_1559 : i32 to index
    %get3A_1561 = arith.constant 112 : index
    %get3A_1562 = tpu.vector_load %arg14[%get3A_1560, %get3A_1561] {strides = array<i32>} : memref<8x128xf32, #tpu.memory_space<vmem>>, vector<16xf32>,
    %get3A_1563 = arith.constant 496 : index
    %get3A_1564 = tpu.vector_load %arg12[%get3A_1563] {strides = array<i32>} : memref<1024xf32, #tpu.memory_space<vmem>>, vector<16xf32>,
    %add3A_1565 = arith.constant 62 : i32
    %add3A_1566 = vector.broadcast %add3A_1565 : i32 to vector<16xi32>
    %add3A_1567 = arith.addi %add3A_1566, %select_n3A : vector<16xi32>
    %gather3A_1568 = tpu.vector_load_idx %arg10[%add3A_1567] : memref<128xf32, #tpu.memory_space<vmem>>[vector<16xi32>], vector<16xf32>,
    %sub3A_1569 = arith.subf %get3A_1562, %get3A_1564 : vector<16xf32>
    %abs3A_1570 = math.absf %sub3A_1569 : vector<16xf32>
    %mul3A_1571 = arith.mulf %gather3A_1568, %abs3A_1570 : vector<16xf32>
    %add3A_1572 = arith.addf %add3A_1558, %mul3A_1571 : vector<16xf32>
    %get3A_1573 = arith.constant 4 : i32
    %get3A_1574 = arith.index_cast %get3A_1573 : i32 to index
    %get3A_1575 = arith.constant 0 : index
    %get3A_1576 = tpu.vector_load %arg14[%get3A_1574, %get3A_1575] {strides = array<i32>} : memref<8x128xf32, #tpu.memory_space<vmem>>, vector<16xf32>,
    %get3A_1577 = arith.constant 512 : index
    %get3A_1578 = tpu.vector_load %arg12[%get3A_1577] {strides = array<i32>} : memref<1024xf32, #tpu.memory_space<vmem>>, vector<16xf32>,
    %add3A_1579 = arith.constant 64 : i32
    %add3A_1580 = vector.broadcast %add3A_1579 : i32 to vector<16xi32>
    %add3A_1581 = arith.addi %add3A_1580, %select_n3A : vector<16xi32>
    %gather3A_1582 = tpu.vector_load_idx %arg10[%add3A_1581] : memref<128xf32, #tpu.memory_space<vmem>>[vector<16xi32>], vector<16xf32>,
    %sub3A_1583 = arith.subf %get3A_1576, %get3A_1578 : vector<16xf32>
    %abs3A_1584 = math.absf %sub3A_1583 : vector<16xf32>
    %mul3A_1585 = arith.mulf %gather3A_1582, %abs3A_1584 : vector<16xf32>
    %add3A_1586 = arith.addf %add3A_1572, %mul3A_1585 : vector<16xf32>
    %get3A_1587 = arith.constant 4 : i32
    %get3A_1588 = arith.index_cast %get3A_1587 : i32 to index
    %get3A_1589 = arith.constant 16 : index
    %get3A_1590 = tpu.vector_load %arg14[%get3A_1588, %get3A_1589] {strides = array<i32>} : memref<8x128xf32, #tpu.memory_space<vmem>>, vector<16xf32>,
    %get3A_1591 = arith.constant 528 : index
    %get3A_1592 = tpu.vector_load %arg12[%get3A_1591] {strides = array<i32>} : memref<1024xf32, #tpu.memory_space<vmem>>, vector<16xf32>,
    %add3A_1593 = arith.constant 66 : i32
    %add3A_1594 = vector.broadcast %add3A_1593 : i32 to vector<16xi32>
    %add3A_1595 = arith.addi %add3A_1594, %select_n3A : vector<16xi32>
    %gather3A_1596 = tpu.vector_load_idx %arg10[%add3A_1595] : memref<128xf32, #tpu.memory_space<vmem>>[vector<16xi32>], vector<16xf32>,
    %sub3A_1597 = arith.subf %get3A_1590, %get3A_1592 : vector<16xf32>
    %abs3A_1598 = math.absf %sub3A_1597 : vector<16xf32>
    %mul3A_1599 = arith.mulf %gather3A_1596, %abs3A_1598 : vector<16xf32>
    %add3A_1600 = arith.addf %add3A_1586, %mul3A_1599 : vector<16xf32>
    %get3A_1601 = arith.constant 4 : i32
    %get3A_1602 = arith.index_cast %get3A_1601 : i32 to index
    %get3A_1603 = arith.constant 32 : index
    %get3A_1604 = tpu.vector_load %arg14[%get3A_1602, %get3A_1603] {strides = array<i32>} : memref<8x128xf32, #tpu.memory_space<vmem>>, vector<16xf32>,
    %get3A_1605 = arith.constant 544 : index
    %get3A_1606 = tpu.vector_load %arg12[%get3A_1605] {strides = array<i32>} : memref<1024xf32, #tpu.memory_space<vmem>>, vector<16xf32>,
    %add3A_1607 = arith.constant 68 : i32
    %add3A_1608 = vector.broadcast %add3A_1607 : i32 to vector<16xi32>
    %add3A_1609 = arith.addi %add3A_1608, %select_n3A : vector<16xi32>
    %gather3A_1610 = tpu.vector_load_idx %arg10[%add3A_1609] : memref<128xf32, #tpu.memory_space<vmem>>[vector<16xi32>], vector<16xf32>,
    %sub3A_1611 = arith.subf %get3A_1604, %get3A_1606 : vector<16xf32>
    %abs3A_1612 = math.absf %sub3A_1611 : vector<16xf32>
    %mul3A_1613 = arith.mulf %gather3A_1610, %abs3A_1612 : vector<16xf32>
    %add3A_1614 = arith.addf %add3A_1600, %mul3A_1613 : vector<16xf32>
    %get3A_1615 = arith.constant 4 : i32
    %get3A_1616 = arith.index_cast %get3A_1615 : i32 to index
    %get3A_1617 = arith.constant 48 : index
    %get3A_1618 = tpu.vector_load %arg14[%get3A_1616, %get3A_1617] {strides = array<i32>} : memref<8x128xf32, #tpu.memory_space<vmem>>, vector<16xf32>,
    %get3A_1619 = arith.constant 560 : index
    %get3A_1620 = tpu.vector_load %arg12[%get3A_1619] {strides = array<i32>} : memref<1024xf32, #tpu.memory_space<vmem>>, vector<16xf32>,
    %add3A_1621 = arith.constant 70 : i32
    %add3A_1622 = vector.broadcast %add3A_1621 : i32 to vector<16xi32>
    %add3A_1623 = arith.addi %add3A_1622, %select_n3A : vector<16xi32>
    %gather3A_1624 = tpu.vector_load_idx %arg10[%add3A_1623] : memref<128xf32, #tpu.memory_space<vmem>>[vector<16xi32>], vector<16xf32>,
    %sub3A_1625 = arith.subf %get3A_1618, %get3A_1620 : vector<16xf32>
    %abs3A_1626 = math.absf %sub3A_1625 : vector<16xf32>
    %mul3A_1627 = arith.mulf %gather3A_1624, %abs3A_1626 : vector<16xf32>
    %add3A_1628 = arith.addf %add3A_1614, %mul3A_1627 : vector<16xf32>
    %get3A_1629 = arith.constant 4 : i32
    %get3A_1630 = arith.index_cast %get3A_1629 : i32 to index
    %get3A_1631 = arith.constant 64 : index
    %get3A_1632 = tpu.vector_load %arg14[%get3A_1630, %get3A_1631] {strides = array<i32>} : memref<8x128xf32, #tpu.memory_space<vmem>>, vector<16xf32>,
    %get3A_1633 = arith.constant 576 : index
    %get3A_1634 = tpu.vector_load %arg12[%get3A_1633] {strides = array<i32>} : memref<1024xf32, #tpu.memory_space<vmem>>, vector<16xf32>,
    %add3A_1635 = arith.constant 72 : i32
    %add3A_1636 = vector.broadcast %add3A_1635 : i32 to vector<16xi32>
    %add3A_1637 = arith.addi %add3A_1636, %select_n3A : vector<16xi32>
    %gather3A_1638 = tpu.vector_load_idx %arg10[%add3A_1637] : memref<128xf32, #tpu.memory_space<vmem>>[vector<16xi32>], vector<16xf32>,
    %sub3A_1639 = arith.subf %get3A_1632, %get3A_1634 : vector<16xf32>
    %abs3A_1640 = math.absf %sub3A_1639 : vector<16xf32>
    %mul3A_1641 = arith.mulf %gather3A_1638, %abs3A_1640 : vector<16xf32>
    %add3A_1642 = arith.addf %add3A_1628, %mul3A_1641 : vector<16xf32>
    %get3A_1643 = arith.constant 4 : i32
    %get3A_1644 = arith.index_cast %get3A_1643 : i32 to index
    %get3A_1645 = arith.constant 80 : index
    %get3A_1646 = tpu.vector_load %arg14[%get3A_1644, %get3A_1645] {strides = array<i32>} : memref<8x128xf32, #tpu.memory_space<vmem>>, vector<16xf32>,
    %get3A_1647 = arith.constant 592 : index
    %get3A_1648 = tpu.vector_load %arg12[%get3A_1647] {strides = array<i32>} : memref<1024xf32, #tpu.memory_space<vmem>>, vector<16xf32>,
    %add3A_1649 = arith.constant 74 : i32
    %add3A_1650 = vector.broadcast %add3A_1649 : i32 to vector<16xi32>
    %add3A_1651 = arith.addi %add3A_1650, %select_n3A : vector<16xi32>
    %gather3A_1652 = tpu.vector_load_idx %arg10[%add3A_1651] : memref<128xf32, #tpu.memory_space<vmem>>[vector<16xi32>], vector<16xf32>,
    %sub3A_1653 = arith.subf %get3A_1646, %get3A_1648 : vector<16xf32>
    %abs3A_1654 = math.absf %sub3A_1653 : vector<16xf32>
    %mul3A_1655 = arith.mulf %gather3A_1652, %abs3A_1654 : vector<16xf32>
    %add3A_1656 = arith.addf %add3A_1642, %mul3A_1655 : vector<16xf32>
    %get3A_1657 = arith.constant 4 : i32
    %get3A_1658 = arith.index_cast %get3A_1657 : i32 to index
    %get3A_1659 = arith.constant 96 : index
    %get3A_1660 = tpu.vector_load %arg14[%get3A_1658, %get3A_1659] {strides = array<i32>} : memref<8x128xf32, #tpu.memory_space<vmem>>, vector<16xf32>,
    %get3A_1661 = arith.constant 608 : index
    %get3A_1662 = tpu.vector_load %arg12[%get3A_1661] {strides = array<i32>} : memref<1024xf32, #tpu.memory_space<vmem>>, vector<16xf32>,
    %add3A_1663 = arith.constant 76 : i32
    %add3A_1664 = vector.broadcast %add3A_1663 : i32 to vector<16xi32>
    %add3A_1665 = arith.addi %add3A_1664, %select_n3A : vector<16xi32>
    %gather3A_1666 = tpu.vector_load_idx %arg10[%add3A_1665] : memref<128xf32, #tpu.memory_space<vmem>>[vector<16xi32>], vector<16xf32>,
    %sub3A_1667 = arith.subf %get3A_1660, %get3A_1662 : vector<16xf32>
    %abs3A_1668 = math.absf %sub3A_1667 : vector<16xf32>
    %mul3A_1669 = arith.mulf %gather3A_1666, %abs3A_1668 : vector<16xf32>
    %add3A_1670 = arith.addf %add3A_1656, %mul3A_1669 : vector<16xf32>
    %get3A_1671 = arith.constant 4 : i32
    %get3A_1672 = arith.index_cast %get3A_1671 : i32 to index
    %get3A_1673 = arith.constant 112 : index
    %get3A_1674 = tpu.vector_load %arg14[%get3A_1672, %get3A_1673] {strides = array<i32>} : memref<8x128xf32, #tpu.memory_space<vmem>>, vector<16xf32>,
    %get3A_1675 = arith.constant 624 : index
    %get3A_1676 = tpu.vector_load %arg12[%get3A_1675] {strides = array<i32>} : memref<1024xf32, #tpu.memory_space<vmem>>, vector<16xf32>,
    %add3A_1677 = arith.constant 78 : i32
    %add3A_1678 = vector.broadcast %add3A_1677 : i32 to vector<16xi32>
    %add3A_1679 = arith.addi %add3A_1678, %select_n3A : vector<16xi32>
    %gather3A_1680 = tpu.vector_load_idx %arg10[%add3A_1679] : memref<128xf32, #tpu.memory_space<vmem>>[vector<16xi32>], vector<16xf32>,
    %sub3A_1681 = arith.subf %get3A_1674, %get3A_1676 : vector<16xf32>
    %abs3A_1682 = math.absf %sub3A_1681 : vector<16xf32>
    %mul3A_1683 = arith.mulf %gather3A_1680, %abs3A_1682 : vector<16xf32>
    %add3A_1684 = arith.addf %add3A_1670, %mul3A_1683 : vector<16xf32>
    %get3A_1685 = arith.constant 5 : i32
    %get3A_1686 = arith.index_cast %get3A_1685 : i32 to index
    %get3A_1687 = arith.constant 0 : index
    %get3A_1688 = tpu.vector_load %arg14[%get3A_1686, %get3A_1687] {strides = array<i32>} : memref<8x128xf32, #tpu.memory_space<vmem>>, vector<16xf32>,
    %get3A_1689 = arith.constant 640 : index
    %get3A_1690 = tpu.vector_load %arg12[%get3A_1689] {strides = array<i32>} : memref<1024xf32, #tpu.memory_space<vmem>>, vector<16xf32>,
    %add3A_1691 = arith.constant 80 : i32
    %add3A_1692 = vector.broadcast %add3A_1691 : i32 to vector<16xi32>
    %add3A_1693 = arith.addi %add3A_1692, %select_n3A : vector<16xi32>
    %gather3A_1694 = tpu.vector_load_idx %arg10[%add3A_1693] : memref<128xf32, #tpu.memory_space<vmem>>[vector<16xi32>], vector<16xf32>,
    %sub3A_1695 = arith.subf %get3A_1688, %get3A_1690 : vector<16xf32>
    %abs3A_1696 = math.absf %sub3A_1695 : vector<16xf32>
    %mul3A_1697 = arith.mulf %gather3A_1694, %abs3A_1696 : vector<16xf32>
    %add3A_1698 = arith.addf %add3A_1684, %mul3A_1697 : vector<16xf32>
    %get3A_1699 = arith.constant 5 : i32
    %get3A_1700 = arith.index_cast %get3A_1699 : i32 to index
    %get3A_1701 = arith.constant 16 : index
    %get3A_1702 = tpu.vector_load %arg14[%get3A_1700, %get3A_1701] {strides = array<i32>} : memref<8x128xf32, #tpu.memory_space<vmem>>, vector<16xf32>,
    %get3A_1703 = arith.constant 656 : index
    %get3A_1704 = tpu.vector_load %arg12[%get3A_1703] {strides = array<i32>} : memref<1024xf32, #tpu.memory_space<vmem>>, vector<16xf32>,
    %add3A_1705 = arith.constant 82 : i32
    %add3A_1706 = vector.broadcast %add3A_1705 : i32 to vector<16xi32>
    %add3A_1707 = arith.addi %add3A_1706, %select_n3A : vector<16xi32>
    %gather3A_1708 = tpu.vector_load_idx %arg10[%add3A_1707] : memref<128xf32, #tpu.memory_space<vmem>>[vector<16xi32>], vector<16xf32>,
    %sub3A_1709 = arith.subf %get3A_1702, %get3A_1704 : vector<16xf32>
    %abs3A_1710 = math.absf %sub3A_1709 : vector<16xf32>
    %mul3A_1711 = arith.mulf %gather3A_1708, %abs3A_1710 : vector<16xf32>
    %add3A_1712 = arith.addf %add3A_1698, %mul3A_1711 : vector<16xf32>
    %get3A_1713 = arith.constant 5 : i32
    %get3A_1714 = arith.index_cast %get3A_1713 : i32 to index
    %get3A_1715 = arith.constant 32 : index
    %get3A_1716 = tpu.vector_load %arg14[%get3A_1714, %get3A_1715] {strides = array<i32>} : memref<8x128xf32, #tpu.memory_space<vmem>>, vector<16xf32>,
    %get3A_1717 = arith.constant 672 : index
    %get3A_1718 = tpu.vector_load %arg12[%get3A_1717] {strides = array<i32>} : memref<1024xf32, #tpu.memory_space<vmem>>, vector<16xf32>,
    %add3A_1719 = arith.constant 84 : i32
    %add3A_1720 = vector.broadcast %add3A_1719 : i32 to vector<16xi32>
    %add3A_1721 = arith.addi %add3A_1720, %select_n3A : vector<16xi32>
    %gather3A_1722 = tpu.vector_load_idx %arg10[%add3A_1721] : memref<128xf32, #tpu.memory_space<vmem>>[vector<16xi32>], vector<16xf32>,
    %sub3A_1723 = arith.subf %get3A_1716, %get3A_1718 : vector<16xf32>
    %abs3A_1724 = math.absf %sub3A_1723 : vector<16xf32>
    %mul3A_1725 = arith.mulf %gather3A_1722, %abs3A_1724 : vector<16xf32>
    %add3A_1726 = arith.addf %add3A_1712, %mul3A_1725 : vector<16xf32>
    %get3A_1727 = arith.constant 5 : i32
    %get3A_1728 = arith.index_cast %get3A_1727 : i32 to index
    %get3A_1729 = arith.constant 48 : index
    %get3A_1730 = tpu.vector_load %arg14[%get3A_1728, %get3A_1729] {strides = array<i32>} : memref<8x128xf32, #tpu.memory_space<vmem>>, vector<16xf32>,
    %get3A_1731 = arith.constant 688 : index
    %get3A_1732 = tpu.vector_load %arg12[%get3A_1731] {strides = array<i32>} : memref<1024xf32, #tpu.memory_space<vmem>>, vector<16xf32>,
    %add3A_1733 = arith.constant 86 : i32
    %add3A_1734 = vector.broadcast %add3A_1733 : i32 to vector<16xi32>
    %add3A_1735 = arith.addi %add3A_1734, %select_n3A : vector<16xi32>
    %gather3A_1736 = tpu.vector_load_idx %arg10[%add3A_1735] : memref<128xf32, #tpu.memory_space<vmem>>[vector<16xi32>], vector<16xf32>,
    %sub3A_1737 = arith.subf %get3A_1730, %get3A_1732 : vector<16xf32>
    %abs3A_1738 = math.absf %sub3A_1737 : vector<16xf32>
    %mul3A_1739 = arith.mulf %gather3A_1736, %abs3A_1738 : vector<16xf32>
    %add3A_1740 = arith.addf %add3A_1726, %mul3A_1739 : vector<16xf32>
    %get3A_1741 = arith.constant 5 : i32
    %get3A_1742 = arith.index_cast %get3A_1741 : i32 to index
    %get3A_1743 = arith.constant 64 : index
    %get3A_1744 = tpu.vector_load %arg14[%get3A_1742, %get3A_1743] {strides = array<i32>} : memref<8x128xf32, #tpu.memory_space<vmem>>, vector<16xf32>,
    %get3A_1745 = arith.constant 704 : index
    %get3A_1746 = tpu.vector_load %arg12[%get3A_1745] {strides = array<i32>} : memref<1024xf32, #tpu.memory_space<vmem>>, vector<16xf32>,
    %add3A_1747 = arith.constant 88 : i32
    %add3A_1748 = vector.broadcast %add3A_1747 : i32 to vector<16xi32>
    %add3A_1749 = arith.addi %add3A_1748, %select_n3A : vector<16xi32>
    %gather3A_1750 = tpu.vector_load_idx %arg10[%add3A_1749] : memref<128xf32, #tpu.memory_space<vmem>>[vector<16xi32>], vector<16xf32>,
    %sub3A_1751 = arith.subf %get3A_1744, %get3A_1746 : vector<16xf32>
    %abs3A_1752 = math.absf %sub3A_1751 : vector<16xf32>
    %mul3A_1753 = arith.mulf %gather3A_1750, %abs3A_1752 : vector<16xf32>
    %add3A_1754 = arith.addf %add3A_1740, %mul3A_1753 : vector<16xf32>
    %get3A_1755 = arith.constant 5 : i32
    %get3A_1756 = arith.index_cast %get3A_1755 : i32 to index
    %get3A_1757 = arith.constant 80 : index
    %get3A_1758 = tpu.vector_load %arg14[%get3A_1756, %get3A_1757] {strides = array<i32>} : memref<8x128xf32, #tpu.memory_space<vmem>>, vector<16xf32>,
    %get3A_1759 = arith.constant 720 : index
    %get3A_1760 = tpu.vector_load %arg12[%get3A_1759] {strides = array<i32>} : memref<1024xf32, #tpu.memory_space<vmem>>, vector<16xf32>,
    %add3A_1761 = arith.constant 90 : i32
    %add3A_1762 = vector.broadcast %add3A_1761 : i32 to vector<16xi32>
    %add3A_1763 = arith.addi %add3A_1762, %select_n3A : vector<16xi32>
    %gather3A_1764 = tpu.vector_load_idx %arg10[%add3A_1763] : memref<128xf32, #tpu.memory_space<vmem>>[vector<16xi32>], vector<16xf32>,
    %sub3A_1765 = arith.subf %get3A_1758, %get3A_1760 : vector<16xf32>
    %abs3A_1766 = math.absf %sub3A_1765 : vector<16xf32>
    %mul3A_1767 = arith.mulf %gather3A_1764, %abs3A_1766 : vector<16xf32>
    %add3A_1768 = arith.addf %add3A_1754, %mul3A_1767 : vector<16xf32>
    %get3A_1769 = arith.constant 5 : i32
    %get3A_1770 = arith.index_cast %get3A_1769 : i32 to index
    %get3A_1771 = arith.constant 96 : index
    %get3A_1772 = tpu.vector_load %arg14[%get3A_1770, %get3A_1771] {strides = array<i32>} : memref<8x128xf32, #tpu.memory_space<vmem>>, vector<16xf32>,
    %get3A_1773 = arith.constant 736 : index
    %get3A_1774 = tpu.vector_load %arg12[%get3A_1773] {strides = array<i32>} : memref<1024xf32, #tpu.memory_space<vmem>>, vector<16xf32>,
    %add3A_1775 = arith.constant 92 : i32
    %add3A_1776 = vector.broadcast %add3A_1775 : i32 to vector<16xi32>
    %add3A_1777 = arith.addi %add3A_1776, %select_n3A : vector<16xi32>
    %gather3A_1778 = tpu.vector_load_idx %arg10[%add3A_1777] : memref<128xf32, #tpu.memory_space<vmem>>[vector<16xi32>], vector<16xf32>,
    %sub3A_1779 = arith.subf %get3A_1772, %get3A_1774 : vector<16xf32>
    %abs3A_1780 = math.absf %sub3A_1779 : vector<16xf32>
    %mul3A_1781 = arith.mulf %gather3A_1778, %abs3A_1780 : vector<16xf32>
    %add3A_1782 = arith.addf %add3A_1768, %mul3A_1781 : vector<16xf32>
    %get3A_1783 = arith.constant 5 : i32
    %get3A_1784 = arith.index_cast %get3A_1783 : i32 to index
    %get3A_1785 = arith.constant 112 : index
    %get3A_1786 = tpu.vector_load %arg14[%get3A_1784, %get3A_1785] {strides = array<i32>} : memref<8x128xf32, #tpu.memory_space<vmem>>, vector<16xf32>,
    %get3A_1787 = arith.constant 752 : index
    %get3A_1788 = tpu.vector_load %arg12[%get3A_1787] {strides = array<i32>} : memref<1024xf32, #tpu.memory_space<vmem>>, vector<16xf32>,
    %add3A_1789 = arith.constant 94 : i32
    %add3A_1790 = vector.broadcast %add3A_1789 : i32 to vector<16xi32>
    %add3A_1791 = arith.addi %add3A_1790, %select_n3A : vector<16xi32>
    %gather3A_1792 = tpu.vector_load_idx %arg10[%add3A_1791] : memref<128xf32, #tpu.memory_space<vmem>>[vector<16xi32>], vector<16xf32>,
    %sub3A_1793 = arith.subf %get3A_1786, %get3A_1788 : vector<16xf32>
    %abs3A_1794 = math.absf %sub3A_1793 : vector<16xf32>
    %mul3A_1795 = arith.mulf %gather3A_1792, %abs3A_1794 : vector<16xf32>
    %add3A_1796 = arith.addf %add3A_1782, %mul3A_1795 : vector<16xf32>
    %get3A_1797 = arith.constant 6 : i32
    %get3A_1798 = arith.index_cast %get3A_1797 : i32 to index
    %get3A_1799 = arith.constant 0 : index
    %get3A_1800 = tpu.vector_load %arg14[%get3A_1798, %get3A_1799] {strides = array<i32>} : memref<8x128xf32, #tpu.memory_space<vmem>>, vector<16xf32>,
    %get3A_1801 = arith.constant 768 : index
    %get3A_1802 = tpu.vector_load %arg12[%get3A_1801] {strides = array<i32>} : memref<1024xf32, #tpu.memory_space<vmem>>, vector<16xf32>,
    %add3A_1803 = arith.constant 96 : i32
    %add3A_1804 = vector.broadcast %add3A_1803 : i32 to vector<16xi32>
    %add3A_1805 = arith.addi %add3A_1804, %select_n3A : vector<16xi32>
    %gather3A_1806 = tpu.vector_load_idx %arg10[%add3A_1805] : memref<128xf32, #tpu.memory_space<vmem>>[vector<16xi32>], vector<16xf32>,
    %sub3A_1807 = arith.subf %get3A_1800, %get3A_1802 : vector<16xf32>
    %abs3A_1808 = math.absf %sub3A_1807 : vector<16xf32>
    %mul3A_1809 = arith.mulf %gather3A_1806, %abs3A_1808 : vector<16xf32>
    %add3A_1810 = arith.addf %add3A_1796, %mul3A_1809 : vector<16xf32>
    %get3A_1811 = arith.constant 6 : i32
    %get3A_1812 = arith.index_cast %get3A_1811 : i32 to index
    %get3A_1813 = arith.constant 16 : index
    %get3A_1814 = tpu.vector_load %arg14[%get3A_1812, %get3A_1813] {strides = array<i32>} : memref<8x128xf32, #tpu.memory_space<vmem>>, vector<16xf32>,
    %get3A_1815 = arith.constant 784 : index
    %get3A_1816 = tpu.vector_load %arg12[%get3A_1815] {strides = array<i32>} : memref<1024xf32, #tpu.memory_space<vmem>>, vector<16xf32>,
    %add3A_1817 = arith.constant 98 : i32
    %add3A_1818 = vector.broadcast %add3A_1817 : i32 to vector<16xi32>
    %add3A_1819 = arith.addi %add3A_1818, %select_n3A : vector<16xi32>
    %gather3A_1820 = tpu.vector_load_idx %arg10[%add3A_1819] : memref<128xf32, #tpu.memory_space<vmem>>[vector<16xi32>], vector<16xf32>,
    %sub3A_1821 = arith.subf %get3A_1814, %get3A_1816 : vector<16xf32>
    %abs3A_1822 = math.absf %sub3A_1821 : vector<16xf32>
    %mul3A_1823 = arith.mulf %gather3A_1820, %abs3A_1822 : vector<16xf32>
    %add3A_1824 = arith.addf %add3A_1810, %mul3A_1823 : vector<16xf32>
    %get3A_1825 = arith.constant 6 : i32
    %get3A_1826 = arith.index_cast %get3A_1825 : i32 to index
    %get3A_1827 = arith.constant 32 : index
    %get3A_1828 = tpu.vector_load %arg14[%get3A_1826, %get3A_1827] {strides = array<i32>} : memref<8x128xf32, #tpu.memory_space<vmem>>, vector<16xf32>,
    %get3A_1829 = arith.constant 800 : index
    %get3A_1830 = tpu.vector_load %arg12[%get3A_1829] {strides = array<i32>} : memref<1024xf32, #tpu.memory_space<vmem>>, vector<16xf32>,
    %add3A_1831 = arith.constant 100 : i32
    %add3A_1832 = vector.broadcast %add3A_1831 : i32 to vector<16xi32>
    %add3A_1833 = arith.addi %add3A_1832, %select_n3A : vector<16xi32>
    %gather3A_1834 = tpu.vector_load_idx %arg10[%add3A_1833] : memref<128xf32, #tpu.memory_space<vmem>>[vector<16xi32>], vector<16xf32>,
    %sub3A_1835 = arith.subf %get3A_1828, %get3A_1830 : vector<16xf32>
    %abs3A_1836 = math.absf %sub3A_1835 : vector<16xf32>
    %mul3A_1837 = arith.mulf %gather3A_1834, %abs3A_1836 : vector<16xf32>
    %add3A_1838 = arith.addf %add3A_1824, %mul3A_1837 : vector<16xf32>
    %get3A_1839 = arith.constant 6 : i32
    %get3A_1840 = arith.index_cast %get3A_1839 : i32 to index
    %get3A_1841 = arith.constant 48 : index
    %get3A_1842 = tpu.vector_load %arg14[%get3A_1840, %get3A_1841] {strides = array<i32>} : memref<8x128xf32, #tpu.memory_space<vmem>>, vector<16xf32>,
    %get3A_1843 = arith.constant 816 : index
    %get3A_1844 = tpu.vector_load %arg12[%get3A_1843] {strides = array<i32>} : memref<1024xf32, #tpu.memory_space<vmem>>, vector<16xf32>,
    %add3A_1845 = arith.constant 102 : i32
    %add3A_1846 = vector.broadcast %add3A_1845 : i32 to vector<16xi32>
    %add3A_1847 = arith.addi %add3A_1846, %select_n3A : vector<16xi32>
    %gather3A_1848 = tpu.vector_load_idx %arg10[%add3A_1847] : memref<128xf32, #tpu.memory_space<vmem>>[vector<16xi32>], vector<16xf32>,
    %sub3A_1849 = arith.subf %get3A_1842, %get3A_1844 : vector<16xf32>
    %abs3A_1850 = math.absf %sub3A_1849 : vector<16xf32>
    %mul3A_1851 = arith.mulf %gather3A_1848, %abs3A_1850 : vector<16xf32>
    %add3A_1852 = arith.addf %add3A_1838, %mul3A_1851 : vector<16xf32>
    %get3A_1853 = arith.constant 6 : i32
    %get3A_1854 = arith.index_cast %get3A_1853 : i32 to index
    %get3A_1855 = arith.constant 64 : index
    %get3A_1856 = tpu.vector_load %arg14[%get3A_1854, %get3A_1855] {strides = array<i32>} : memref<8x128xf32, #tpu.memory_space<vmem>>, vector<16xf32>,
    %get3A_1857 = arith.constant 832 : index
    %get3A_1858 = tpu.vector_load %arg12[%get3A_1857] {strides = array<i32>} : memref<1024xf32, #tpu.memory_space<vmem>>, vector<16xf32>,
    %add3A_1859 = arith.constant 104 : i32
    %add3A_1860 = vector.broadcast %add3A_1859 : i32 to vector<16xi32>
    %add3A_1861 = arith.addi %add3A_1860, %select_n3A : vector<16xi32>
    %gather3A_1862 = tpu.vector_load_idx %arg10[%add3A_1861] : memref<128xf32, #tpu.memory_space<vmem>>[vector<16xi32>], vector<16xf32>,
    %sub3A_1863 = arith.subf %get3A_1856, %get3A_1858 : vector<16xf32>
    %abs3A_1864 = math.absf %sub3A_1863 : vector<16xf32>
    %mul3A_1865 = arith.mulf %gather3A_1862, %abs3A_1864 : vector<16xf32>
    %add3A_1866 = arith.addf %add3A_1852, %mul3A_1865 : vector<16xf32>
    %get3A_1867 = arith.constant 6 : i32
    %get3A_1868 = arith.index_cast %get3A_1867 : i32 to index
    %get3A_1869 = arith.constant 80 : index
    %get3A_1870 = tpu.vector_load %arg14[%get3A_1868, %get3A_1869] {strides = array<i32>} : memref<8x128xf32, #tpu.memory_space<vmem>>, vector<16xf32>,
    %get3A_1871 = arith.constant 848 : index
    %get3A_1872 = tpu.vector_load %arg12[%get3A_1871] {strides = array<i32>} : memref<1024xf32, #tpu.memory_space<vmem>>, vector<16xf32>,
    %add3A_1873 = arith.constant 106 : i32
    %add3A_1874 = vector.broadcast %add3A_1873 : i32 to vector<16xi32>
    %add3A_1875 = arith.addi %add3A_1874, %select_n3A : vector<16xi32>
    %gather3A_1876 = tpu.vector_load_idx %arg10[%add3A_1875] : memref<128xf32, #tpu.memory_space<vmem>>[vector<16xi32>], vector<16xf32>,
    %sub3A_1877 = arith.subf %get3A_1870, %get3A_1872 : vector<16xf32>
    %abs3A_1878 = math.absf %sub3A_1877 : vector<16xf32>
    %mul3A_1879 = arith.mulf %gather3A_1876, %abs3A_1878 : vector<16xf32>
    %add3A_1880 = arith.addf %add3A_1866, %mul3A_1879 : vector<16xf32>
    %get3A_1881 = arith.constant 6 : i32
    %get3A_1882 = arith.index_cast %get3A_1881 : i32 to index
    %get3A_1883 = arith.constant 96 : index
    %get3A_1884 = tpu.vector_load %arg14[%get3A_1882, %get3A_1883] {strides = array<i32>} : memref<8x128xf32, #tpu.memory_space<vmem>>, vector<16xf32>,
    %get3A_1885 = arith.constant 864 : index
    %get3A_1886 = tpu.vector_load %arg12[%get3A_1885] {strides = array<i32>} : memref<1024xf32, #tpu.memory_space<vmem>>, vector<16xf32>,
    %add3A_1887 = arith.constant 108 : i32
    %add3A_1888 = vector.broadcast %add3A_1887 : i32 to vector<16xi32>
    %add3A_1889 = arith.addi %add3A_1888, %select_n3A : vector<16xi32>
    %gather3A_1890 = tpu.vector_load_idx %arg10[%add3A_1889] : memref<128xf32, #tpu.memory_space<vmem>>[vector<16xi32>], vector<16xf32>,
    %sub3A_1891 = arith.subf %get3A_1884, %get3A_1886 : vector<16xf32>
    %abs3A_1892 = math.absf %sub3A_1891 : vector<16xf32>
    %mul3A_1893 = arith.mulf %gather3A_1890, %abs3A_1892 : vector<16xf32>
    %add3A_1894 = arith.addf %add3A_1880, %mul3A_1893 : vector<16xf32>
    %get3A_1895 = arith.constant 6 : i32
    %get3A_1896 = arith.index_cast %get3A_1895 : i32 to index
    %get3A_1897 = arith.constant 112 : index
    %get3A_1898 = tpu.vector_load %arg14[%get3A_1896, %get3A_1897] {strides = array<i32>} : memref<8x128xf32, #tpu.memory_space<vmem>>, vector<16xf32>,
    %get3A_1899 = arith.constant 880 : index
    %get3A_1900 = tpu.vector_load %arg12[%get3A_1899] {strides = array<i32>} : memref<1024xf32, #tpu.memory_space<vmem>>, vector<16xf32>,
    %add3A_1901 = arith.constant 110 : i32
    %add3A_1902 = vector.broadcast %add3A_1901 : i32 to vector<16xi32>
    %add3A_1903 = arith.addi %add3A_1902, %select_n3A : vector<16xi32>
    %gather3A_1904 = tpu.vector_load_idx %arg10[%add3A_1903] : memref<128xf32, #tpu.memory_space<vmem>>[vector<16xi32>], vector<16xf32>,
    %sub3A_1905 = arith.subf %get3A_1898, %get3A_1900 : vector<16xf32>
    %abs3A_1906 = math.absf %sub3A_1905 : vector<16xf32>
    %mul3A_1907 = arith.mulf %gather3A_1904, %abs3A_1906 : vector<16xf32>
    %add3A_1908 = arith.addf %add3A_1894, %mul3A_1907 : vector<16xf32>
    %get3A_1909 = arith.constant 7 : i32
    %get3A_1910 = arith.index_cast %get3A_1909 : i32 to index
    %get3A_1911 = arith.constant 0 : index
    %get3A_1912 = tpu.vector_load %arg14[%get3A_1910, %get3A_1911] {strides = array<i32>} : memref<8x128xf32, #tpu.memory_space<vmem>>, vector<16xf32>,
    %get3A_1913 = arith.constant 896 : index
    %get3A_1914 = tpu.vector_load %arg12[%get3A_1913] {strides = array<i32>} : memref<1024xf32, #tpu.memory_space<vmem>>, vector<16xf32>,
    %add3A_1915 = arith.constant 112 : i32
    %add3A_1916 = vector.broadcast %add3A_1915 : i32 to vector<16xi32>
    %add3A_1917 = arith.addi %add3A_1916, %select_n3A : vector<16xi32>
    %gather3A_1918 = tpu.vector_load_idx %arg10[%add3A_1917] : memref<128xf32, #tpu.memory_space<vmem>>[vector<16xi32>], vector<16xf32>,
    %sub3A_1919 = arith.subf %get3A_1912, %get3A_1914 : vector<16xf32>
    %abs3A_1920 = math.absf %sub3A_1919 : vector<16xf32>
    %mul3A_1921 = arith.mulf %gather3A_1918, %abs3A_1920 : vector<16xf32>
    %add3A_1922 = arith.addf %add3A_1908, %mul3A_1921 : vector<16xf32>
    %get3A_1923 = arith.constant 7 : i32
    %get3A_1924 = arith.index_cast %get3A_1923 : i32 to index
    %get3A_1925 = arith.constant 16 : index
    %get3A_1926 = tpu.vector_load %arg14[%get3A_1924, %get3A_1925] {strides = array<i32>} : memref<8x128xf32, #tpu.memory_space<vmem>>, vector<16xf32>,
    %get3A_1927 = arith.constant 912 : index
    %get3A_1928 = tpu.vector_load %arg12[%get3A_1927] {strides = array<i32>} : memref<1024xf32, #tpu.memory_space<vmem>>, vector<16xf32>,
    %add3A_1929 = arith.constant 114 : i32
    %add3A_1930 = vector.broadcast %add3A_1929 : i32 to vector<16xi32>
    %add3A_1931 = arith.addi %add3A_1930, %select_n3A : vector<16xi32>
    %gather3A_1932 = tpu.vector_load_idx %arg10[%add3A_1931] : memref<128xf32, #tpu.memory_space<vmem>>[vector<16xi32>], vector<16xf32>,
    %sub3A_1933 = arith.subf %get3A_1926, %get3A_1928 : vector<16xf32>
    %abs3A_1934 = math.absf %sub3A_1933 : vector<16xf32>
    %mul3A_1935 = arith.mulf %gather3A_1932, %abs3A_1934 : vector<16xf32>
    %add3A_1936 = arith.addf %add3A_1922, %mul3A_1935 : vector<16xf32>
    %get3A_1937 = arith.constant 7 : i32
    %get3A_1938 = arith.index_cast %get3A_1937 : i32 to index
    %get3A_1939 = arith.constant 32 : index
    %get3A_1940 = tpu.vector_load %arg14[%get3A_1938, %get3A_1939] {strides = array<i32>} : memref<8x128xf32, #tpu.memory_space<vmem>>, vector<16xf32>,
    %get3A_1941 = arith.constant 928 : index
    %get3A_1942 = tpu.vector_load %arg12[%get3A_1941] {strides = array<i32>} : memref<1024xf32, #tpu.memory_space<vmem>>, vector<16xf32>,
    %add3A_1943 = arith.constant 116 : i32
    %add3A_1944 = vector.broadcast %add3A_1943 : i32 to vector<16xi32>
    %add3A_1945 = arith.addi %add3A_1944, %select_n3A : vector<16xi32>
    %gather3A_1946 = tpu.vector_load_idx %arg10[%add3A_1945] : memref<128xf32, #tpu.memory_space<vmem>>[vector<16xi32>], vector<16xf32>,
    %sub3A_1947 = arith.subf %get3A_1940, %get3A_1942 : vector<16xf32>
    %abs3A_1948 = math.absf %sub3A_1947 : vector<16xf32>
    %mul3A_1949 = arith.mulf %gather3A_1946, %abs3A_1948 : vector<16xf32>
    %add3A_1950 = arith.addf %add3A_1936, %mul3A_1949 : vector<16xf32>
    %get3A_1951 = arith.constant 7 : i32
    %get3A_1952 = arith.index_cast %get3A_1951 : i32 to index
    %get3A_1953 = arith.constant 48 : index
    %get3A_1954 = tpu.vector_load %arg14[%get3A_1952, %get3A_1953] {strides = array<i32>} : memref<8x128xf32, #tpu.memory_space<vmem>>, vector<16xf32>,
    %get3A_1955 = arith.constant 944 : index
    %get3A_1956 = tpu.vector_load %arg12[%get3A_1955] {strides = array<i32>} : memref<1024xf32, #tpu.memory_space<vmem>>, vector<16xf32>,
    %add3A_1957 = arith.constant 118 : i32
    %add3A_1958 = vector.broadcast %add3A_1957 : i32 to vector<16xi32>
    %add3A_1959 = arith.addi %add3A_1958, %select_n3A : vector<16xi32>
    %gather3A_1960 = tpu.vector_load_idx %arg10[%add3A_1959] : memref<128xf32, #tpu.memory_space<vmem>>[vector<16xi32>], vector<16xf32>,
    %sub3A_1961 = arith.subf %get3A_1954, %get3A_1956 : vector<16xf32>
    %abs3A_1962 = math.absf %sub3A_1961 : vector<16xf32>
    %mul3A_1963 = arith.mulf %gather3A_1960, %abs3A_1962 : vector<16xf32>
    %add3A_1964 = arith.addf %add3A_1950, %mul3A_1963 : vector<16xf32>
    %get3A_1965 = arith.constant 7 : i32
    %get3A_1966 = arith.index_cast %get3A_1965 : i32 to index
    %get3A_1967 = arith.constant 64 : index
    %get3A_1968 = tpu.vector_load %arg14[%get3A_1966, %get3A_1967] {strides = array<i32>} : memref<8x128xf32, #tpu.memory_space<vmem>>, vector<16xf32>,
    %get3A_1969 = arith.constant 960 : index
    %get3A_1970 = tpu.vector_load %arg12[%get3A_1969] {strides = array<i32>} : memref<1024xf32, #tpu.memory_space<vmem>>, vector<16xf32>,
    %add3A_1971 = arith.constant 120 : i32
    %add3A_1972 = vector.broadcast %add3A_1971 : i32 to vector<16xi32>
    %add3A_1973 = arith.addi %add3A_1972, %select_n3A : vector<16xi32>
    %gather3A_1974 = tpu.vector_load_idx %arg10[%add3A_1973] : memref<128xf32, #tpu.memory_space<vmem>>[vector<16xi32>], vector<16xf32>,
    %sub3A_1975 = arith.subf %get3A_1968, %get3A_1970 : vector<16xf32>
    %abs3A_1976 = math.absf %sub3A_1975 : vector<16xf32>
    %mul3A_1977 = arith.mulf %gather3A_1974, %abs3A_1976 : vector<16xf32>
    %add3A_1978 = arith.addf %add3A_1964, %mul3A_1977 : vector<16xf32>
    %get3A_1979 = arith.constant 7 : i32
    %get3A_1980 = arith.index_cast %get3A_1979 : i32 to index
    %get3A_1981 = arith.constant 80 : index
    %get3A_1982 = tpu.vector_load %arg14[%get3A_1980, %get3A_1981] {strides = array<i32>} : memref<8x128xf32, #tpu.memory_space<vmem>>, vector<16xf32>,
    %get3A_1983 = arith.constant 976 : index
    %get3A_1984 = tpu.vector_load %arg12[%get3A_1983] {strides = array<i32>} : memref<1024xf32, #tpu.memory_space<vmem>>, vector<16xf32>,
    %add3A_1985 = arith.constant 122 : i32
    %add3A_1986 = vector.broadcast %add3A_1985 : i32 to vector<16xi32>
    %add3A_1987 = arith.addi %add3A_1986, %select_n3A : vector<16xi32>
    %gather3A_1988 = tpu.vector_load_idx %arg10[%add3A_1987] : memref<128xf32, #tpu.memory_space<vmem>>[vector<16xi32>], vector<16xf32>,
    %sub3A_1989 = arith.subf %get3A_1982, %get3A_1984 : vector<16xf32>
    %abs3A_1990 = math.absf %sub3A_1989 : vector<16xf32>
    %mul3A_1991 = arith.mulf %gather3A_1988, %abs3A_1990 : vector<16xf32>
    %add3A_1992 = arith.addf %add3A_1978, %mul3A_1991 : vector<16xf32>
    %get3A_1993 = arith.constant 7 : i32
    %get3A_1994 = arith.index_cast %get3A_1993 : i32 to index
    %get3A_1995 = arith.constant 96 : index
    %get3A_1996 = tpu.vector_load %arg14[%get3A_1994, %get3A_1995] {strides = array<i32>} : memref<8x128xf32, #tpu.memory_space<vmem>>, vector<16xf32>,
    %get3A_1997 = arith.constant 992 : index
    %get3A_1998 = tpu.vector_load %arg12[%get3A_1997] {strides = array<i32>} : memref<1024xf32, #tpu.memory_space<vmem>>, vector<16xf32>,
    %add3A_1999 = arith.constant 124 : i32
    %add3A_2000 = vector.broadcast %add3A_1999 : i32 to vector<16xi32>
    %add3A_2001 = arith.addi %add3A_2000, %select_n3A : vector<16xi32>
    %gather3A_2002 = tpu.vector_load_idx %arg10[%add3A_2001] : memref<128xf32, #tpu.memory_space<vmem>>[vector<16xi32>], vector<16xf32>,
    %sub3A_2003 = arith.subf %get3A_1996, %get3A_1998 : vector<16xf32>
    %abs3A_2004 = math.absf %sub3A_2003 : vector<16xf32>
    %mul3A_2005 = arith.mulf %gather3A_2002, %abs3A_2004 : vector<16xf32>
    %add3A_2006 = arith.addf %add3A_1992, %mul3A_2005 : vector<16xf32>
    %get3A_2007 = arith.constant 7 : i32
    %get3A_2008 = arith.index_cast %get3A_2007 : i32 to index
    %get3A_2009 = arith.constant 112 : index
    %get3A_2010 = tpu.vector_load %arg14[%get3A_2008, %get3A_2009] {strides = array<i32>} : memref<8x128xf32, #tpu.memory_space<vmem>>, vector<16xf32>,
    %get3A_2011 = arith.constant 1008 : index
    %get3A_2012 = tpu.vector_load %arg12[%get3A_2011] {strides = array<i32>} : memref<1024xf32, #tpu.memory_space<vmem>>, vector<16xf32>,
    %add3A_2013 = arith.constant 126 : i32
    %add3A_2014 = vector.broadcast %add3A_2013 : i32 to vector<16xi32>
    %add3A_2015 = arith.addi %add3A_2014, %select_n3A : vector<16xi32>
    %gather3A_2016 = tpu.vector_load_idx %arg10[%add3A_2015] : memref<128xf32, #tpu.memory_space<vmem>>[vector<16xi32>], vector<16xf32>,
    %sub3A_2017 = arith.subf %get3A_2010, %get3A_2012 : vector<16xf32>
    %abs3A_2018 = math.absf %sub3A_2017 : vector<16xf32>
    %mul3A_2019 = arith.mulf %gather3A_2016, %abs3A_2018 : vector<16xf32>
    %add3A_2020 = arith.addf %add3A_2006, %mul3A_2019 : vector<16xf32>
    %swap3A_2021 = arith.constant 0 : index
    %swap3A_2022 = tpu.vector_load %arg15[%swap3A_2021] {strides = array<i32>} : memref<16xf32, #tpu.memory_space<vmem>>, vector<16xf32>,
    tpu.vector_store %arg15[%swap3A_2021], %add3A_2020 {strides = array<i32>} : memref<16xf32, #tpu.memory_space<vmem>>, vector<16xf32>,
    %add3A_2023 = arith.constant 8 : i32
    %add3A_2024 = vector.broadcast %add3A_2023 : i32 to vector<16xi32>
    %add3A_2025 = arith.addi %iota3A, %add3A_2024 : vector<16xi32>
    %and3A_2026 = arith.constant 15 : i32
    %and3A_2027 = vector.broadcast %and3A_2026 : i32 to vector<16xi32>
    %and3A_2028 = arith.andi %add3A_2025, %and3A_2027 : vector<16xi32>
    %gather3A_2029 = tpu.vector_load_idx %arg15[%and3A_2028] : memref<16xf32, #tpu.memory_space<vmem>>[vector<16xi32>], vector<16xf32>,
    %add3A_2030 = arith.addf %add3A_2020, %gather3A_2029 : vector<16xf32>
    %reduce_sum3A = arith.constant true
    %reduce_sum3A_2031 = vector.broadcast %reduce_sum3A : i1 to vector<16xi1>
    %reduce_sum3A_2032 = tpu.scan <sum>, %add3A_1123 masked %reduce_sum3A_2031 : vector<16xf32>, vector<16xi1> -> vector<16xf32>
    %reduce_sum3A_2033 = vector.extract %reduce_sum3A_2032[15] : f32 from vector<16xf32>
    %broadcast_in_dim3A_2034 = vector.broadcast %reduce_sum3A_2033 : f32 to vector<16xf32>
    %broadcast_in_dim3A_2035 = arith.constant 0.000000e+00 : f32
    %broadcast_in_dim3A_2036 = vector.broadcast %broadcast_in_dim3A_2035 : f32 to vector<16xf32>
    %lt3A_2037 = arith.constant 8 : i32
    %lt3A_2038 = vector.broadcast %lt3A_2037 : i32 to vector<16xi32>
    %lt3A_2039 = arith.cmpi slt, %iota3A, %lt3A_2038 : vector<16xi32>
    %eq3A_2040 = arith.constant 8 : i32
    %eq3A_2041 = vector.broadcast %eq3A_2040 : i32 to vector<16xi32>
    %eq3A_2042 = arith.cmpi eq, %iota3A, %eq3A_2041 : vector<16xi32>
    %select_n3A_2043 = arith.select %eq3A_2042, %broadcast_in_dim3A_2034, %broadcast_in_dim3A_2036 : vector<16xi1>, vector<16xf32>
    %select_n3A_2044 = arith.select %lt3A_2039, %add3A_2030, %select_n3A_2043 : vector<16xi1>, vector<16xf32>
    %swap3A_2045 = arith.constant 0 : index
    %swap3A_2046 = tpu.vector_load %arg16[%swap3A_2045] {strides = array<i32>} : memref<16xf32, #tpu.memory_space<vmem>>, vector<16xf32>,
    tpu.vector_store %arg16[%swap3A_2045], %select_n3A_2044 {strides = array<i32>} : memref<16xf32, #tpu.memory_space<vmem>>, vector<16xf32>,
    "tpu.region"() ({
      %run_scoped3A = tpu.sem_alloc : memref<!tpu.dma_semaphore, #tpu.memory_space<semaphore_mem>>
      %dma_start3A_2052 = arith.constant 0 : i32
      %dma_start3A_2053 = tpu.memref_slice %arg6[%arg1, %dma_start3A_2052] : memref<16x16xf32, #tpu.memory_space<hbm>> -> memref<1x16xf32, #tpu.memory_space<hbm>>
      %dma_start3A_2054 = tpu.memref_squeeze %dma_start3A_2053 : memref<1x16xf32, #tpu.memory_space<hbm>> -> memref<16xf32, #tpu.memory_space<hbm>>
      %dma_start3A_2055 = arith.constant 0 : i32
      %dma_start3A_2056 = tpu.memref_slice %arg6[%arg1, %dma_start3A_2055] : memref<16x16xf32, #tpu.memory_space<hbm>> -> memref<1x16xf32, #tpu.memory_space<hbm>>
      %dma_start3A_2057 = tpu.memref_squeeze %dma_start3A_2056 : memref<1x16xf32, #tpu.memory_space<hbm>> -> memref<16xf32, #tpu.memory_space<hbm>>
      tpu.enqueue_dma source(%arg16 : memref<16xf32, #tpu.memory_space<vmem>>) target(%dma_start3A_2057 : memref<16xf32, #tpu.memory_space<hbm>>) target_semaphore(%run_scoped3A : memref<!tpu.dma_semaphore, #tpu.memory_space<semaphore_mem>>)
      %dma_wait3A_2058 = arith.constant 0 : i32
      %dma_wait3A_2059 = tpu.memref_slice %arg6[%arg1, %dma_wait3A_2058] : memref<16x16xf32, #tpu.memory_space<hbm>> -> memref<1x16xf32, #tpu.memory_space<hbm>>
      %dma_wait3A_2060 = tpu.memref_squeeze %dma_wait3A_2059 : memref<1x16xf32, #tpu.memory_space<hbm>> -> memref<16xf32, #tpu.memory_space<hbm>>
      %dma_wait3A_2061 = arith.constant 0 : i32
      %dma_wait3A_2062 = tpu.memref_slice %arg6[%arg1, %dma_wait3A_2061] : memref<16x16xf32, #tpu.memory_space<hbm>> -> memref<1x16xf32, #tpu.memory_space<hbm>>
      %dma_wait3A_2063 = tpu.memref_squeeze %dma_wait3A_2062 : memref<1x16xf32, #tpu.memory_space<hbm>> -> memref<16xf32, #tpu.memory_space<hbm>>
      tpu.wait_dma2 semaphore(%run_scoped3A : memref<!tpu.dma_semaphore, #tpu.memory_space<semaphore_mem>>) src(%arg16 : memref<16xf32, #tpu.memory_space<vmem>>) dst(%dma_wait3A_2063 : memref<16xf32, #tpu.memory_space<hbm>>)
      tpu.yield
    }) : () -> ()
    %barrier3A = arith.constant 0 : index
    tpu.barrier barrier_id(%barrier3A)
    %barrier3A_2047 = arith.constant 0 : index
    tpu.barrier barrier_id(%barrier3A_2047)
    %eq3A_2048 = arith.constant 0 : i32
    %eq3A_2049 = arith.cmpi eq, %arg1, %eq3A_2048 : i32
    %convert_element_type3A_2050 = arith.extui %eq3A_2049 : i1 to i32
    %cond3A = arith.constant 0 : i32
    %cond3A_2051 = arith.cmpi ne, %convert_element_type3A_2050, %cond3A : i32
    scf.if %cond3A_2051 {
      tpu.enqueue_dma source(%arg6 : memref<16x16xf32, #tpu.memory_space<hbm>>) target(%arg17 : memref<16x16xf32, #tpu.memory_space<vmem>>) target_semaphore(%arg18 : memref<!tpu.dma_semaphore, #tpu.memory_space<semaphore_mem>>)
      tpu.wait_dma2 semaphore(%arg18 : memref<!tpu.dma_semaphore, #tpu.memory_space<semaphore_mem>>) src(%arg6 : memref<16x16xf32, #tpu.memory_space<hbm>>) dst(%arg17 : memref<16x16xf32, #tpu.memory_space<vmem>>)
      %broadcast_in_dim3A_2052 = arith.constant 0.000000e+00 : f32
      %broadcast_in_dim3A_2053 = vector.broadcast %broadcast_in_dim3A_2052 : f32 to vector<16xf32>
      %get3A_2054 = arith.constant 0 : i32
      %get3A_2055 = arith.index_cast %get3A_2054 : i32 to index
      %get3A_2056 = arith.constant 0 : index
      %get3A_2057 = tpu.vector_load %arg17[%get3A_2055, %get3A_2056] {strides = array<i32>} : memref<16x16xf32, #tpu.memory_space<vmem>>, vector<16xf32>,
      %add3A_2058 = arith.addf %broadcast_in_dim3A_2053, %get3A_2057 : vector<16xf32>
      %get3A_2059 = arith.constant 1 : i32
      %get3A_2060 = arith.index_cast %get3A_2059 : i32 to index
      %get3A_2061 = arith.constant 0 : index
      %get3A_2062 = tpu.vector_load %arg17[%get3A_2060, %get3A_2061] {strides = array<i32>} : memref<16x16xf32, #tpu.memory_space<vmem>>, vector<16xf32>,
      %add3A_2063 = arith.addf %add3A_2058, %get3A_2062 : vector<16xf32>
      %get3A_2064 = arith.constant 2 : i32
      %get3A_2065 = arith.index_cast %get3A_2064 : i32 to index
      %get3A_2066 = arith.constant 0 : index
      %get3A_2067 = tpu.vector_load %arg17[%get3A_2065, %get3A_2066] {strides = array<i32>} : memref<16x16xf32, #tpu.memory_space<vmem>>, vector<16xf32>,
      %add3A_2068 = arith.addf %add3A_2063, %get3A_2067 : vector<16xf32>
      %get3A_2069 = arith.constant 3 : i32
      %get3A_2070 = arith.index_cast %get3A_2069 : i32 to index
      %get3A_2071 = arith.constant 0 : index
      %get3A_2072 = tpu.vector_load %arg17[%get3A_2070, %get3A_2071] {strides = array<i32>} : memref<16x16xf32, #tpu.memory_space<vmem>>, vector<16xf32>,
      %add3A_2073 = arith.addf %add3A_2068, %get3A_2072 : vector<16xf32>
      %get3A_2074 = arith.constant 4 : i32
      %get3A_2075 = arith.index_cast %get3A_2074 : i32 to index
      %get3A_2076 = arith.constant 0 : index
      %get3A_2077 = tpu.vector_load %arg17[%get3A_2075, %get3A_2076] {strides = array<i32>} : memref<16x16xf32, #tpu.memory_space<vmem>>, vector<16xf32>,
      %add3A_2078 = arith.addf %add3A_2073, %get3A_2077 : vector<16xf32>
      %get3A_2079 = arith.constant 5 : i32
      %get3A_2080 = arith.index_cast %get3A_2079 : i32 to index
      %get3A_2081 = arith.constant 0 : index
      %get3A_2082 = tpu.vector_load %arg17[%get3A_2080, %get3A_2081] {strides = array<i32>} : memref<16x16xf32, #tpu.memory_space<vmem>>, vector<16xf32>,
      %add3A_2083 = arith.addf %add3A_2078, %get3A_2082 : vector<16xf32>
      %get3A_2084 = arith.constant 6 : i32
      %get3A_2085 = arith.index_cast %get3A_2084 : i32 to index
      %get3A_2086 = arith.constant 0 : index
      %get3A_2087 = tpu.vector_load %arg17[%get3A_2085, %get3A_2086] {strides = array<i32>} : memref<16x16xf32, #tpu.memory_space<vmem>>, vector<16xf32>,
      %add3A_2088 = arith.addf %add3A_2083, %get3A_2087 : vector<16xf32>
      %get3A_2089 = arith.constant 7 : i32
      %get3A_2090 = arith.index_cast %get3A_2089 : i32 to index
      %get3A_2091 = arith.constant 0 : index
      %get3A_2092 = tpu.vector_load %arg17[%get3A_2090, %get3A_2091] {strides = array<i32>} : memref<16x16xf32, #tpu.memory_space<vmem>>, vector<16xf32>,
      %add3A_2093 = arith.addf %add3A_2088, %get3A_2092 : vector<16xf32>
      %get3A_2094 = arith.constant 8 : i32
      %get3A_2095 = arith.index_cast %get3A_2094 : i32 to index
      %get3A_2096 = arith.constant 0 : index
      %get3A_2097 = tpu.vector_load %arg17[%get3A_2095, %get3A_2096] {strides = array<i32>} : memref<16x16xf32, #tpu.memory_space<vmem>>, vector<16xf32>,
      %add3A_2098 = arith.addf %add3A_2093, %get3A_2097 : vector<16xf32>
      %get3A_2099 = arith.constant 9 : i32
      %get3A_2100 = arith.index_cast %get3A_2099 : i32 to index
      %get3A_2101 = arith.constant 0 : index
      %get3A_2102 = tpu.vector_load %arg17[%get3A_2100, %get3A_2101] {strides = array<i32>} : memref<16x16xf32, #tpu.memory_space<vmem>>, vector<16xf32>,
      %add3A_2103 = arith.addf %add3A_2098, %get3A_2102 : vector<16xf32>
      %get3A_2104 = arith.constant 10 : i32
      %get3A_2105 = arith.index_cast %get3A_2104 : i32 to index
      %get3A_2106 = arith.constant 0 : index
      %get3A_2107 = tpu.vector_load %arg17[%get3A_2105, %get3A_2106] {strides = array<i32>} : memref<16x16xf32, #tpu.memory_space<vmem>>, vector<16xf32>,
      %add3A_2108 = arith.addf %add3A_2103, %get3A_2107 : vector<16xf32>
      %get3A_2109 = arith.constant 11 : i32
      %get3A_2110 = arith.index_cast %get3A_2109 : i32 to index
      %get3A_2111 = arith.constant 0 : index
      %get3A_2112 = tpu.vector_load %arg17[%get3A_2110, %get3A_2111] {strides = array<i32>} : memref<16x16xf32, #tpu.memory_space<vmem>>, vector<16xf32>,
      %add3A_2113 = arith.addf %add3A_2108, %get3A_2112 : vector<16xf32>
      %get3A_2114 = arith.constant 12 : i32
      %get3A_2115 = arith.index_cast %get3A_2114 : i32 to index
      %get3A_2116 = arith.constant 0 : index
      %get3A_2117 = tpu.vector_load %arg17[%get3A_2115, %get3A_2116] {strides = array<i32>} : memref<16x16xf32, #tpu.memory_space<vmem>>, vector<16xf32>,
      %add3A_2118 = arith.addf %add3A_2113, %get3A_2117 : vector<16xf32>
      %get3A_2119 = arith.constant 13 : i32
      %get3A_2120 = arith.index_cast %get3A_2119 : i32 to index
      %get3A_2121 = arith.constant 0 : index
      %get3A_2122 = tpu.vector_load %arg17[%get3A_2120, %get3A_2121] {strides = array<i32>} : memref<16x16xf32, #tpu.memory_space<vmem>>, vector<16xf32>,
      %add3A_2123 = arith.addf %add3A_2118, %get3A_2122 : vector<16xf32>
      %get3A_2124 = arith.constant 14 : i32
      %get3A_2125 = arith.index_cast %get3A_2124 : i32 to index
      %get3A_2126 = arith.constant 0 : index
      %get3A_2127 = tpu.vector_load %arg17[%get3A_2125, %get3A_2126] {strides = array<i32>} : memref<16x16xf32, #tpu.memory_space<vmem>>, vector<16xf32>,
      %add3A_2128 = arith.addf %add3A_2123, %get3A_2127 : vector<16xf32>
      %get3A_2129 = arith.constant 15 : i32
      %get3A_2130 = arith.index_cast %get3A_2129 : i32 to index
      %get3A_2131 = arith.constant 0 : index
      %get3A_2132 = tpu.vector_load %arg17[%get3A_2130, %get3A_2131] {strides = array<i32>} : memref<16x16xf32, #tpu.memory_space<vmem>>, vector<16xf32>,
      %add3A_2133 = arith.addf %add3A_2128, %get3A_2132 : vector<16xf32>
      %swap3A_2134 = arith.constant 0 : index
      %swap3A_2135 = tpu.vector_load %arg15[%swap3A_2134] {strides = array<i32>} : memref<16xf32, #tpu.memory_space<vmem>>, vector<16xf32>,
      tpu.vector_store %arg15[%swap3A_2134], %add3A_2133 {strides = array<i32>} : memref<16xf32, #tpu.memory_space<vmem>>, vector<16xf32>,
      %broadcast_in_dim3A_2136 = arith.constant 8 : i32
      %broadcast_in_dim3A_2137 = vector.broadcast %broadcast_in_dim3A_2136 : i32 to vector<16xi32>
      %gather3A_2138 = tpu.vector_load_idx %arg15[%broadcast_in_dim3A_2137] : memref<16xf32, #tpu.memory_space<vmem>>[vector<16xi32>], vector<16xf32>,
      %broadcast_in_dim3A_2139 = arith.constant 1.000000e+00 : f32
      %broadcast_in_dim3A_2140 = vector.broadcast %broadcast_in_dim3A_2139 : f32 to vector<16xf32>
      %max3A = arith.maximumf %gather3A_2138, %broadcast_in_dim3A_2140 : vector<16xf32>
      %div3A_2141 = arith.divf %add3A_2133, %max3A : vector<16xf32>
      %swap3A_2142 = arith.constant 0 : index
      %swap3A_2143 = tpu.vector_load %arg16[%swap3A_2142] {strides = array<i32>} : memref<16xf32, #tpu.memory_space<vmem>>, vector<16xf32>,
      tpu.vector_store %arg16[%swap3A_2142], %div3A_2141 {strides = array<i32>} : memref<16xf32, #tpu.memory_space<vmem>>, vector<16xf32>,
      "tpu.region"() ({
        %run_scoped3A = tpu.sem_alloc : memref<!tpu.dma_semaphore, #tpu.memory_space<semaphore_mem>>
        %dma_start3A_2144 = arith.constant 0 : i32
        %dma_start3A_2145 = tpu.memref_slice %arg16[%dma_start3A_2144] : memref<16xf32, #tpu.memory_space<vmem>> -> memref<8xf32, #tpu.memory_space<vmem>>
        %dma_start3A_2146 = arith.constant 0 : i32
        %dma_start3A_2147 = tpu.memref_slice %arg16[%dma_start3A_2146] : memref<16xf32, #tpu.memory_space<vmem>> -> memref<8xf32, #tpu.memory_space<vmem>>
        tpu.enqueue_dma source(%dma_start3A_2147 : memref<8xf32, #tpu.memory_space<vmem>>) target(%arg7 : memref<8xf32, #tpu.memory_space<hbm>>) target_semaphore(%run_scoped3A : memref<!tpu.dma_semaphore, #tpu.memory_space<semaphore_mem>>)
        %dma_wait3A_2148 = arith.constant 0 : i32
        %dma_wait3A_2149 = tpu.memref_slice %arg16[%dma_wait3A_2148] : memref<16xf32, #tpu.memory_space<vmem>> -> memref<8xf32, #tpu.memory_space<vmem>>
        %dma_wait3A_2150 = arith.constant 0 : i32
        %dma_wait3A_2151 = tpu.memref_slice %arg16[%dma_wait3A_2150] : memref<16xf32, #tpu.memory_space<vmem>> -> memref<8xf32, #tpu.memory_space<vmem>>
        tpu.wait_dma2 semaphore(%run_scoped3A : memref<!tpu.dma_semaphore, #tpu.memory_space<semaphore_mem>>) src(%dma_wait3A_2151 : memref<8xf32, #tpu.memory_space<vmem>>) dst(%arg7 : memref<8xf32, #tpu.memory_space<hbm>>)
        tpu.yield
      }) : () -> ()
    } else {
    }
    return
  }
}

</mosaic_0001>

<sc_bundles>
// kernel: _run.3.cloned.1.call-start
scs
__scs_entry_jumppad:
0x0: {  	(pc) =	sbr.rel $0x88, $3  }
0x1: {  	(tag) =	ssettag $0x0;
	lr =	simm.s32 $0x1  }
0x2: {  	[smem:$0x3F9D] =	sst lr;
	_ =	strace $0xD0000000  }
0x3: {  	_ = 	snop  }
0x4: {  	_ = 	snop  }
0x5: {  	_ = 	snop  }
0x6: {  	_ = 	snop  }
0x7: {  	_ = 	snop  }
__scs_overlays_trampoline_lowered:
0x8: {  	[smem:$0x3FAC] =	sst s0  }
0x9: {  	[smem:$0x3FAD] =	sst s1  }
0xa: {  	[smem:$0x3FAE] =	sst s2  }
0xb: {  	[smem:$0x3FAF] =	sst s3  }
0xc: {  	[smem:$0x3FB0] =	sst s4  }
0xd: {  	[smem:$0x3FB1] =	sst s5  }
0xe: {  	[smem:$0x3FB2] =	sst s6  }
0xf: {  	[smem:$0x3FB3] =	sst s7  }
0x10: {  	[smem:$0x3FB4] =	sst s8  }
0x11: {  	[smem:$0x3FB5] =	sst s9;
	s0 =	simm.s32 @!p0 $0x0  }
0x12: {  	s1 =	sld [smem:$0x3F9B];
	s0 =	simm.s32 @p0 $0x1  }
0x13: {  	[smem:$0x3FB6] =	sst s0;
	s0 =	simm.s32 @!p1 $0x0  }
0x14: {  	s2 =	sld [smem:$0x3F9A];
	s0 =	simm.s32 @p1 $0x1  }
0x15: {  	[smem:$0x3FB7] =	sst s0;
	s0 =	simm.s32 @!p2 $0x0  }
0x16: {  	s3 =	sld [smem:$0x3FDB];
	s0 =	simm.s32 @p2 $0x1  }
0x17: {  	s4 =	simm.s32 $0x1BF5;
	[smem:$0x3FB9] =	sst s0  }
0x18: {  	s0 =	sld [smem:$0x3F9C];
	_ =	swait.ge [sflag:s4], $0x0  }
0x19: {  	s7 =	sld [smem:$0x3F9D]  }
0x1a: {  	s8 =	sadd.s32 $0xFFFFE003, lr  }
0x1b: {  	s9 =	sadd.s32 $0xFFFFFEF7, lr;
	s5 =	simm.s32 $0xFFFFFFFF;
	p2 =	slt.u32 s8, $0xFFFFF086  }
0x1c: {  	p1 =	slt.u32 s9, $0xF7A;
	s5 =	simm.s32 @!p2 $0x0  }
0x1d: {  	s5 =	simm.s32 @p1 $0x1;
	p0 =	seq.s32 s7, s2  }
0x1e: {  	s7 =	smul.u32 @!p0 $0xF7A, s2;
	p2 =	seq.s32 @!p0 s5, $0x0  }
0x1f: {  	s9 =	smul.u32 $0xF7A, s1;
	s8 =	simm.s32 @!p0 $0x1BF5;
	p2 =	por !p2, p0  }
0x20: {  	[sflag:s8] =	ssyncset.s32 @!p0 $0xFFFFF086;
	s6 =	sadd.s32 @!p0 s3, s7;
	s7 =	simm.s32 @!p0 $0x108  }
0x21: {  	s3 =	sadd.s32 s3, s9;
	s6 =	sadd.s32 @!p0 $0x88, s6;
	s7 =	simm.s32 @p2 $0x1082  }
0x22: {  	[simem:s7], [sflag:s8] =	dma.local @!p0 [hbm:s6], $0xF7A  }
0x23: {  	s9 =	sor.u32 $0xD0000000, s2;
	s6 =	simm.s32 $0x108;
	_ =	swait.ge @!p0 [sflag:s8], $0x0  }
0x24: {  	s3 =	sadd.s32 $0x88, s3;
	s6 =	simm.s32 @!p1 $0x1082;
	[sflag:s4] =	ssyncset.s32 $0xFFFFF086  }
0x25: {  	[simem:s6], [sflag:s4] =	dma.local [hbm:s3], $0xF7A  }
0x26: {  	[smem:$0x3F9D] =	sst s1;
	(tag) =	ssettag s2;
	_ =	strace s9  }
0x27: {  	s1 =	sld [smem:$0x3FAD]  }
0x28: {  	s2 =	sld [smem:$0x3FAE]  }
0x29: {  	s4 =	sld [smem:$0x3FB0]  }
0x2a: {  	p0 =	seq.s32 s5, $0x0;
	s5 =	sld [smem:$0x3FB1]  }
0x2b: {  	s6 =	sld [smem:$0x3FB2]  }
0x2c: {  	s7 =	sld [smem:$0x3FB3]  }
0x2d: {  	s3 =	simm.s32 $0x108;
	s8 =	sld [smem:$0x3FB4]  }
0x2e: {  	s3 =	simm.s32 @!p0 $0x1082;
	s9 =	sld [smem:$0x3FB5]  }
0x2f: {  	lr =	sadd.s32 s0, s3;
	s0 =	sld [smem:$0x3FAC]  }
0x30: {  	s3 =	sld [smem:$0x3FAF]  }
0x31: {  	[smem:$0x3FB8] =	sst s10  }
0x32: {  	s10 =	sld [smem:$0x3FB6];
	_ =	sdelay $0x3  }
0x33: {  	p0 =	seq.s32 s10, $0x1;
	s10 =	sld [smem:$0x3FB8];
	_ =	sdelay $0x3  }
0x34: {  	[smem:$0x3FB8] =	sst s10  }
0x35: {  	s10 =	sld [smem:$0x3FB7];
	_ =	sdelay $0x3  }
0x36: {  	p1 =	seq.s32 s10, $0x1;
	s10 =	sld [smem:$0x3FB8];
	_ =	sdelay $0x3  }
0x37: {  	[smem:$0x3FB8] =	sst s10  }
0x38: {  	s10 =	sld [smem:$0x3FB9]  }
0x39: {  	_ = 	snop;
	(pc) =	sbr.ind lr, $3  }
0x3a: {  	_ = 	snop  }
0x3b: {  	_ = 	snop  }
0x3c: {  	p2 =	seq.s32 s10, $0x1;
	s10 =	sld [smem:$0x3FB8]  }
0x3d: {  	_ =	shalt  }
0x3e: {  	_ =	shalt  }
0x3f: {  	_ =	shalt  }
0x40: {  	_ =	shalt  }
0x41: {  	_ =	shalt  }
0x42: {  	_ =	shalt  }
0x43: {  	_ =	shalt  }
0x44: {  	_ =	shalt  }
0x45: {  	_ =	shalt  }
0x46: {  	_ =	shalt  }
0x47: {  	_ =	shalt  }
0x48: {  	_ =	shalt  }
0x49: {  	_ =	shalt  }
0x4a: {  	_ =	shalt  }
0x4b: {  	_ =	shalt  }
0x4c: {  	_ =	shalt  }
0x4d: {  	_ =	shalt  }
0x4e: {  	_ =	shalt  }
0x4f: {  	_ =	shalt  }
0x50: {  	_ =	shalt  }
0x51: {  	_ =	shalt  }
0x52: {  	_ =	shalt  }
0x53: {  	_ =	shalt  }
0x54: {  	_ =	shalt  }
0x55: {  	_ =	shalt  }
0x56: {  	_ =	shalt  }
0x57: {  	_ =	shalt  }
0x58: {  	_ =	shalt  }
0x59: {  	_ =	shalt  }
0x5a: {  	_ =	shalt  }
0x5b: {  	_ =	shalt  }
0x5c: {  	_ =	shalt  }
0x5d: {  	_ =	shalt  }
0x5e: {  	_ =	shalt  }
0x5f: {  	_ =	shalt  }
0x60: {  	_ =	shalt  }
0x61: {  	_ =	shalt  }
0x62: {  	_ =	shalt  }
0x63: {  	_ =	shalt  }
0x64: {  	_ =	shalt  }
0x65: {  	_ =	shalt  }
0x66: {  	_ =	shalt  }
0x67: {  	_ =	shalt  }
0x68: {  	_ =	shalt  }
0x69: {  	_ =	shalt  }
0x6a: {  	_ =	shalt  }
0x6b: {  	_ =	shalt  }
0x6c: {  	_ =	shalt  }
0x6d: {  	_ =	shalt  }
0x6e: {  	_ =	shalt  }
0x6f: {  	_ =	shalt  }
0x70: {  	_ =	shalt  }
0x71: {  	_ =	shalt  }
0x72: {  	_ =	shalt  }
0x73: {  	_ =	shalt  }
0x74: {  	_ =	shalt  }
0x75: {  	_ =	shalt  }
0x76: {  	_ =	shalt  }
0x77: {  	_ =	shalt  }
0x78: {  	_ =	shalt  }
0x79: {  	_ =	shalt  }
0x7a: {  	_ =	shalt  }
0x7b: {  	_ =	shalt  }
0x7c: {  	_ =	shalt  }
0x7d: {  	_ =	shalt  }
0x7e: {  	_ =	shalt  }
0x7f: {  	_ =	shalt  }
0x80: {  	_ =	shalt  }
0x81: {  	_ =	shalt  }
0x82: {  	_ =	shalt  }
0x83: {  	_ =	shalt  }
0x84: {  	_ =	shalt  }
0x85: {  	_ =	shalt  }
0x86: {  	_ =	shalt  }
0x87: {  	_ =	shalt  }
.Lfunc_end0:
.L_simem_size_0:
called_computation_lowered:
.L_overlay_start_0:
0x88: {  	s0 =	sld [smem:$0x3FD9]  }
0x89: {  	s1 =	sld [smem:$0x3FFE];
	_ =	sdelay $0x3  }
0x8a: {  	s0 =	sadd.s32 s1, s0  }
0x8b: {  	[smem:$0x3FC4] =	sst s0  }
0x8c: {  	_ = 	snop  }
0x8d: {  	s0 =	sld [smem:$0x3FC9]  }
0x8e: {  	s16 =	sld [smem:$0x3FC8]  }
0x8f: {  	s2 =	sld [smem:$0x3FC7]  }
0x90: {  	s3 =	sld [smem:$0x3FC6]  }
0x91: {  	s4 =	sld [smem:$0x3FD0];
	(tm) =	ssettm $0x1  }
0x92: {  	s5 =	sld [smem:$0x3FFB];
	_ =	sdelay $0x3  }
0x93: {  	_ =	strace s5  }
0x94: {  	s5 =	sld [smem:$0x3FFC];
	_ =	sdelay $0x3  }
0x95: {  	_ =	strace s5  }
0x96: {  	s5 =	sld [smem:$0x3FFD];
	_ =	sdelay $0x3  }
0x97: {  	_ =	strace s5  }
0x98: {  	_ =	strace $0x8FFFFFFF  }
0x99: {  	s17 =	sld [smem:$0x3FDB];
	_ =	sdelay $0x1  }
0x9a: {  	s6 =	simm.s32 $_scs_section_size  }
0x9b: {  	s7 =	simm.s32 $_size__tile_overlayer_lowered;
	s8 =	simm.s32 $_tile_overlayer_lowered  }
0x9c: {  	s20 =	simm.s32 $0x1BFF;
	s19 =	sshll.u32 s8, $0x1;
	s5 =	sadd.s32 s6, s17  }
0x9d: {  	s9 =	simm.s32 $0x0;
	s18 =	sshll.u32 s7, $0x1;
	s7 =	sadd.s32 s19, s5  }
0x9e: {  	[timem:s9], [sflag:s20] =	dma.local [hbm:s7], s18  }
0x9f: {  	_ =	swait.ge [sflag:s20], s18  }
0xa0: {  	s6 =	ssub.s32 $0x0, s18;
	[sflag:s20] =	ssyncset.done $0x0  }
0xa1: {  	[sflag:s20] =	ssyncadd.s32 s6;
	_ =	sdelay $0x1  }
0xa2: {  	s21 =	simm.s32 $0x1B8B  }
0xa3: {  	_ =	swait.ge [sflag:s21], $0x1  }
0xa4: {  	[sflag:s21] =	ssyncset.done $0x0  }
0xa5: {  	s23 =	simm.s32 $0x1B8E;
	s22 =	sld [smem:$0x3FFE];
	[sflag:s21] =	ssyncadd.s32 $0xFFFFFFFF  }
0xa6: {  	s24 =	simm.s32 $execute0_lowered;
	[smem:$0x3FD2] =	sst s23  }
0xa7: {  	s7 =	sshll.u32 s24, $0x1;
	_ =	strace $0x80000046;
	[dreg:$0x1] =	wrdreg $0xFFFFFFFF  }
0xa8: {  	s25 =	simm.s32 $_size_execute0_lowered;
	s5 =	sadd.s32 s5, s7;
	[dreg:$0x0] =	wrdreg $0x0  }
0xa9: {  	s7 =	sshll.u32 s25, $0x1;
	[dreg:$0x2] =	wrdreg s5  }
0xaa: {  	[dreg:$0x3] =	wrdreg s7  }
0xab: {  	[dreg:$0x4] =	wrdreg $0xC0  }
0xac: {  	_ =	task [dreg:s9], $0x5FFFF  }
0xad: {  	[dreg:$0x1] =	wrdreg $0xFFFFFFFF  }
0xae: {  	[dreg:$0x0] =	wrdreg $0x60  }
0xaf: {  	[dreg:$0x2] =	wrdreg s0  }
0xb0: {  	[dreg:$0x3] =	wrdreg s16  }
0xb1: {  	[dreg:$0x4] =	wrdreg s2  }
0xb2: {  	[dreg:$0x5] =	wrdreg s3  }
0xb3: {  	[dreg:$0x6] =	wrdreg s22  }
0xb4: {  	[dreg:$0x7] =	wrdreg s4  }
0xb5: {  	[dreg:$0x8] =	wrdreg $0x9  }
0xb6: {  	_ =	task.clear_ibuf [dreg:s9], $0x9FFFF;
	_ =	strace $0x90000046  }
0xb7: {  	s26 =	simm.s32 $0x9;
	_ =	strace $0x80000048  }
0xb8: {  	_ =	swait.ge [sflag:s26], $0x1  }
0xb9: {  	[sflag:s26] =	ssyncadd.s32 $0xFFFFFFFF  }
0xba: {  	_ =	strace $0x90000048  }
0xbb: {  	_ =	sfence  }
0xbc: {  	s28 =	sld [smem:$0x0];
	_ =	sdelay $0x1  }
0xbd: {  	s29 =	srdreg.scid  }
0xbe: {  	s30 =	sshll.u32 s29, $0xD;
	s31 =	sshrl.u32 s29, $0x2  }
0xbf: {  	s1 =	sand.u32 $0x1, s29;
	s2 =	sand.u32 $0x4000, s30;
	s0 =	sadd.s32 s31, s28  }
0xc0: {  	s1 =	sor.u32 s2, s1;
	s0 =	sshll.u32 s0, $0x11  }
0xc1: {  	s0 =	sor.u32 s0, s1  }
0xc2: {  	s0 =	sadd.s32 $0x8F2B, s0  }
0xc3: {  	[sflag:s0] =	ssyncadd.remote.s32 $0x1  }
0xc4: {  	_ =	sfence.sel $0xFFFF  }
0xc5: {  	[dreg:$0x0] =	wrdreg $0xFFFFFFFF;
	(pc) =	sbr.abs _section_cstart, $3  }
0xc6: {  	[dreg:$0x1] =	wrdreg $0xFFFFFFFF  }
0xc7: {  	_ =	task.clear_ibuf [dreg:s9], $0x2FFFF;
	_ =	strace $0x9FFFFFFF  }
0xc8: {  	(tm) =	ssettm $0x7FFFFFFF  }
0xc9: {  	_ =	shalt  }
tec
execute0_lowered:
.L_overlay_start_1:
0x0: {  	(tag) =	ssettag $0x1  }
0x1: {  	v0 =	vlaneseq.u32  }
0x2: {  	v1 =	vimm.s32 $0x0;
	v47 =	vadd.s32 $0x1, v0  }
0x3: {  	v48 =	vor.u32 $0x10, v0;
	v52 =	vadd.s32 $0x11, v0;
	v8 =	vor.u32 $0x20, v0  }
0x4: {  	s2 =	stileid.u32;
	s5 =	rddreg [dreg:$0x0];
	v55 =	vadd.s32 $0x21, v0;
	v12 =	vor.u32 $0x30, v0;
	v60 =	vadd.s32 $0x31, v0  }
0x5: {  	s6 =	rddreg [dreg:$0x1];
	s0 =	sshll.u32 s2, $0x7;
	v61 =	vor.u32 $0x40, v0;
	v25 =	vadd.s32 $0x41, v0;
	v26 =	vor.u32 $0x50, v0  }
0x6: {  	s7 =	rddreg [dreg:$0x2];
	v31 =	vadd.s32 $0x51, v0;
	v17 =	vor.u32 $0x60, v0;
	v36 =	vadd.s32 $0x61, v0;
	s8 =	smin.u32 s0, $0x750  }
0x7: {  	s9 =	rddreg [dreg:$0x3];
	v3 =	vor.u32 s8, v0;
	v49 =	vadd.s32 s8, v48;
	v53 =	vor.u32 s8, v8  }
0x8: {  	s3 =	rddreg [dreg:$0x4];
	v56 =	vadd.s32 s8, v12;
	v62 =	vadd.s32 s8, v61;
	v27 =	vadd.s32 s8, v26  }
0x9: {  	s1 =	rddreg [dreg:$0x5];
	s4 =	simm.s32 $0x0;
	s0 =	ssub.s32 s0, s8;
	v32 =	vadd.s32 s8, v17;
	v61 =	vadd.s32 $0x71, v0;
	vm0 =	vgt.u32 v3, $0x1F3  }
0xa: {  	[smem:$0x7FF] =	sst s4;
	s10 =	sshrl.u32 s8, $0x3;
	vm1 =	vgt.u32 v3, $0x3E7;
	v2 =	vmov s0;
	vm8 =	vgt.u32 v3, $0x5DB  }
0xb: {  	vm10 =	vgt.u32 v49, $0x1F3;
	vm11 =	vgt.u32 v49, $0x3E7;
	s0 =	rddreg [dreg:$0x6];
	vm12 =	vgt.u32 v49, $0x5DB;
	_ =	strace $0x80000047;
	s6 =	sadd.s32 s6, s10  }
0xc: {  	vm14 =	vgt.u32 v53, $0x1F3;
	vm15 =	vgt.u32 v53, $0x3E7;
	vm4 =	vgt.u32 v53, $0x5DB;
	[tilespmem:s4], [sflag:$0x1] =	stream.linear.gather [hbm4b:s6+s4], $0x80, $0x38;
	[tilespmem:$0x1700] =	vst v63  }
0xd: {  	s28 =	simm.s32 $0x80;
	s26 =	sadd.s32 s7, s10;
	vm6 =	vgt.u32 v56, $0x1F3;
	vm7 =	vgt.u32 v56, $0x3E7;
	v4 =	vsel vm0, $0x1, v1  }
0xe: {  	v5 =	vsel vm1, $0x1, v1;
	v6 =	vsel vm8, $0x1, v1;
	vm9 =	vlt.u32 v2, v47;
	[tilespmem:s28], [sflag:$0x1] =	stream.linear.gather [hbm4b:s26+s4], $0x80, $0x38;
	[tilespmem:$0x1700] =	vst v63  }
0xf: {  	s30 =	simm.s32 $0x200;
	s31 =	simm.s32 $0x1;
	s29 =	sadd.s32 s9, s8;
	v51 =	vsel vm10, $0x1, v1;
	v7 =	vsel vm11, $0x1, v1;
	v9 =	vsel vm12, $0x1, v1  }
0x10: {  	vm13 =	vlt.u32 v2, v52;
	v10 =	vsel vm14, $0x1, v1;
	v11 =	vsel vm15, $0x1, v1;
	[tilespmem:s30], [sflag:$0x1] =	stream.linear.gather [hbm4b:s29+s4], $0x400, $0x38;
	[tilespmem:$0x1700] =	vst v63  }
0x11: {  	v13 =	vsel vm4, $0x1, v1;
	vm5 =	vlt.u32 v2, v55;
	v58 =	vsel vm6, $0x1, v1;
	_ =	swait.ge [sflag:s31], $0x80  }
0x12: {  	v59 =	vsel vm7, $0x1, v1;
	vm8 =	vgt.u32 v56, $0x5DB;
	vm10 =	vgt.u32 v62, $0x1F3;
	[sflag:s31] =	ssyncset.done $0x0  }
0x13: {  	vm11 =	vgt.u32 v62, $0x3E7;
	vm12 =	vgt.u32 v62, $0x5DB;
	vm14 =	vgt.u32 v27, $0x1F3;
	[sflag:s31] =	ssyncadd.s32 $0xFFFFFF80  }
0x14: {  	vm15 =	vgt.u32 v27, $0x3E7;
	vm4 =	vgt.u32 v27, $0x5DB;
	vm6 =	vgt.u32 v32, $0x1F3;
	_ =	swait.ge [sflag:s31], $0x80  }
0x15: {  	vm7 =	vgt.u32 v32, $0x3E7;
	v4 =	vadd.s32 v5, v4;
	v50 =	vsel vm9, $0x3F800000, v1;
	[sflag:s31] =	ssyncset.done $0x0  }
0x16: {  	v54 =	vsel vm13, $0x3F800000, v1;
	v57 =	vsel vm5, $0x3F800000, v1;
	v10 =	vadd.s32 v11, v10;
	[sflag:s31] =	ssyncadd.s32 $0xFFFFFF80  }
0x17: {  	v14 =	vsel vm8, $0x1, v1;
	vm9 =	vlt.u32 v2, v60;
	v23 =	vsel vm10, $0x1, v1;
	_ =	swait.ge [sflag:s31], $0x400  }
0x18: {  	v24 =	vsel vm11, $0x1, v1;
	v15 =	vsel vm12, $0x1, v1;
	vm13 =	vlt.u32 v2, v25;
	[sflag:s31] =	ssyncset.done $0x0  }
0x19: {  	v29 =	vsel vm14, $0x1, v1;
	v30 =	vsel vm15, $0x1, v1;
	v19 =	vsel vm4, $0x1, v1;
	[sflag:s31] =	ssyncadd.s32 $0xFFFFFC00  }
0x1a: {  	vm5 =	vlt.u32 v2, v31;
	v35 =	vsel vm6, $0x1, v1;
	v22 =	vsel vm7, $0x1, v1;
	v16 =	vld [tilespmem:$0x80]  }
0x1b: {  	vm8 =	vgt.u32 v32, $0x5DB;
	v4 =	vadd.s32 v6, v4;
	v6 =	vadd.s32 v7, v51;
	v18 =	vld [tilespmem:$0x0]  }
0x1c: {  	v10 =	vadd.s32 v13, v10;
	v63 =	vsel vm9, $0x3F800000, v1;
	v11 =	vadd.s32 v24, v23;
	v33 =	vld [tilespmem:$0x90]  }
0x1d: {  	v28 =	vsel vm13, $0x3F800000, v1;
	v34 =	vsel vm5, $0x3F800000, v1;
	v24 =	vor.u32 $0x70, v0;
	v20 =	vld [tilespmem:$0x10]  }
0x1e: {  	v39 =	vsel vm8, $0x1, v1;
	vm9 =	vlt.u32 v2, v36;
	vm13 =	vlt.u32 v2, v61;
	v21 =	vld [tilespmem:$0xA0]  }
0x1f: {  	v4 =	vshll.u32 v4, $0x15;
	v6 =	vadd.s32 v9, v6;
	v9 =	vadd.s32 v59, v58;
	v23 =	vld [tilespmem:$0x20]  }
0x20: {  	v10 =	vshll.u32 v10, $0x15;
	v11 =	vadd.s32 v15, v11;
	v40 =	vadd.s32 s8, v24;
	v38 =	vld [tilespmem:$0x30]  }
0x21: {  	v46 =	vsel vm9, $0x3F800000, v1;
	v6 =	vshll.u32 v6, $0x15;
	v9 =	vadd.s32 v14, v9;
	v45 =	vld [tilespmem:$0x40]  }
0x22: {  	v11 =	vshll.u32 v11, $0x15;
	v14 =	vadd.s32 v30, v29;
	v25 =	vld [tilespmem:$0xB0];
	v4 =	vadd.s32 v4, v18  }
0x23: {  	vm10 =	vgt.u32 v40, $0x1F3;
	vm11 =	vgt.u32 v40, $0x3E7;
	v52 =	vld [tilespmem:$0xE0];
	v42 =	vadd.s32 v6, v20;
	[tilespmem:$0x180] =	vst v4  }
0x24: {  	v9 =	vshll.u32 v9, $0x15;
	v41 =	vld [tilespmem:$0xC0];
	v16 =	vcvt.s32.f32 v16;
	v48 =	vadd.s32 v10, v23;
	[tilespmem:$0x190] =	vst v42  }
0x25: {  	vm12 =	vgt.u32 v40, $0x5DB;
	v37 =	vcvt.s32.f32 v33;
	v53 =	vadd.s32 v9, v38;
	[tilespmem:$0x1A0] =	vst v48  }
0x26: {  	v47 =	vld [tilespmem:$0xD0];
	v44 =	vcvt.s32.f32 v21;
	v58 =	vadd.s32 v11, v45;
	[tilespmem:$0x1B0] =	vst v53;
	v5 =	vmul.f32 v16, v50  }
0x27: {  	v14 =	vadd.s32 v19, v14;
	v62 =	vld [tilespmem:$0x70];
	v49 =	vcvt.s32.f32 v25;
	[tilespmem:$0x1C0] =	vst v58;
	v43 =	vmul.f32 v37, v54  }
0x28: {  	v51 =	vsel vm10, $0x1, v1;
	v6 =	vcvt.s32.f32 v52;
	v7 =	vmul.f32 v44, v57;
	v50 =	vld [tilespmem:$0x50];
	[tilespmem:$0x100] =	vst v5  }
0x29: {  	v56 =	vsel vm11, $0x1, v1;
	v4 =	vcvt.s32.f32 v41;
	v8 =	vmul.f32 v49, v63;
	v57 =	vld [tilespmem:$0xF0];
	[tilespmem:$0x110] =	vst v43  }
0x2a: {  	v60 =	vsel vm12, $0x1, v1;
	v59 =	vadd.s32 v56, v51;
	v15 =	vmul.f32 v6, v46;
	[tilespmem:$0x120] =	vst v7  }
0x2b: {  	v19 =	vadd.s32 v22, v35;
	v54 =	vld [tilespmem:$0x60];
	v4 =	vmul.f32 v4, v28;
	[tilespmem:$0x130] =	vst v8;
	v8 =	vadd.s32 v60, v59  }
0x2c: {  	v14 =	vshll.u32 v14, $0x15;
	v5 =	vcvt.s32.f32 v47;
	[tilespmem:$0x160] =	vst v15;
	v16 =	vshll.u32 v8, $0x15  }
0x2d: {  	v18 =	vadd.s32 v39, v19;
	v20 =	vshrl.u32 v0, $0x3;
	[tilespmem:$0x140] =	vst v4;
	v17 =	vadd.s32 v16, v62  }
0x2e: {  	v5 =	vmul.f32 v5, v34;
	v63 =	vadd.s32 v14, v50;
	v3 =	vcvt.s32.f32 v57;
	[tilespmem:$0x1F0] =	vst v17  }
0x2f: {  	v1 =	vsel vm13, $0x3F800000, v1;
	v55 =	vshll.u32 v18, $0x15;
	[tilespmem:$0x1D0] =	vst v63  }
0x30: {  	v14 =	vadd.s32 v55, v54;
	[tilespmem:$0x150] =	vst v5;
	v1 =	vmul.f32 v3, v1  }
0x31: {  	[tilespmem:$0x1E0] =	vst v14  }
0x32: {  	s9 =	simm.s32 $0x180;
	[tilespmem:$0x170] =	vst v1  }
0x33: {  	v1 =	vld.idx.msk [tilespmem:v20+s9+$0x0], $0xffff;
	_ =	sdelay $0x1  }
0x34: {  	v0 =	vand.u32 $0x7, v0;
	v57 =	vor.u32 $0x2, v20  }
0x35: {  	v39 =	vmul.u32 $0x40000, v0;
	_ =	sdelay $0x1  }
0x36: {  	v0 =	vadd.s32 v39, v1  }
0x37: {  	[tilespmem:$0x600] =	vst v0  }
0x38: {  	v0 =	vld.idx.msk [tilespmem:v57+s9+$0x0], $0xffff;
	_ =	sdelay $0x1  }
0x39: {  	v60 =	vor.u32 $0x4, v20;
	_ =	sdelay $0x2  }
0x3a: {  	v0 =	vadd.s32 v39, v0  }
0x3b: {  	[tilespmem:$0x610] =	vst v0  }
0x3c: {  	v0 =	vld.idx.msk [tilespmem:v60+s9+$0x0], $0xffff;
	_ =	sdelay $0x1  }
0x3d: {  	v23 =	vor.u32 $0x6, v20;
	_ =	sdelay $0x2  }
0x3e: {  	v0 =	vadd.s32 v39, v0  }
0x3f: {  	[tilespmem:$0x620] =	vst v0  }
0x40: {  	v0 =	vld.idx.msk [tilespmem:v23+s9+$0x0], $0xffff;
	_ =	sdelay $0x1  }
0x41: {  	v63 =	vor.u32 $0x8, v20;
	_ =	sdelay $0x2  }
0x42: {  	v0 =	vadd.s32 v39, v0  }
0x43: {  	[tilespmem:$0x630] =	vst v0  }
0x44: {  	v0 =	vld.idx.msk [tilespmem:v63+s9+$0x0], $0xffff;
	_ =	sdelay $0x1  }
0x45: {  	v25 =	vor.u32 $0xA, v20;
	_ =	sdelay $0x2  }
0x46: {  	v0 =	vadd.s32 v39, v0  }
0x47: {  	[tilespmem:$0x640] =	vst v0  }
0x48: {  	v0 =	vld.idx.msk [tilespmem:v25+s9+$0x0], $0xffff;
	_ =	sdelay $0x1  }
0x49: {  	v26 =	vor.u32 $0xC, v20;
	_ =	sdelay $0x2  }
0x4a: {  	v0 =	vadd.s32 v39, v0  }
0x4b: {  	[tilespmem:$0x650] =	vst v0  }
0x4c: {  	v0 =	vld.idx.msk [tilespmem:v26+s9+$0x0], $0xffff;
	_ =	sdelay $0x1  }
0x4d: {  	v27 =	vor.u32 $0xE, v20;
	_ =	sdelay $0x2  }
0x4e: {  	v0 =	vadd.s32 v39, v0  }
0x4f: {  	[tilespmem:$0x660] =	vst v0  }
0x50: {  	v0 =	vld.idx.msk [tilespmem:v27+s9+$0x0], $0xffff;
	_ =	sdelay $0x1  }
0x51: {  	v28 =	vor.u32 $0x10, v20;
	_ =	sdelay $0x2  }
0x52: {  	v0 =	vadd.s32 v39, v0  }
0x53: {  	[tilespmem:$0x670] =	vst v0  }
0x54: {  	v0 =	vld.idx.msk [tilespmem:v28+s9+$0x0], $0xffff;
	_ =	sdelay $0x1  }
0x55: {  	v29 =	vor.u32 $0x12, v20;
	_ =	sdelay $0x2  }
0x56: {  	v0 =	vadd.s32 v39, v0  }
0x57: {  	[tilespmem:$0x680] =	vst v0  }
0x58: {  	v0 =	vld.idx.msk [tilespmem:v29+s9+$0x0], $0xffff;
	_ =	sdelay $0x1  }
0x59: {  	v30 =	vor.u32 $0x14, v20;
	_ =	sdelay $0x2  }
0x5a: {  	v0 =	vadd.s32 v39, v0  }
0x5b: {  	[tilespmem:$0x690] =	vst v0  }
0x5c: {  	v0 =	vld.idx.msk [tilespmem:v30+s9+$0x0], $0xffff;
	_ =	sdelay $0x1  }
0x5d: {  	v31 =	vor.u32 $0x16, v20;
	_ =	sdelay $0x2  }
0x5e: {  	v0 =	vadd.s32 v39, v0  }
0x5f: {  	[tilespmem:$0x6A0] =	vst v0  }
0x60: {  	v0 =	vld.idx.msk [tilespmem:v31+s9+$0x0], $0xffff;
	_ =	sdelay $0x1  }
0x61: {  	v2 =	vor.u32 $0x18, v20;
	_ =	sdelay $0x2  }
0x62: {  	v0 =	vadd.s32 v39, v0  }
0x63: {  	[tilespmem:$0x6B0] =	vst v0  }
0x64: {  	v0 =	vld.idx.msk [tilespmem:v2+s9+$0x0], $0xffff;
	_ =	sdelay $0x1  }
0x65: {  	v33 =	vor.u32 $0x1A, v20;
	_ =	sdelay $0x2  }
0x66: {  	v0 =	vadd.s32 v39, v0  }
0x67: {  	[tilespmem:$0x6C0] =	vst v0  }
0x68: {  	v0 =	vld.idx.msk [tilespmem:v33+s9+$0x0], $0xffff;
	_ =	sdelay $0x1  }
0x69: {  	v34 =	vor.u32 $0x1C, v20;
	_ =	sdelay $0x2  }
0x6a: {  	v0 =	vadd.s32 v39, v0  }
0x6b: {  	[tilespmem:$0x6D0] =	vst v0  }
0x6c: {  	v0 =	vld.idx.msk [tilespmem:v34+s9+$0x0], $0xffff;
	_ =	sdelay $0x1  }
0x6d: {  	v35 =	vor.u32 $0x1E, v20;
	_ =	sdelay $0x2  }
0x6e: {  	v0 =	vadd.s32 v39, v0  }
0x6f: {  	[tilespmem:$0x6E0] =	vst v0  }
0x70: {  	v0 =	vld.idx.msk [tilespmem:v35+s9+$0x0], $0xffff;
	_ =	sdelay $0x1  }
0x71: {  	v36 =	vor.u32 $0x20, v20;
	_ =	sdelay $0x2  }
0x72: {  	v0 =	vadd.s32 v39, v0  }
0x73: {  	[tilespmem:$0x6F0] =	vst v0  }
0x74: {  	v0 =	vld.idx.msk [tilespmem:v36+s9+$0x0], $0xffff;
	_ =	sdelay $0x1  }
0x75: {  	v37 =	vor.u32 $0x22, v20;
	_ =	sdelay $0x2  }
0x76: {  	v0 =	vadd.s32 v39, v0  }
0x77: {  	[tilespmem:$0x700] =	vst v0  }
0x78: {  	v0 =	vld.idx.msk [tilespmem:v37+s9+$0x0], $0xffff;
	_ =	sdelay $0x1  }
0x79: {  	v38 =	vor.u32 $0x24, v20;
	_ =	sdelay $0x2  }
0x7a: {  	v0 =	vadd.s32 v39, v0  }
0x7b: {  	[tilespmem:$0x710] =	vst v0  }
0x7c: {  	v0 =	vld.idx.msk [tilespmem:v38+s9+$0x0], $0xffff;
	_ =	sdelay $0x1  }
0x7d: {  	v40 =	vor.u32 $0x26, v20;
	_ =	sdelay $0x2  }
0x7e: {  	v0 =	vadd.s32 v39, v0  }
0x7f: {  	[tilespmem:$0x720] =	vst v0  }
0x80: {  	v0 =	vld.idx.msk [tilespmem:v40+s9+$0x0], $0xffff;
	_ =	sdelay $0x1  }
0x81: {  	v41 =	vor.u32 $0x28, v20;
	_ =	sdelay $0x2  }
0x82: {  	v0 =	vadd.s32 v39, v0  }
0x83: {  	[tilespmem:$0x730] =	vst v0  }
0x84: {  	v0 =	vld.idx.msk [tilespmem:v41+s9+$0x0], $0xffff;
	_ =	sdelay $0x1  }
0x85: {  	v42 =	vor.u32 $0x2A, v20;
	_ =	sdelay $0x2  }
0x86: {  	v0 =	vadd.s32 v39, v0  }
0x87: {  	[tilespmem:$0x740] =	vst v0  }
0x88: {  	v0 =	vld.idx.msk [tilespmem:v42+s9+$0x0], $0xffff;
	_ =	sdelay $0x1  }
0x89: {  	v43 =	vor.u32 $0x2C, v20;
	_ =	sdelay $0x2  }
0x8a: {  	v0 =	vadd.s32 v39, v0  }
0x8b: {  	[tilespmem:$0x750] =	vst v0  }
0x8c: {  	v0 =	vld.idx.msk [tilespmem:v43+s9+$0x0], $0xffff;
	_ =	sdelay $0x1  }
0x8d: {  	v44 =	vor.u32 $0x2E, v20;
	_ =	sdelay $0x2  }
0x8e: {  	v0 =	vadd.s32 v39, v0  }
0x8f: {  	[tilespmem:$0x760] =	vst v0  }
0x90: {  	v0 =	vld.idx.msk [tilespmem:v44+s9+$0x0], $0xffff;
	_ =	sdelay $0x1  }
0x91: {  	v45 =	vor.u32 $0x30, v20;
	_ =	sdelay $0x2  }
0x92: {  	v0 =	vadd.s32 v39, v0  }
0x93: {  	[tilespmem:$0x770] =	vst v0  }
0x94: {  	v0 =	vld.idx.msk [tilespmem:v45+s9+$0x0], $0xffff;
	_ =	sdelay $0x1  }
0x95: {  	v46 =	vor.u32 $0x32, v20;
	_ =	sdelay $0x2  }
0x96: {  	v0 =	vadd.s32 v39, v0  }
0x97: {  	[tilespmem:$0x780] =	vst v0  }
0x98: {  	v0 =	vld.idx.msk [tilespmem:v46+s9+$0x0], $0xffff;
	_ =	sdelay $0x1  }
0x99: {  	v47 =	vor.u32 $0x34, v20;
	_ =	sdelay $0x2  }
0x9a: {  	v0 =	vadd.s32 v39, v0  }
0x9b: {  	[tilespmem:$0x790] =	vst v0  }
0x9c: {  	v0 =	vld.idx.msk [tilespmem:v47+s9+$0x0], $0xffff;
	_ =	sdelay $0x1  }
0x9d: {  	v48 =	vor.u32 $0x36, v20;
	_ =	sdelay $0x2  }
0x9e: {  	v0 =	vadd.s32 v39, v0  }
0x9f: {  	[tilespmem:$0x7A0] =	vst v0  }
0xa0: {  	v0 =	vld.idx.msk [tilespmem:v48+s9+$0x0], $0xffff;
	_ =	sdelay $0x1  }
0xa1: {  	v49 =	vor.u32 $0x38, v20;
	_ =	sdelay $0x2  }
0xa2: {  	v0 =	vadd.s32 v39, v0  }
0xa3: {  	[tilespmem:$0x7B0] =	vst v0  }
0xa4: {  	v0 =	vld.idx.msk [tilespmem:v49+s9+$0x0], $0xffff;
	_ =	sdelay $0x1  }
0xa5: {  	v50 =	vor.u32 $0x3A, v20;
	_ =	sdelay $0x2  }
0xa6: {  	v0 =	vadd.s32 v39, v0  }
0xa7: {  	[tilespmem:$0x7C0] =	vst v0  }
0xa8: {  	v0 =	vld.idx.msk [tilespmem:v50+s9+$0x0], $0xffff;
	_ =	sdelay $0x1  }
0xa9: {  	v51 =	vor.u32 $0x3C, v20;
	_ =	sdelay $0x2  }
0xaa: {  	v0 =	vadd.s32 v39, v0  }
0xab: {  	[tilespmem:$0x7D0] =	vst v0  }
0xac: {  	v0 =	vld.idx.msk [tilespmem:v51+s9+$0x0], $0xffff;
	_ =	sdelay $0x1  }
0xad: {  	v52 =	vor.u32 $0x3E, v20;
	_ =	sdelay $0x2  }
0xae: {  	v0 =	vadd.s32 v39, v0  }
0xaf: {  	[tilespmem:$0x7E0] =	vst v0  }
0xb0: {  	v0 =	vld.idx.msk [tilespmem:v52+s9+$0x0], $0xffff;
	_ =	sdelay $0x1  }
0xb1: {  	v53 =	vor.u32 $0x40, v20;
	_ =	sdelay $0x2  }
0xb2: {  	v0 =	vadd.s32 v39, v0  }
0xb3: {  	[tilespmem:$0x7F0] =	vst v0  }
0xb4: {  	v0 =	vld.idx.msk [tilespmem:v53+s9+$0x0], $0xffff;
	_ =	sdelay $0x1  }
0xb5: {  	v54 =	vor.u32 $0x42, v20;
	_ =	sdelay $0x2  }
0xb6: {  	v0 =	vadd.s32 v39, v0  }
0xb7: {  	[tilespmem:$0x800] =	vst v0  }
0xb8: {  	v0 =	vld.idx.msk [tilespmem:v54+s9+$0x0], $0xffff;
	_ =	sdelay $0x1  }
0xb9: {  	v55 =	vor.u32 $0x44, v20;
	_ =	sdelay $0x2  }
0xba: {  	v0 =	vadd.s32 v39, v0  }
0xbb: {  	[tilespmem:$0x810] =	vst v0  }
0xbc: {  	v0 =	vld.idx.msk [tilespmem:v55+s9+$0x0], $0xffff;
	_ =	sdelay $0x1  }
0xbd: {  	v56 =	vor.u32 $0x46, v20;
	_ =	sdelay $0x2  }
0xbe: {  	v0 =	vadd.s32 v39, v0  }
0xbf: {  	[tilespmem:$0x820] =	vst v0  }
0xc0: {  	v0 =	vld.idx.msk [tilespmem:v56+s9+$0x0], $0xffff;
	_ =	sdelay $0x1  }
0xc1: {  	v58 =	vor.u32 $0x48, v20;
	_ =	sdelay $0x2  }
0xc2: {  	v0 =	vadd.s32 v39, v0  }
0xc3: {  	[tilespmem:$0x830] =	vst v0  }
0xc4: {  	v0 =	vld.idx.msk [tilespmem:v58+s9+$0x0], $0xffff;
	_ =	sdelay $0x1  }
0xc5: {  	v59 =	vor.u32 $0x4A, v20;
	_ =	sdelay $0x2  }
0xc6: {  	v0 =	vadd.s32 v39, v0  }
0xc7: {  	[tilespmem:$0x840] =	vst v0  }
0xc8: {  	v0 =	vld.idx.msk [tilespmem:v59+s9+$0x0], $0xffff;
	_ =	sdelay $0x1  }
0xc9: {  	v61 =	vor.u32 $0x4C, v20;
	_ =	sdelay $0x2  }
0xca: {  	v0 =	vadd.s32 v39, v0  }
0xcb: {  	[tilespmem:$0x850] =	vst v0  }
0xcc: {  	v0 =	vld.idx.msk [tilespmem:v61+s9+$0x0], $0xffff;
	_ =	sdelay $0x1  }
0xcd: {  	v62 =	vor.u32 $0x4E, v20;
	_ =	sdelay $0x2  }
0xce: {  	v0 =	vadd.s32 v39, v0  }
0xcf: {  	[tilespmem:$0x860] =	vst v0  }
0xd0: {  	v18 =	vld.idx.msk [tilespmem:v62+s9+$0x0], $0xffff;
	_ =	sdelay $0x1  }
0xd1: {  	v8 =	vor.u32 $0x50, v20;
	_ =	sdelay $0x2  }
0xd2: {  	v1 =	vadd.s32 v39, v18  }
0xd3: {  	[tilespmem:$0x870] =	vst v1  }
0xd4: {  	v1 =	vld.idx.msk [tilespmem:v8+s9+$0x0], $0xffff;
	_ =	sdelay $0x1  }
0xd5: {  	v0 =	vor.u32 $0x52, v20;
	_ =	sdelay $0x2  }
0xd6: {  	v1 =	vadd.s32 v39, v1  }
0xd7: {  	[tilespmem:$0x880] =	vst v1  }
0xd8: {  	v1 =	vld.idx.msk [tilespmem:v0+s9+$0x0], $0xffff;
	_ =	sdelay $0x1  }
0xd9: {  	v3 =	vor.u32 $0x54, v20;
	_ =	sdelay $0x2  }
0xda: {  	v1 =	vadd.s32 v39, v1  }
0xdb: {  	[tilespmem:$0x890] =	vst v1  }
0xdc: {  	v1 =	vld.idx.msk [tilespmem:v3+s9+$0x0], $0xffff;
	_ =	sdelay $0x1  }
0xdd: {  	v4 =	vor.u32 $0x56, v20;
	_ =	sdelay $0x2  }
0xde: {  	v1 =	vadd.s32 v39, v1  }
0xdf: {  	[tilespmem:$0x8A0] =	vst v1  }
0xe0: {  	v1 =	vld.idx.msk [tilespmem:v4+s9+$0x0], $0xffff;
	_ =	sdelay $0x1  }
0xe1: {  	v19 =	vor.u32 $0x58, v20;
	_ =	sdelay $0x2  }
0xe2: {  	v1 =	vadd.s32 v39, v1  }
0xe3: {  	[tilespmem:$0x8B0] =	vst v1  }
0xe4: {  	v1 =	vld.idx.msk [tilespmem:v19+s9+$0x0], $0xffff;
	_ =	sdelay $0x1  }
0xe5: {  	v21 =	vor.u32 $0x5A, v20;
	_ =	sdelay $0x2  }
0xe6: {  	v1 =	vadd.s32 v39, v1  }
0xe7: {  	[tilespmem:$0x8C0] =	vst v1  }
0xe8: {  	v1 =	vld.idx.msk [tilespmem:v21+s9+$0x0], $0xffff;
	_ =	sdelay $0x1  }
0xe9: {  	v22 =	vor.u32 $0x5C, v20;
	_ =	sdelay $0x2  }
0xea: {  	v1 =	vadd.s32 v39, v1  }
0xeb: {  	[tilespmem:$0x8D0] =	vst v1  }
0xec: {  	v1 =	vld.idx.msk [tilespmem:v22+s9+$0x0], $0xffff;
	_ =	sdelay $0x1  }
0xed: {  	v24 =	vor.u32 $0x5E, v20;
	_ =	sdelay $0x2  }
0xee: {  	v1 =	vadd.s32 v39, v1  }
0xef: {  	[tilespmem:$0x8E0] =	vst v1  }
0xf0: {  	v1 =	vld.idx.msk [tilespmem:v24+s9+$0x0], $0xffff;
	_ =	sdelay $0x1  }
0xf1: {  	v32 =	vor.u32 $0x60, v20;
	_ =	sdelay $0x2  }
0xf2: {  	v1 =	vadd.s32 v39, v1  }
0xf3: {  	[tilespmem:$0x8F0] =	vst v1  }
0xf4: {  	v1 =	vld.idx.msk [tilespmem:v32+s9+$0x0], $0xffff;
	_ =	sdelay $0x1  }
0xf5: {  	v9 =	vor.u32 $0x62, v20;
	_ =	sdelay $0x2  }
0xf6: {  	v1 =	vadd.s32 v39, v1  }
0xf7: {  	[tilespmem:$0x900] =	vst v1  }
0xf8: {  	v1 =	vld.idx.msk [tilespmem:v9+s9+$0x0], $0xffff;
	_ =	sdelay $0x1  }
0xf9: {  	v10 =	vor.u32 $0x64, v20;
	_ =	sdelay $0x2  }
0xfa: {  	v1 =	vadd.s32 v39, v1  }
0xfb: {  	[tilespmem:$0x910] =	vst v1  }
0xfc: {  	v1 =	vld.idx.msk [tilespmem:v10+s9+$0x0], $0xffff;
	_ =	sdelay $0x1  }
0xfd: {  	v11 =	vor.u32 $0x66, v20;
	_ =	sdelay $0x2  }
0xfe: {  	v1 =	vadd.s32 v39, v1  }
0xff: {  	[tilespmem:$0x920] =	vst v1  }
0x100: {  	v1 =	vld.idx.msk [tilespmem:v11+s9+$0x0], $0xffff;
	_ =	sdelay $0x1  }
0x101: {  	v12 =	vor.u32 $0x68, v20;
	_ =	sdelay $0x2  }
0x102: {  	v1 =	vadd.s32 v39, v1  }
0x103: {  	[tilespmem:$0x930] =	vst v1  }
0x104: {  	v1 =	vld.idx.msk [tilespmem:v12+s9+$0x0], $0xffff;
	_ =	sdelay $0x1  }
0x105: {  	v13 =	vor.u32 $0x6A, v20;
	_ =	sdelay $0x2  }
0x106: {  	v1 =	vadd.s32 v39, v1  }
0x107: {  	[tilespmem:$0x940] =	vst v1  }
0x108: {  	v1 =	vld.idx.msk [tilespmem:v13+s9+$0x0], $0xffff;
	_ =	sdelay $0x1  }
0x109: {  	v14 =	vor.u32 $0x6C, v20;
	_ =	sdelay $0x2  }
0x10a: {  	v1 =	vadd.s32 v39, v1  }
0x10b: {  	[tilespmem:$0x950] =	vst v1  }
0x10c: {  	v1 =	vld.idx.msk [tilespmem:v14+s9+$0x0], $0xffff;
	_ =	sdelay $0x1  }
0x10d: {  	v15 =	vor.u32 $0x6E, v20;
	_ =	sdelay $0x2  }
0x10e: {  	v1 =	vadd.s32 v39, v1  }
0x10f: {  	[tilespmem:$0x960] =	vst v1  }
0x110: {  	v1 =	vld.idx.msk [tilespmem:v15+s9+$0x0], $0xffff;
	_ =	sdelay $0x1  }
0x111: {  	v16 =	vor.u32 $0x70, v20;
	_ =	sdelay $0x2  }
0x112: {  	v1 =	vadd.s32 v39, v1  }
0x113: {  	[tilespmem:$0x970] =	vst v1  }
0x114: {  	v1 =	vld.idx.msk [tilespmem:v16+s9+$0x0], $0xffff;
	_ =	sdelay $0x1  }
0x115: {  	v17 =	vor.u32 $0x72, v20;
	_ =	sdelay $0x2  }
0x116: {  	v1 =	vadd.s32 v39, v1  }
0x117: {  	[tilespmem:$0x980] =	vst v1  }
0x118: {  	v1 =	vld.idx.msk [tilespmem:v17+s9+$0x0], $0xffff;
	_ =	sdelay $0x1  }
0x119: {  	v18 =	vor.u32 $0x74, v20;
	_ =	sdelay $0x2  }
0x11a: {  	v1 =	vadd.s32 v39, v1  }
0x11b: {  	[tilespmem:$0x990] =	vst v1  }
0x11c: {  	v1 =	vld.idx.msk [tilespmem:v18+s9+$0x0], $0xffff;
	_ =	sdelay $0x1  }
0x11d: {  	[tilespmem:$0x1FE10] =	vst v19;
	v19 =	vor.u32 $0x76, v20;
	_ =	sdelay $0x2  }
0x11e: {  	v1 =	vadd.s32 v39, v1  }
0x11f: {  	[tilespmem:$0x9A0] =	vst v1  }
0x120: {  	v1 =	vld.idx.msk [tilespmem:v19+s9+$0x0], $0xffff;
	_ =	sdelay $0x1  }
0x121: {  	[tilespmem:$0x1FE20] =	vst v21;
	v21 =	vor.u32 $0x78, v20;
	_ =	sdelay $0x2  }
0x122: {  	v1 =	vadd.s32 v39, v1  }
0x123: {  	[tilespmem:$0x9B0] =	vst v1  }
0x124: {  	v1 =	vld.idx.msk [tilespmem:v21+s9+$0x0], $0xffff;
	_ =	sdelay $0x1  }
0x125: {  	[tilespmem:$0x1FE30] =	vst v22;
	v22 =	vor.u32 $0x7A, v20;
	_ =	sdelay $0x2  }
0x126: {  	v1 =	vadd.s32 v39, v1  }
0x127: {  	[tilespmem:$0x9C0] =	vst v1  }
0x128: {  	v1 =	vld.idx.msk [tilespmem:v22+s9+$0x0], $0xffff;
	_ =	sdelay $0x1  }
0x129: {  	[tilespmem:$0x1FE40] =	vst v24;
	v24 =	vor.u32 $0x7C, v20;
	_ =	sdelay $0x2  }
0x12a: {  	v1 =	vadd.s32 v39, v1  }
0x12b: {  	[tilespmem:$0x9D0] =	vst v1  }
0x12c: {  	v1 =	vld.idx.msk [tilespmem:v24+s9+$0x0], $0xffff;
	_ =	sdelay $0x1  }
0x12d: {  	[tilespmem:$0x1FE50] =	vst v32;
	v32 =	vor.u32 $0x7E, v20;
	_ =	sdelay $0x1  }
0x12e: {  	[tilespmem:$0x1FE60] =	vst v9  }
0x12f: {  	[tilespmem:$0x1FE80] =	vst v10;
	v1 =	vadd.s32 v39, v1  }
0x130: {  	[tilespmem:$0x9E0] =	vst v1  }
0x131: {  	[tilespmem:$0x1FEB0] =	vst v11;
	v1 =	vld.idx.msk [tilespmem:v32+s9+$0x0], $0xffff  }
0x132: {  	[tilespmem:$0x1FEC0] =	vst v12  }
0x133: {  	[tilespmem:$0x1FED0] =	vst v13  }
0x134: {  	[tilespmem:$0x1FEF0] =	vst v15  }
0x135: {  	[tilespmem:$0x1FF00] =	vst v16  }
0x136: {  	[tilespmem:$0x1FF10] =	vst v17;
	v1 =	vadd.s32 v39, v1  }
0x137: {  	s11 =	simm.s32 $0xA00;
	s10 =	simm.s32 $0x600;
	[tilespmem:$0x9F0] =	vst v1  }
0x138: {  	[tilespmem:s11], [sflag:$0x1] =	stream.indirect.gather [hbm4b:s5+s28], $0x1, s10, s28, $0xb8;
	[tilespmem:$0x1700] =	vst v63  }
0x139: {  	s12 =	simm.s32 $0x680;
	s13 =	simm.s32 $0xA80;
	[tilespmem:$0x1FEE0] =	vst v14  }
0x13a: {  	[tilespmem:s13], [sflag:$0x1] =	stream.indirect.gather [hbm4b:s5+s28], $0x1, s12, s28, $0xb8;
	[tilespmem:$0x1700] =	vst v63  }
0x13b: {  	s14 =	simm.s32 $0x700;
	s15 =	simm.s32 $0xB00;
	[tilespmem:$0x1FF30] =	vst v18  }
0x13c: {  	[tilespmem:s15], [sflag:$0x1] =	stream.indirect.gather [hbm4b:s5+s28], $0x1, s14, s28, $0xb8;
	[tilespmem:$0x1700] =	vst v63  }
0x13d: {  	s16 =	simm.s32 $0x780;
	s17 =	simm.s32 $0xB80;
	[tilespmem:$0x1FF60] =	vst v19  }
0x13e: {  	[tilespmem:s17], [sflag:$0x1] =	stream.indirect.gather [hbm4b:s5+s28], $0x1, s16, s28, $0xb8;
	[tilespmem:$0x1700] =	vst v63  }
0x13f: {  	s18 =	simm.s32 $0x800;
	s19 =	simm.s32 $0xC00;
	[tilespmem:$0x1FF80] =	vst v21  }
0x140: {  	[tilespmem:s19], [sflag:$0x1] =	stream.indirect.gather [hbm4b:s5+s28], $0x1, s18, s28, $0xb8;
	[tilespmem:$0x1700] =	vst v63  }
0x141: {  	s20 =	simm.s32 $0x880;
	s21 =	simm.s32 $0xC80;
	[tilespmem:$0x1FFB0] =	vst v22  }
0x142: {  	[tilespmem:s21], [sflag:$0x1] =	stream.indirect.gather [hbm4b:s5+s28], $0x1, s20, s28, $0xb8;
	[tilespmem:$0x1700] =	vst v63  }
0x143: {  	s22 =	simm.s32 $0x900;
	s23 =	simm.s32 $0xD00;
	[tilespmem:$0x1FFE0] =	vst v24  }
0x144: {  	[tilespmem:s23], [sflag:$0x1] =	stream.indirect.gather [hbm4b:s5+s28], $0x1, s22, s28, $0xb8;
	[tilespmem:$0x1700] =	vst v63  }
0x145: {  	s24 =	simm.s32 $0x980;
	s25 =	simm.s32 $0xD80;
	[tilespmem:$0x1FFF0] =	vst v32  }
0x146: {  	[tilespmem:s25], [sflag:$0x1] =	stream.indirect.gather [hbm4b:s5+s28], $0x1, s24, s28, $0xb8;
	[tilespmem:$0x1700] =	vst v63  }
0x147: {  	_ =	swait.ge [sflag:s31], $0x80  }
0x148: {  	[sflag:s31] =	ssyncset.done $0x0  }
0x149: {  	[sflag:s31] =	ssyncadd.s32 $0xFFFFFF80  }
0x14a: {  	_ =	swait.ge [sflag:s31], $0x80  }
0x14b: {  	[sflag:s31] =	ssyncset.done $0x0  }
0x14c: {  	[sflag:s31] =	ssyncadd.s32 $0xFFFFFF80  }
0x14d: {  	_ =	swait.ge [sflag:s31], $0x80  }
0x14e: {  	[sflag:s31] =	ssyncset.done $0x0  }
0x14f: {  	[sflag:s31] =	ssyncadd.s32 $0xFFFFFF80  }
0x150: {  	_ =	swait.ge [sflag:s31], $0x80  }
0x151: {  	[sflag:s31] =	ssyncset.done $0x0  }
0x152: {  	[sflag:s31] =	ssyncadd.s32 $0xFFFFFF80  }
0x153: {  	_ =	swait.ge [sflag:s31], $0x80  }
0x154: {  	[sflag:s31] =	ssyncset.done $0x0  }
0x155: {  	[sflag:s31] =	ssyncadd.s32 $0xFFFFFF80  }
0x156: {  	_ =	swait.ge [sflag:s31], $0x80  }
0x157: {  	[sflag:s31] =	ssyncset.done $0x0  }
0x158: {  	[sflag:s31] =	ssyncadd.s32 $0xFFFFFF80  }
0x159: {  	_ =	swait.ge [sflag:s31], $0x80  }
0x15a: {  	[sflag:s31] =	ssyncset.done $0x0  }
0x15b: {  	[sflag:s31] =	ssyncadd.s32 $0xFFFFFF80  }
0x15c: {  	_ =	swait.ge [sflag:s31], $0x80  }
0x15d: {  	[sflag:s31] =	ssyncset.done $0x0  }
0x15e: {  	s26 =	simm.s32 $0x100;
	[sflag:s31] =	ssyncadd.s32 $0xFFFFFF80  }
0x15f: {  	v19 =	vld.idx.msk [tilespmem:v20+s26+$0x0], $0xffff  }
0x160: {  	v20 =	vld.idx.msk [tilespmem:v57+s26+$0x0], $0xffff  }
0x161: {  	v21 =	vld.idx.msk [tilespmem:v60+s26+$0x0], $0xffff  }
0x162: {  	v22 =	vld.idx.msk [tilespmem:v23+s26+$0x0], $0xffff  }
0x163: {  	v23 =	vld.idx.msk [tilespmem:v63+s26+$0x0], $0xffff  }
0x164: {  	v24 =	vld.idx.msk [tilespmem:v25+s26+$0x0], $0xffff  }
0x165: {  	v25 =	vld.idx.msk [tilespmem:v26+s26+$0x0], $0xffff  }
0x166: {  	v26 =	vld.idx.msk [tilespmem:v27+s26+$0x0], $0xffff  }
0x167: {  	v27 =	vld.idx.msk [tilespmem:v28+s26+$0x0], $0xffff  }
0x168: {  	v28 =	vld.idx.msk [tilespmem:v29+s26+$0x0], $0xffff  }
0x169: {  	v29 =	vld.idx.msk [tilespmem:v30+s26+$0x0], $0xffff  }
0x16a: {  	v32 =	vld.idx.msk [tilespmem:v31+s26+$0x0], $0xffff  }
0x16b: {  	v31 =	vld.idx.msk [tilespmem:v2+s26+$0x0], $0xffff  }
0x16c: {  	v30 =	vld.idx.msk [tilespmem:v33+s26+$0x0], $0xffff  }
0x16d: {  	v33 =	vld.idx.msk [tilespmem:v34+s26+$0x0], $0xffff  }
0x16e: {  	v34 =	vld.idx.msk [tilespmem:v35+s26+$0x0], $0xffff  }
0x16f: {  	v35 =	vld.idx.msk [tilespmem:v36+s26+$0x0], $0xffff  }
0x170: {  	v36 =	vld.idx.msk [tilespmem:v37+s26+$0x0], $0xffff  }
0x171: {  	v37 =	vld.idx.msk [tilespmem:v38+s26+$0x0], $0xffff  }
0x172: {  	v38 =	vld.idx.msk [tilespmem:v40+s26+$0x0], $0xffff  }
0x173: {  	v39 =	vld.idx.msk [tilespmem:v41+s26+$0x0], $0xffff  }
0x174: {  	v40 =	vld.idx.msk [tilespmem:v42+s26+$0x0], $0xffff  }
0x175: {  	v63 =	vld.idx.msk [tilespmem:v43+s26+$0x0], $0xffff  }
0x176: {  	v60 =	vld.idx.msk [tilespmem:v44+s26+$0x0], $0xffff  }
0x177: {  	v57 =	vld.idx.msk [tilespmem:v45+s26+$0x0], $0xffff  }
0x178: {  	v46 =	vld.idx.msk [tilespmem:v46+s26+$0x0], $0xffff  }
0x179: {  	v45 =	vld.idx.msk [tilespmem:v47+s26+$0x0], $0xffff  }
0x17a: {  	v44 =	vld.idx.msk [tilespmem:v48+s26+$0x0], $0xffff  }
0x17b: {  	v43 =	vld.idx.msk [tilespmem:v49+s26+$0x0], $0xffff  }
0x17c: {  	v42 =	vld.idx.msk [tilespmem:v50+s26+$0x0], $0xffff  }
0x17d: {  	v41 =	vld.idx.msk [tilespmem:v51+s26+$0x0], $0xffff  }
0x17e: {  	v47 =	vld.idx.msk [tilespmem:v52+s26+$0x0], $0xffff  }
0x17f: {  	v48 =	vld.idx.msk [tilespmem:v53+s26+$0x0], $0xffff  }
0x180: {  	v49 =	vld.idx.msk [tilespmem:v54+s26+$0x0], $0xffff  }
0x181: {  	v50 =	vld.idx.msk [tilespmem:v55+s26+$0x0], $0xffff  }
0x182: {  	v51 =	vld.idx.msk [tilespmem:v56+s26+$0x0], $0xffff  }
0x183: {  	v52 =	vld.idx.msk [tilespmem:v58+s26+$0x0], $0xffff  }
0x184: {  	v53 =	vld.idx.msk [tilespmem:v59+s26+$0x0], $0xffff  }
0x185: {  	v54 =	vld.idx.msk [tilespmem:v61+s26+$0x0], $0xffff  }
0x186: {  	v55 =	vld.idx.msk [tilespmem:v62+s26+$0x0], $0xffff  }
0x187: {  	v56 =	vld.idx.msk [tilespmem:v8+s26+$0x0], $0xffff  }
0x188: {  	v0 =	vld.idx.msk [tilespmem:v0+s26+$0x0], $0xffff  }
0x189: {  	v9 =	vld.idx.msk [tilespmem:v3+s26+$0x0], $0xffff  }
0x18a: {  	v10 =	vld.idx.msk [tilespmem:v4+s26+$0x0], $0xffff  }
0x18b: {  	v11 =	vld [tilespmem:$0x100]  }
0x18c: {  	v12 =	vld [tilespmem:$0x110]  }
0x18d: {  	v13 =	vld [tilespmem:$0x120]  }
0x18e: {  	v14 =	vld [tilespmem:$0x130]  }
0x18f: {  	v15 =	vld [tilespmem:$0x140]  }
0x190: {  	v16 =	vld [tilespmem:$0x150]  }
0x191: {  	v17 =	vld [tilespmem:$0x160]  }
0x192: {  	v18 =	vld [tilespmem:$0x170]  }
0x193: {  	v8 =	vld [tilespmem:$0xA00]  }
0x194: {  	v58 =	vld [tilespmem:$0x200]  }
0x195: {  	v59 =	vld [tilespmem:$0xA10]  }
0x196: {  	v61 =	vld [tilespmem:$0x210]  }
0x197: {  	v62 =	vld [tilespmem:$0xA20]  }
0x198: {  	v2 =	vld [tilespmem:$0xA30]  }
0x199: {  	v1 =	vld [tilespmem:$0x230]  }
0x19a: {  	v4 =	vld [tilespmem:$0xA40]  }
0x19b: {  	v3 =	vld [tilespmem:$0x240]  }
0x19c: {  	v6 =	vld [tilespmem:$0xA50]  }
0x19d: {  	v5 =	vld [tilespmem:$0x250]  }
0x19e: {  	v7 =	vld [tilespmem:$0x260]  }
0x19f: {  	[tilespmem:$0x1FE70] =	vst v0;
	v0 =	vld [tilespmem:$0x220]  }
0x1a0: {  	[tilespmem:$0x1FE90] =	vst v9;
	v9 =	vld [tilespmem:$0xA60]  }
0x1a1: {  	[tilespmem:$0x1FF20] =	vst v11;
	v11 =	vld [tilespmem:$0xA70]  }
0x1a2: {  	[tilespmem:$0x1FEA0] =	vst v10;
	v10 =	vld [tilespmem:$0x270]  }
0x1a3: {  	[tilespmem:$0x1FF50] =	vst v13;
	v13 =	vld [tilespmem:$0xA80]  }
0x1a4: {  	[tilespmem:$0x1FF40] =	vst v12;
	v12 =	vld [tilespmem:$0x280]  }
0x1a5: {  	[tilespmem:$0x1FF90] =	vst v15;
	v15 =	vld [tilespmem:$0xA90]  }
0x1a6: {  	[tilespmem:$0x1FF70] =	vst v14;
	v14 =	vld [tilespmem:$0x290]  }
0x1a7: {  	[tilespmem:$0x1FFC0] =	vst v17;
	v17 =	vld [tilespmem:$0xAA0]  }
0x1a8: {  	[tilespmem:$0x1FFA0] =	vst v16;
	v16 =	vld [tilespmem:$0x2A0]  }
0x1a9: {  	v8 =	vsub.f32 v8, v58;
	v58 =	vld [tilespmem:$0xAB0]  }
0x1aa: {  	[tilespmem:$0x1FFD0] =	vst v18;
	v18 =	vld [tilespmem:$0x2B0]  }
0x1ab: {  	v59 =	vsub.f32 v59, v61;
	v61 =	vld [tilespmem:$0xAC0]  }
0x1ac: {  	v1 =	vsub.f32 v2, v1;
	v2 =	vld [tilespmem:$0xAE0]  }
0x1ad: {  	v3 =	vsub.f32 v4, v3;
	v4 =	vld [tilespmem:$0xAF0]  }
0x1ae: {  	v5 =	vsub.f32 v6, v5;
	v6 =	vld [tilespmem:$0xB00];
	v8 =	vand.u32 $0x7FFFFFFF, v8  }
0x1af: {  	v59 =	vand.u32 $0x7FFFFFFF, v59;
	v8 =	vmul.f32 v8, v19;
	v19 =	vld [tilespmem:$0x2C0]  }
0x1b0: {  	v3 =	vand.u32 $0x7FFFFFFF, v3;
	v20 =	vmul.f32 v59, v20;
	v59 =	vld [tilespmem:$0x2D0]  }
0x1b1: {  	v5 =	vand.u32 $0x7FFFFFFF, v5;
	v23 =	vmul.f32 v3, v23;
	v3 =	vld [tilespmem:$0x300]  }
0x1b2: {  	v1 =	vand.u32 $0x7FFFFFFF, v1;
	v24 =	vmul.f32 v5, v24;
	v5 =	vld [tilespmem:$0x310]  }
0x1b3: {  	v1 =	vmul.f32 v1, v22;
	v22 =	vld [tilespmem:$0xB70]  }
0x1b4: {  	v0 =	vsub.f32 v62, v0;
	v62 =	vld [tilespmem:$0xAD0]  }
0x1b5: {  	v7 =	vsub.f32 v9, v7;
	v9 =	vld [tilespmem:$0xB10]  }
0x1b6: {  	v10 =	vsub.f32 v11, v10;
	v11 =	vld [tilespmem:$0xB20]  }
0x1b7: {  	v12 =	vsub.f32 v13, v12;
	v13 =	vld [tilespmem:$0xB30]  }
0x1b8: {  	v8 =	vadd.f32 $0.0e+00, v8;
	v14 =	vsub.f32 v15, v14;
	v15 =	vld [tilespmem:$0xB40]  }
0x1b9: {  	v16 =	vsub.f32 v17, v16;
	v17 =	vld [tilespmem:$0xB50]  }
0x1ba: {  	v8 =	vadd.f32 v20, v8;
	v20 =	vld [tilespmem:$0x2E0];
	v7 =	vand.u32 $0x7FFFFFFF, v7  }
0x1bb: {  	v10 =	vand.u32 $0x7FFFFFFF, v10;
	v25 =	vmul.f32 v7, v25;
	v7 =	vld [tilespmem:$0x320]  }
0x1bc: {  	v12 =	vand.u32 $0x7FFFFFFF, v12;
	v26 =	vmul.f32 v10, v26;
	v10 =	vld [tilespmem:$0x330]  }
0x1bd: {  	v14 =	vand.u32 $0x7FFFFFFF, v14;
	v27 =	vmul.f32 v12, v27;
	v12 =	vld [tilespmem:$0x340]  }
0x1be: {  	v18 =	vsub.f32 v58, v18;
	v0 =	vand.u32 $0x7FFFFFFF, v0;
	v28 =	vmul.f32 v14, v28;
	v14 =	vld [tilespmem:$0x350]  }
0x1bf: {  	v16 =	vand.u32 $0x7FFFFFFF, v16;
	v0 =	vmul.f32 v0, v21;
	v21 =	vld [tilespmem:$0xB60]  }
0x1c0: {  	v18 =	vand.u32 $0x7FFFFFFF, v18;
	v58 =	vmul.f32 v16, v29;
	v16 =	vld [tilespmem:$0x360]  }
0x1c1: {  	v19 =	vsub.f32 v61, v19;
	v61 =	vmul.f32 v18, v32;
	v18 =	vld [tilespmem:$0x370]  }
0x1c2: {  	v3 =	vsub.f32 v6, v3;
	v6 =	vld [tilespmem:$0xBB0]  }
0x1c3: {  	v29 =	vld [tilespmem:$0x3E0]  }
0x1c4: {  	v0 =	vadd.f32 v0, v8;
	v8 =	vld [tilespmem:$0x2F0]  }
0x1c5: {  	v5 =	vsub.f32 v9, v5;
	v9 =	vld [tilespmem:$0xBC0]  }
0x1c6: {  	v62 =	vsub.f32 v62, v59;
	v59 =	vld [tilespmem:$0x3C0]  }
0x1c7: {  	v2 =	vsub.f32 v2, v20;
	v20 =	vld [tilespmem:$0x390]  }
0x1c8: {  	v7 =	vsub.f32 v11, v7;
	v11 =	vld [tilespmem:$0xBD0]  }
0x1c9: {  	v10 =	vsub.f32 v13, v10;
	v13 =	vld [tilespmem:$0xBE0]  }
0x1ca: {  	v0 =	vadd.f32 v1, v0;
	v16 =	vsub.f32 v21, v16;
	v21 =	vld [tilespmem:$0xC10]  }
0x1cb: {  	v18 =	vsub.f32 v22, v18;
	v22 =	vld [tilespmem:$0xC20]  }
0x1cc: {  	v0 =	vadd.f32 v23, v0;
	v23 =	vld [tilespmem:$0xB90]  }
0x1cd: {  	v2 =	vand.u32 $0x7FFFFFFF, v2;
	v4 =	vsub.f32 v4, v8;
	v8 =	vld [tilespmem:$0xBA0]  }
0x1ce: {  	v33 =	vmul.f32 v2, v33;
	v2 =	vld [tilespmem:$0x3A0]  }
0x1cf: {  	v16 =	vand.u32 $0x7FFFFFFF, v16;
	v0 =	vadd.f32 v24, v0;
	v24 =	vld [tilespmem:$0xB80]  }
0x1d0: {  	v63 =	vmul.f32 v16, v63;
	v16 =	vld [tilespmem:$0x420];
	v4 =	vand.u32 $0x7FFFFFFF, v4  }
0x1d1: {  	v34 =	vmul.f32 v4, v34;
	v4 =	vld [tilespmem:$0x3B0]  }
0x1d2: {  	v0 =	vadd.f32 v25, v0;
	v25 =	vld [tilespmem:$0x1FF10]  }
0x1d3: {  	v19 =	vand.u32 $0x7FFFFFFF, v19;
	v20 =	vsub.f32 v23, v20;
	v23 =	vld [tilespmem:$0xC40]  }
0x1d4: {  	v0 =	vadd.f32 v26, v0;
	v26 =	vmul.f32 v19, v31;
	v31 =	vand.u32 $0x7FFFFFFF, v62;
	v62 =	vld [tilespmem:$0x3D0]  }
0x1d5: {  	v2 =	vsub.f32 v8, v2;
	v8 =	vld [tilespmem:$0x450]  }
0x1d6: {  	v32 =	vmul.f32 v31, v30;
	v30 =	vld [tilespmem:$0xBF0]  }
0x1d7: {  	v0 =	vadd.f32 v27, v0;
	v27 =	vld [tilespmem:$0x380]  }
0x1d8: {  	v7 =	vand.u32 $0x7FFFFFFF, v7;
	v4 =	vsub.f32 v6, v4;
	v6 =	vld [tilespmem:$0xC60]  }
0x1d9: {  	v0 =	vadd.f32 v28, v0;
	v28 =	vmul.f32 v7, v37;
	v37 =	vld [tilespmem:$0x410]  }
0x1da: {  	v3 =	vand.u32 $0x7FFFFFFF, v3;
	v7 =	vsub.f32 v13, v29;
	v29 =	vld [tilespmem:$0x490]  }
0x1db: {  	v0 =	vadd.f32 v58, v0;
	v58 =	vmul.f32 v3, v35;
	v35 =	vld [tilespmem:$0x400]  }
0x1dc: {  	v3 =	vsub.f32 v9, v59;
	v59 =	vld [tilespmem:$0x470]  }
0x1dd: {  	v19 =	vsub.f32 v24, v27;
	v24 =	vld [tilespmem:$0xC30]  }
0x1de: {  	v5 =	vand.u32 $0x7FFFFFFF, v5;
	v10 =	vand.u32 $0x7FFFFFFF, v10;
	v27 =	vld [tilespmem:$0x430];
	v0 =	vadd.f32 v61, v0  }
0x1df: {  	v61 =	vmul.f32 v5, v36;
	v5 =	vsub.f32 v11, v62;
	v62 =	vld [tilespmem:$0x480];
	v19 =	vand.u32 $0x7FFFFFFF, v19  }
0x1e0: {  	v31 =	vmul.f32 v10, v38;
	v38 =	vmul.f32 v19, v57;
	v19 =	vld [tilespmem:$0x440]  }
0x1e1: {  	v18 =	vand.u32 $0x7FFFFFFF, v18;
	v0 =	vadd.f32 v26, v0;
	v57 =	vld [tilespmem:$0xC70]  }
0x1e2: {  	v12 =	vsub.f32 v15, v12;
	v26 =	vmul.f32 v18, v60;
	v60 =	vld [tilespmem:$0xC80]  }
0x1e3: {  	v14 =	vsub.f32 v17, v14;
	v0 =	vadd.f32 v32, v0;
	v32 =	vld [tilespmem:$0x3F0]  }
0x1e4: {  	v18 =	vsub.f32 v24, v27;
	v27 =	vld [tilespmem:$0x1FE60]  }
0x1e5: {  	v12 =	vand.u32 $0x7FFFFFFF, v12;
	v14 =	vand.u32 $0x7FFFFFFF, v14;
	v0 =	vadd.f32 v33, v0;
	v33 =	vld [tilespmem:$0xC00]  }
0x1e6: {  	v2 =	vand.u32 $0x7FFFFFFF, v2;
	v36 =	vmul.f32 v14, v40;
	v19 =	vsub.f32 v23, v19;
	v23 =	vld [tilespmem:$0x590]  }
0x1e7: {  	v0 =	vadd.f32 v34, v0;
	v34 =	vmul.f32 v12, v39;
	v39 =	vand.u32 $0x7FFFFFFF, v20;
	v20 =	vld [tilespmem:$0xC50]  }
0x1e8: {  	v40 =	vmul.f32 v39, v46;
	v46 =	vmul.f32 v2, v45;
	v2 =	vld [tilespmem:$0x460]  }
0x1e9: {  	v10 =	vsub.f32 v30, v32;
	v30 =	vld [tilespmem:$0xCA0]  }
0x1ea: {  	v32 =	vld [tilespmem:$0x4A0]  }
0x1eb: {  	v39 =	vld [tilespmem:$0x1FE10]  }
0x1ec: {  	v4 =	vand.u32 $0x7FFFFFFF, v4;
	v45 =	vld [tilespmem:$0xCE0]  }
0x1ed: {  	v0 =	vadd.f32 v58, v0;
	v58 =	vmul.f32 v4, v44;
	v44 =	vld [tilespmem:$0x1FE20]  }
0x1ee: {  	v4 =	vsub.f32 v57, v59;
	v57 =	vld [tilespmem:$0xD00]  }
0x1ef: {  	v16 =	vsub.f32 v22, v16;
	v59 =	vld [tilespmem:$0x500]  }
0x1f0: {  	v12 =	vsub.f32 v33, v35;
	v33 =	vld [tilespmem:$0xCB0]  }
0x1f1: {  	v16 =	vand.u32 $0x7FFFFFFF, v16;
	v3 =	vand.u32 $0x7FFFFFFF, v3;
	v35 =	vld [tilespmem:$0x4B0];
	v0 =	vadd.f32 v61, v0  }
0x1f2: {  	v61 =	vmul.f32 v3, v43;
	v43 =	vmul.f32 v16, v50;
	v50 =	vld [tilespmem:$0xCF0]  }
0x1f3: {  	v3 =	vsub.f32 v60, v62;
	v60 =	vld [tilespmem:$0x1FE50];
	v0 =	vadd.f32 v28, v0  }
0x1f4: {  	v5 =	vand.u32 $0x7FFFFFFF, v5;
	v62 =	vld [tilespmem:$0xD10]  }
0x1f5: {  	v12 =	vand.u32 $0x7FFFFFFF, v12;
	v28 =	vmul.f32 v5, v42;
	v42 =	vld [tilespmem:$0x4D0];
	v0 =	vadd.f32 v31, v0  }
0x1f6: {  	v7 =	vand.u32 $0x7FFFFFFF, v7;
	v14 =	vsub.f32 v21, v37;
	v37 =	vmul.f32 v12, v48;
	v48 =	vld [tilespmem:$0x1FE30]  }
0x1f7: {  	v31 =	vmul.f32 v7, v41;
	v41 =	vld [tilespmem:$0xCD0];
	v0 =	vadd.f32 v34, v0  }
0x1f8: {  	v7 =	vsub.f32 v30, v32;
	v30 =	vld [tilespmem:$0x520]  }
0x1f9: {  	v32 =	vld [tilespmem:$0x1FE90];
	v0 =	vadd.f32 v36, v0  }
0x1fa: {  	v22 =	vld.idx.msk [tilespmem:v39+s26+$0x0], $0xffff  }
0x1fb: {  	v39 =	vld [tilespmem:$0x540];
	v0 =	vadd.f32 v63, v0  }
0x1fc: {  	v10 =	vand.u32 $0x7FFFFFFF, v10;
	v16 =	vld.idx.msk [tilespmem:v44+s26+$0x0], $0xffff  }
0x1fd: {  	v34 =	vmul.f32 v10, v47;
	v47 =	vld [tilespmem:$0x4E0];
	v0 =	vadd.f32 v26, v0  }
0x1fe: {  	v10 =	vsub.f32 v33, v35;
	v33 =	vld [tilespmem:$0xD30]  }
0x1ff: {  	v35 =	vld [tilespmem:$0x1FEA0];
	v0 =	vadd.f32 v38, v0  }
0x200: {  	v44 =	vld [tilespmem:$0x550]  }
0x201: {  	v36 =	vld [tilespmem:$0xCC0];
	v0 =	vadd.f32 v40, v0  }
0x202: {  	v11 =	vld.idx.msk [tilespmem:v60+s26+$0x0], $0xffff  }
0x203: {  	v60 =	vld [tilespmem:$0x580];
	v0 =	vadd.f32 v46, v0  }
0x204: {  	v63 =	vld [tilespmem:$0xC90]  }
0x205: {  	v8 =	vsub.f32 v20, v8;
	v3 =	vand.u32 $0x7FFFFFFF, v3;
	v20 =	vld.idx.msk [tilespmem:v48+s26+$0x0], $0xffff;
	v0 =	vadd.f32 v58, v0  }
0x206: {  	v26 =	vmul.f32 v3, v56;
	v3 =	vld.idx.msk [tilespmem:v27+s26+$0x0], $0xffff  }
0x207: {  	v27 =	vld [tilespmem:$0x1FF20];
	v0 =	vadd.f32 v61, v0  }
0x208: {  	v38 =	vld [tilespmem:$0x4C0]  }
0x209: {  	v14 =	vand.u32 $0x7FFFFFFF, v14;
	v5 =	vsub.f32 v63, v29;
	v63 =	vld [tilespmem:$0x510];
	v0 =	vadd.f32 v28, v0  }
0x20a: {  	v19 =	vand.u32 $0x7FFFFFFF, v19;
	v8 =	vand.u32 $0x7FFFFFFF, v8;
	v29 =	vld [tilespmem:$0x1FE70];
	v40 =	vmul.f32 v14, v49  }
0x20b: {  	v49 =	vmul.f32 v19, v52;
	v52 =	vmul.f32 v8, v53;
	v53 =	vld [tilespmem:$0x1FE40];
	v0 =	vadd.f32 v31, v0  }
0x20c: {  	v18 =	vand.u32 $0x7FFFFFFF, v18;
	v14 =	vsub.f32 v41, v42;
	v42 =	vld [tilespmem:$0xD50]  }
0x20d: {  	v46 =	vmul.f32 v18, v51;
	v51 =	vld [tilespmem:$0x4F0];
	v0 =	vadd.f32 v34, v0  }
0x20e: {  	v18 =	vsub.f32 v45, v47;
	v47 =	vld [tilespmem:$0xD60]  }
0x20f: {  	v5 =	vand.u32 $0x7FFFFFFF, v5;
	v12 =	vsub.f32 v36, v38;
	v36 =	vld [tilespmem:$0x1FEB0];
	v0 =	vadd.f32 v37, v0  }
0x210: {  	v1 =	vmul.f32 v5, v29;
	v29 =	vld [tilespmem:$0x1FF30]  }
0x211: {  	v21 =	vsub.f32 v42, v44;
	v42 =	vld [tilespmem:$0xDD0];
	v0 =	vadd.f32 v40, v0  }
0x212: {  	v4 =	vand.u32 $0x7FFFFFFF, v4;
	v44 =	vld [tilespmem:$0x1FFA0]  }
0x213: {  	v61 =	vmul.f32 v4, v55;
	v55 =	vld [tilespmem:$0x1FEF0];
	v0 =	vadd.f32 v43, v0  }
0x214: {  	v2 =	vsub.f32 v6, v2;
	v4 =	vsub.f32 v62, v63;
	v63 =	vld [tilespmem:$0xD90]  }
0x215: {  	v6 =	vsub.f32 v50, v51;
	v50 =	vld [tilespmem:$0x1FEE0];
	v0 =	vadd.f32 v46, v0  }
0x216: {  	v8 =	vld.idx.msk [tilespmem:v53+s26+$0x0], $0xffff  }
0x217: {  	v2 =	vand.u32 $0x7FFFFFFF, v2;
	v28 =	vld [tilespmem:$0xD20];
	v0 =	vadd.f32 v49, v0  }
0x218: {  	v58 =	vmul.f32 v2, v54;
	v2 =	vsub.f32 v57, v59;
	v53 =	vld [tilespmem:$0x570]  }
0x219: {  	v31 =	vld [tilespmem:$0x1FE80];
	v0 =	vadd.f32 v52, v0  }
0x21a: {  	v2 =	vand.u32 $0x7FFFFFFF, v2;
	v34 =	vld [tilespmem:$0x530]  }
0x21b: {  	v51 =	vmul.f32 v2, v11;
	v11 =	vld.idx.msk [tilespmem:v29+s26+$0x0], $0xffff;
	v0 =	vadd.f32 v58, v0  }
0x21c: {  	v5 =	vsub.f32 v28, v30;
	v28 =	vld [tilespmem:$0x5A0]  }
0x21d: {  	v30 =	vld [tilespmem:$0x1FF40];
	v0 =	vadd.f32 v61, v0  }
0x21e: {  	v4 =	vand.u32 $0x7FFFFFFF, v4;
	v37 =	vld [tilespmem:$0xD40]  }
0x21f: {  	v6 =	vand.u32 $0x7FFFFFFF, v6;
	v54 =	vmul.f32 v4, v3;
	v3 =	vld.idx.msk [tilespmem:v55+s26+$0x0], $0xffff;
	v0 =	vadd.f32 v26, v0  }
0x220: {  	v7 =	vand.u32 $0x7FFFFFFF, v7;
	v48 =	vmul.f32 v6, v8;
	v8 =	vld.idx.msk [tilespmem:v50+s26+$0x0], $0xffff  }
0x221: {  	v50 =	vld [tilespmem:$0x5E0];
	v0 =	vadd.f32 v1, v0;
	v1 =	vmul.f32 v7, v32  }
0x222: {  	v10 =	vand.u32 $0x7FFFFFFF, v10;
	v40 =	vld [tilespmem:$0x1FEC0]  }
0x223: {  	v57 =	vsub.f32 v33, v34;
	v33 =	vld [tilespmem:$0x1FF50];
	v0 =	vadd.f32 v1, v0;
	v1 =	vmul.f32 v10, v35  }
0x224: {  	v12 =	vand.u32 $0x7FFFFFFF, v12;
	v34 =	vld [tilespmem:$0x1FF60]  }
0x225: {  	v14 =	vand.u32 $0x7FFFFFFF, v14;
	v38 =	vmul.f32 v12, v22;
	v17 =	vld.idx.msk [tilespmem:v31+s26+$0x0], $0xffff;
	v0 =	vadd.f32 v1, v0  }
0x226: {  	v41 =	vmul.f32 v14, v16;
	v31 =	vld [tilespmem:$0xDB0]  }
0x227: {  	v43 =	vand.u32 $0x7FFFFFFF, v18;
	v12 =	vsub.f32 v37, v39;
	v39 =	vld [tilespmem:$0x1FF80];
	v0 =	vadd.f32 v38, v0  }
0x228: {  	v45 =	vmul.f32 v43, v20;
	v43 =	vld [tilespmem:$0x5D0]  }
0x229: {  	v56 =	vand.u32 $0x7FFFFFFF, v5;
	v5 =	vand.u32 $0x7FFFFFFF, v57;
	v57 =	vld [tilespmem:$0x1FFF0];
	v0 =	vadd.f32 v41, v0  }
0x22a: {  	v46 =	vld [tilespmem:$0x1FED0]  }
0x22b: {  	v49 =	vld [tilespmem:$0x560];
	v0 =	vadd.f32 v45, v0  }
0x22c: {  	v22 =	vld.idx.msk [tilespmem:v40+s26+$0x0], $0xffff  }
0x22d: {  	v52 =	vld [tilespmem:$0xD70];
	v0 =	vadd.f32 v48, v0  }
0x22e: {  	v10 =	vld.idx.msk [tilespmem:v36+s26+$0x0], $0xffff  }
0x22f: {  	v40 =	vld [tilespmem:$0x1FF90];
	v0 =	vadd.f32 v51, v0  }
0x230: {  	v61 =	vld [tilespmem:$0x1FF00]  }
0x231: {  	v59 =	vmul.f32 v56, v17;
	v58 =	vld [tilespmem:$0xD80];
	v0 =	vadd.f32 v54, v0  }
0x232: {  	v16 =	vld.idx.msk [tilespmem:v46+s26+$0x0], $0xffff  }
0x233: {  	v6 =	vsub.f32 v47, v49;
	v47 =	vld [tilespmem:$0xDE0];
	v62 =	vmul.f32 v5, v10;
	v0 =	vadd.f32 v59, v0  }
0x234: {  	v20 =	vand.u32 $0x7FFFFFFF, v12;
	v46 =	vld [tilespmem:$0x1FFB0]  }
0x235: {  	v24 =	vmul.f32 v20, v22;
	v2 =	vsub.f32 v52, v53;
	v52 =	vld [tilespmem:$0x1FFD0];
	v0 =	vadd.f32 v62, v0  }
0x236: {  	v12 =	vand.u32 $0x7FFFFFFF, v21;
	v26 =	vld [tilespmem:$0xDA0]  }
0x237: {  	v32 =	vld [tilespmem:$0x5B0];
	v12 =	vmul.f32 v12, v16;
	v0 =	vadd.f32 v24, v0  }
0x238: {  	v6 =	vand.u32 $0x7FFFFFFF, v6;
	v13 =	vld.idx.msk [tilespmem:v61+s26+$0x0], $0xffff  }
0x239: {  	v6 =	vmul.f32 v6, v8;
	v36 =	vld [tilespmem:$0x1FF70];
	v1 =	vadd.f32 $0.0e+00, v27;
	v0 =	vadd.f32 v12, v0  }
0x23a: {  	v2 =	vand.u32 $0x7FFFFFFF, v2;
	v4 =	vsub.f32 v58, v60;
	v10 =	vld.idx.msk [tilespmem:v25+s26+$0x0], $0xffff  }
0x23b: {  	v2 =	vmul.f32 v2, v3;
	v35 =	vld [tilespmem:$0xDC0];
	v1 =	vadd.f32 v30, v1;
	v0 =	vadd.f32 v6, v0  }
0x23c: {  	v4 =	vand.u32 $0x7FFFFFFF, v4;
	v5 =	vsub.f32 v63, v23;
	v54 =	vld [tilespmem:$0x1FFE0]  }
0x23d: {  	v38 =	vld [tilespmem:$0x5C0];
	v1 =	vadd.f32 v33, v1;
	v37 =	vmul.f32 v4, v13;
	v0 =	vadd.f32 v2, v0  }
0x23e: {  	v55 =	vimm.s32 $0xFEDCBA98;
	v3 =	vld.idx.msk [tilespmem:v34+s26+$0x0], $0xffff;
	v9 =	vsub.f32 v26, v28;
	v5 =	vand.u32 $0x7FFFFFFF, v5  }
0x23f: {  	v1 =	vadd.f32 v36, v1;
	v41 =	vmul.f32 v5, v10;
	v48 =	vld [tilespmem:$0x1FFC0];
	v0 =	vadd.f32 v37, v0  }
0x240: {  	v56 =	vimm.s32 $0x76543210;
	v9 =	vand.u32 $0x7FFFFFFF, v9;
	v7 =	vsub.f32 v31, v32;
	v12 =	vld.idx.msk [tilespmem:v39+s26+$0x0], $0xffff  }
0x241: {  	v45 =	vmul.f32 v9, v11;
	v9 =	vld.idx.msk [tilespmem:v46+s26+$0x0], $0xffff;
	v1 =	vadd.f32 v40, v1;
	v0 =	vadd.f32 v41, v0  }
0x242: {  	v53 =	vld [tilespmem:$0x5F0];
	v7 =	vand.u32 $0x7FFFFFFF, v7;
	v4 =	vsub.f32 v35, v38;
	v5 =	vsub.f32 v42, v43  }
0x243: {  	v49 =	vmul.f32 v7, v3;
	v1 =	vadd.f32 v44, v1;
	v51 =	vld [tilespmem:$0xDF0];
	v0 =	vadd.f32 v45, v0  }
0x244: {  	v8 =	vunpack.c.l.s4.s8 v55;
	v4 =	vand.u32 $0x7FFFFFFF, v4;
	v5 =	vand.u32 $0x7FFFFFFF, v5;
	v7 =	vld.idx.msk [tilespmem:v54+s26+$0x0], $0xffff  }
0x245: {  	v1 =	vadd.f32 v48, v1;
	v4 =	vmul.f32 v4, v12;
	v0 =	vadd.f32 v49, v0  }
0x246: {  	v3 =	vsub.f32 v47, v50;
	v11 =	vunpack.c.l.s4.s8 v56;
	v10 =	vld.idx.msk [tilespmem:v57+s26+$0x0], $0xffff;
	v58 =	vmul.f32 v5, v9  }
0x247: {  	v59 =	vunpack.c.0.s8.s32 v8;
	v1 =	vadd.f32 v52, v1;
	v0 =	vadd.f32 v4, v0  }
0x248: {  	v3 =	vand.u32 $0x7FFFFFFF, v3;
	v60 =	vunpack.c.0.s8.s32 v11;
	v2 =	vsub.f32 v51, v53  }
0x249: {  	v61 =	vand.u32 $0xF, v59;
	(xrf2) =	vadd.scan.msk.f32 $0xffff, v1;
	v3 =	vmul.f32 v3, v7;
	v0 =	vadd.f32 v58, v0  }
0x24a: {  	v1 =	vcombine.low v61, v60;
	v2 =	vand.u32 $0x7FFFFFFF, v2  }
0x24b: {  	v2 =	vmul.f32 v2, v10;
	v0 =	vadd.f32 v3, v0;
	_ =	sdelay $0x1  }
0x24c: {  	v0 =	vadd.f32 v2, v0;
	_ =	sdelay $0x1  }
0x24d: {  	s28 =	simm.s32 $0xE00;
	[tilespmem:$0xE00] =	vst v0  }
0x24e: {  	v1 =	vld.idx.msk [tilespmem:v1+s28+$0x0], $0xffff;
	_ =	sdelay $0x2  }
0x24f: {  	v62, _, _ =	vpop (xrf2)  }
0x250: {  	v2 =	vbroadcast v62, $0xF  }
0x251: {  	vm14 =	vcmask $0x2320;
	v0 =	vadd.f32 v0, v1  }
0x252: {  	vm15 =	vmmov $0xff;
	v63 =	vnsel vm14, $0x0, v2  }
0x253: {  	s3 =	sadd.s32 $0x800, s3;
	s29 =	sshll.u32 s2, $0x4;
	v0 =	vsel vm15, v0, v63  }
0x254: {  	s30 =	simm.s32 $0xE80;
	s5 =	sadd.s32 s3, s29;
	s31 =	simm.s32 $0x2;
	[tilespmem:$0xE80] =	vst v0  }
0x255: {  	[hbm4b:s5+s4] =	stream.linear.scatter [tilespmem:s30], [sflag:$0x2], $0x80, $0x38;
	[tilespmem:$0x1700] =	vst v63  }
0x256: {  	_ =	swait.ge [sflag:s31], $0x80  }
0x257: {  	[sflag:s31] =	ssyncset.done $0x0  }
0x258: {  	[sflag:s31] =	ssyncadd.s32 $0xFFFFFF80  }
0x259: {  	[bflag:$0x0] =	sbarrier.arrive $0xFFFF  }
0x25a: {  	p0 =	sne.s32 s2, $0x0;
	[bflag:$0x0] =	sbarrier.arrive $0xFFFF  }
0x25b: {  	_ =	sfence.sel @p0 $0x180000  }
0x25c: {  	[bflag:$0x0] =	sbarrier.arrive @p0 $0xFFFF  }
0x25d: {  	_ =	strace @p0 $0x90000047  }
0x25e: {  	s2 =	simm.s32 @!p0 $0x0;
	s4 =	simm.s32 @!p0 $0xF00;
	[bflag:$0x2] =	sbarrier.arrive @p0 $0xFFFF  }
0x25f: {  	[tilespmem:s4], [sflag:$0x1] =	stream.linear.gather @!p0 [hbm4b:s3+s2], $0x800, $0x38;
	[tilespmem:$0x1700] =	vst v63  }
0x260: {  	s3 =	simm.s32 @!p0 $0x1  }
0x261: {  	_ =	swait.ge @!p0 [sflag:s3], $0x800  }
0x262: {  	[sflag:s3] =	ssyncset.done @!p0 $0x0  }
0x263: {  	[sflag:s3] =	ssyncadd.s32 @!p0 $0xFFFFF800  }
0x264: {  	v0 =	vld @!p0 [tilespmem:$0xF00];
	_ =	sdelay $0x1  }
0x265: {  	v1 =	vld @!p0 [tilespmem:$0xF80];
	_ =	sdelay $0x1  }
0x266: {  	v2 =	vld @!p0 [tilespmem:$0x1000]  }
0x267: {  	v0 =	vadd.f32 @!p0 $0.0e+00, v0  }
0x268: {  	v3 =	vld @!p0 [tilespmem:$0x1080]  }
0x269: {  	v0 =	vadd.f32 @!p0 v1, v0  }
0x26a: {  	v1 =	vld @!p0 [tilespmem:$0x1100]  }
0x26b: {  	v0 =	vadd.f32 @!p0 v2, v0  }
0x26c: {  	v2 =	vld @!p0 [tilespmem:$0x1180]  }
0x26d: {  	v0 =	vadd.f32 @!p0 v3, v0  }
0x26e: {  	v3 =	vld @!p0 [tilespmem:$0x1200]  }
0x26f: {  	v0 =	vadd.f32 @!p0 v1, v0  }
0x270: {  	v1 =	vld @!p0 [tilespmem:$0x1280]  }
0x271: {  	v0 =	vadd.f32 @!p0 v2, v0  }
0x272: {  	v2 =	vld @!p0 [tilespmem:$0x1300]  }
0x273: {  	v0 =	vadd.f32 @!p0 v3, v0  }
0x274: {  	v3 =	vld @!p0 [tilespmem:$0x1380]  }
0x275: {  	v0 =	vadd.f32 @!p0 v1, v0  }
0x276: {  	v1 =	vld @!p0 [tilespmem:$0x1400]  }
0x277: {  	v0 =	vadd.f32 @!p0 v2, v0  }
0x278: {  	v2 =	vld @!p0 [tilespmem:$0x1480]  }
0x279: {  	v0 =	vadd.f32 @!p0 v3, v0  }
0x27a: {  	v3 =	vld @!p0 [tilespmem:$0x1500]  }
0x27b: {  	v0 =	vadd.f32 @!p0 v1, v0  }
0x27c: {  	v1 =	vld @!p0 [tilespmem:$0x1580]  }
0x27d: {  	v0 =	vadd.f32 @!p0 v2, v0  }
0x27e: {  	v2 =	vld @!p0 [tilespmem:$0x1600]  }
0x27f: {  	v0 =	vadd.f32 @!p0 v3, v0  }
0x280: {  	v3 =	vld @!p0 [tilespmem:$0x1680]  }
0x281: {  	v0 =	vadd.f32 @!p0 v1, v0;
	_ =	sdelay $0x1  }
0x282: {  	v1 =	vimm.s32 @!p0 $0x8;
	v0 =	vadd.f32 @!p0 v2, v0;
	_ =	sdelay $0x1  }
0x283: {  	v0 =	vadd.f32 @!p0 v3, v0;
	_ =	sdelay $0x1  }
0x284: {  	s3 =	simm.s32 @!p0 $0xE00;
	[tilespmem:$0xE00] =	vst @!p0 v0  }
0x285: {  	v1 =	vld.idx.msk @!p0 [tilespmem:v1+s3+$0x0], $0xffff;
	_ =	sdelay $0x4  }
0x286: {  	v1 =	vmax.f32 @!p0 v1, $1.000000000e+00  }
0x287: {  	(erf) = vrcp.f32 @!p0 v1;
	_ =	sdelay $0x8  }
0x288: {  	v1 =	vpop @!p0 (erf)  }
0x289: {  	v0 =	vmul.f32 @!p0 v1, v0;
	_ =	sdelay $0x1  }
0x28a: {  	s3 =	simm.s32 @!p0 $0xE80;
	[tilespmem:$0xE80] =	vst @!p0 v0  }
0x28b: {  	[hbm4b:s1+s2] =	stream.linear.scatter @!p0 [tilespmem:s3], [sflag:$0x2], $0x8, $0x38;
	[tilespmem:$0x1700] =	vst v63  }
0x28c: {  	s1 =	simm.s32 @!p0 $0x2  }
0x28d: {  	_ =	swait.ge @!p0 [sflag:s1], $0x8  }
0x28e: {  	[sflag:s1] =	ssyncset.done @!p0 $0x0  }
0x28f: {  	[sflag:s1] =	ssyncadd.s32 @!p0 $0xFFFFFFF8  }
0x290: {  	_ =	sfence.sel @!p0 $0x180000  }
0x291: {  	[bflag:$0x0] =	sbarrier.arrive @!p0 $0xFFFF  }
0x292: {  	_ =	strace @!p0 $0x90000047  }
0x293: {  	s0 =	sadd.s32 @!p0 $0x100000, s0;
	[bflag:$0x2] =	sbarrier.arrive @!p0 $0xFFFF  }
0x294: {  	[sflag:s0] =	ssyncadd.tile.s32 @!p0 $0x1;
	_ =	shalt  }
.Lfunc_end2:
_tile_overlayer_lowered:
.L_overlay_start_2:
0x295: {  	(tag) =	ssettag $0x2  }
0x296: {  	s0 =	rddreg [dreg:$0x0];
	s2 =	stileid.u32  }
0x297: {  	s1 =	rddreg [dreg:$0x1];
	p0 =	sne.s32 s2, $0x0  }
0x298: {  	s3 =	rddreg [dreg:$0x2];
	[bflag:$0x3] =	sbarrier.arrive $0xFFFF;
	s2 =	simm.s32 @!p0 $0x1C02  }
0x299: {  	[timem:s3], [sflag:s2] =	dma.local @!p0 [hbm:s0], s1  }
0x29a: {  	s0 =	simm.s32 @!p0 $0x2  }
0x29b: {  	_ =	swait.ge @!p0 [sflag:s0], s1  }
0x29c: {  	s1 =	ssub.s32 @!p0 $0x0, s1;
	[sflag:s0] =	ssyncset.done @!p0 $0x0  }
0x29d: {  	[sflag:s0] =	ssyncadd.s32 @!p0 s1  }
0x29e: {  	[bflag:$0x3] =	sbarrier.arrive $0xFFFF  }
0x29f: {  	_ =	shalt  }

</sc_bundles>
